<compile_context>
chip_gen: v7x
topology: tpu7x:2x2x1
jax: 0.10.2.dev20260603
libtpu: 0.0.44.dev20260713+nightly
codegen_flags: <defaults>
</compile_context>

<pallas_src>
import jax
import jax.numpy as jnp
from jax import lax
from jax.experimental import pallas as pl
from jax.experimental.pallas import tpu as pltpu
from jax.experimental.pallas import tpu_sc as plsc
import functools

N_NODES_K = 10000
N_EDGES_K = 160000
D_K = 256
H_K = D_K // 2
B_K = 128
NBLK = N_EDGES_K // B_K
NSUB = 16
L = 16
ITERS_PER_SUB = (NBLK + NSUB - 1) // NSUB
ROWS_PER_SUB = 624

_mesh = plsc.VectorSubcoreMesh(core_axis_name="c", subcore_axis_name="s")


@functools.partial(
    pl.kernel,
    out_type=jax.ShapeDtypeStruct((2, N_NODES_K, H_K), jnp.float32),
    mesh=_mesh,
    scratch_types=[
        pltpu.VMEM((B_K,), jnp.int32),
        pltpu.VMEM((B_K,), jnp.int32),
        pltpu.VMEM((B_K,), jnp.float32),
        pltpu.VMEM((B_K, H_K), jnp.float32),
        pltpu.VMEM_SHARED((N_NODES_K, H_K), jnp.float32),
        pltpu.SemaphoreType.DMA,
        pltpu.SemaphoreType.DMA,
    ],
)
def _spmm_sc(row_h, col_h, val_h, oa_h, ob_h, out_h,
             colb, rowb, valb, msg, acc, sem_g, sem_i):
    c = lax.axis_index("c")
    s = lax.axis_index("s")
    zeros16 = jnp.zeros((L,), jnp.float32)

    @pl.loop(0, B_K)
    def _(r):
        for j in range(H_K // L):
            msg[r, pl.ds(j * L, L)] = zeros16

    r0 = s * ROWS_PER_SUB
    for kk in range(4):
        pltpu.sync_copy(msg, acc.at[pl.ds(r0 + kk * B_K, B_K), :])

    @pl.when(s < NSUB - 1)
    def _():
        pltpu.sync_copy(msg.at[pl.ds(0, 112), :],
                        acc.at[pl.ds(r0 + 4 * B_K, 112), :])

    @pl.when(s == NSUB - 1)
    def _():
        pltpu.sync_copy(msg, acc.at[pl.ds(r0 + 4 * B_K, B_K), :])

    plsc.subcore_barrier()

    @pl.loop(0, ITERS_PER_SUB)
    def _(k):
        b = s + k * NSUB

        @pl.when(b < NBLK)
        def _():
            base = b * B_K
            d1 = pltpu.async_copy(col_h.at[pl.ds(base, B_K)], colb, sem_i)
            d2 = pltpu.async_copy(row_h.at[pl.ds(base, B_K)], rowb, sem_i)
            d3 = pltpu.async_copy(val_h.at[pl.ds(base, B_K)], valb, sem_i)
            d1.wait()
            d2.wait()
            d3.wait()

            @pl.when(c == 0)
            def _():
                pltpu.async_copy(oa_h.at[colb], msg, sem_g).wait()

            @pl.when(c == 1)
            def _():
                pltpu.async_copy(ob_h.at[colb], msg, sem_g).wait()

            @pl.loop(0, B_K // L)
            def _(g):
                vals16 = valb[pl.ds(g * L, L)]
                for i in range(L):
                    vspl = jnp.take_along_axis(
                        vals16, jnp.full((L,), i, jnp.int32), axis=0)
                    e = g * L + i
                    for j in range(H_K // L):
                        sl = pl.ds(j * L, L)
                        msg[e, sl] = msg[e, sl] * vspl

            pltpu.sync_copy(msg, acc.at[rowb], add=True)

    plsc.subcore_barrier()

    for kk in range(4):
        pltpu.sync_copy(acc.at[pl.ds(r0 + kk * B_K, B_K), :],
                        out_h.at[c, pl.ds(r0 + kk * B_K, B_K), :])

    @pl.when(s < NSUB - 1)
    def _():
        pltpu.sync_copy(acc.at[pl.ds(r0 + 4 * B_K, 112), :],
                        out_h.at[c, pl.ds(r0 + 4 * B_K, 112), :])

    @pl.when(s == NSUB - 1)
    def _():
        pltpu.sync_copy(acc.at[pl.ds(r0 + 4 * B_K, B_K), :],
                        out_h.at[c, pl.ds(r0 + 4 * B_K, B_K), :])


def kernel(row, col, value, other):
    oa = other[:, :H_K]
    ob = other[:, H_K:]
    out2 = _spmm_sc(row, col, value, oa, ob)
    return out2.transpose(1, 0, 2).reshape(N_NODES_K, D_K)

# --- scband reference (transcript-rebuilt; emitter-appended) ---
"""Pipeline reference for scband-qmatmul-8246337208551 (READ-ONLY COPY).

The authoritative reference and input builder live on the scoring server;
editing this copy changes nothing except your own understanding.
"""

import jax, jax.numpy as jnp
import numpy as np

N_NODES = 10000
N_EDGES = 160000
D_FEAT = 256


def setup_inputs(seed: int = 0) -> dict:
    key = jax.random.key(seed)
    k1, k2, k3, k4 = jax.random.split(key, 4)
    # CSR-equivalent COO representation: row is sorted (as produced by csr expansion)
    row = jnp.sort(jax.random.randint(k1, (N_EDGES,), 0, N_NODES, dtype=jnp.int32))
    col = jax.random.randint(k2, (N_EDGES,), 0, N_NODES, dtype=jnp.int32)
    value = jax.random.normal(k3, (N_EDGES,), dtype=jnp.float32)
    other = jax.random.normal(k4, (N_NODES, D_FEAT), dtype=jnp.float32)
    return {"row": row, "col": col, "value": value, "other": other}


def reference(row, col, value, other):
    # QMatmul(reduce='sum'): quantized SpMM-sum, math-equivalent to
    # out[i] = sum_{e: row[e]==i} value[e] * other[col[e], :]
    # gather (SparseCore-friendly) -> per-edge scale -> scatter-add via segment_sum
    gathered = jnp.take(other, col, axis=0)           # [E, D] gather
    msg = value[:, None] * gathered                    # [E, D] edge-weighted messages
    out = jax.ops.segment_sum(msg, row, num_segments=N_NODES)  # scatter-add reduce
    return out

if __name__ == "__main__":
    import jax
    _d = setup_inputs()
    print(jax.jit(kernel)(*tuple(_d.values())))

</pallas_src>

<mosaic_0001>
#map = affine_map<(d0, d1) -> (0)>
#map1 = affine_map<(d0, d1) -> (0, 0)>
#map2 = affine_map<(d0, d1) -> (0, 0, 0)>
module attributes {stable_mosaic.version = 14 : i64} {
  func.func @_spmm_sc(%arg0: i32, %arg1: i32, %arg2: memref<160000xi32, #tpu.memory_space<hbm>>, %arg3: memref<160000xi32, #tpu.memory_space<hbm>>, %arg4: memref<160000xf32, #tpu.memory_space<hbm>>, %arg5: memref<10000x128xf32, #tpu.memory_space<hbm>>, %arg6: memref<10000x128xf32, #tpu.memory_space<hbm>>, %arg7: memref<2x10000x128xf32, #tpu.memory_space<hbm>>, %arg8: memref<128xi32, #tpu.memory_space<vmem>>, %arg9: memref<128xi32, #tpu.memory_space<vmem>>, %arg10: memref<128xf32, #tpu.memory_space<vmem>>, %arg11: memref<128x128xf32, #tpu.memory_space<vmem>>, %arg12: memref<10000x128xf32, #tpu.memory_space<vmem_shared>>, %arg13: memref<!tpu.dma_semaphore, #tpu.memory_space<semaphore_mem>>, %arg14: memref<!tpu.dma_semaphore, #tpu.memory_space<semaphore_mem>>) attributes {dimension_semantics = [#tpu.dimension_semantics<core_parallel>, #tpu.dimension_semantics<subcore_parallel>], iteration_bounds = array<i64: 2, 16>, scalar_prefetch = 0 : i64, scratch_operands = 7 : i64, tpu.core_type = #tpu.core_type<sc_vector_subcore>, window_params = [{transform_indices = #map}, {transform_indices = #map}, {transform_indices = #map}, {transform_indices = #map1}, {transform_indices = #map1}, {transform_indices = #map2}]} {
    %broadcast_in_dim3A = arith.constant 0.000000e+00 : f32
    %broadcast_in_dim3A_0 = vector.broadcast %broadcast_in_dim3A : f32 to vector<16xf32>
    %scan3A = arith.constant 0 : i32
    %scan3A_1 = arith.constant 128 : i32
    %scan3A_2 = arith.addi %scan3A, %scan3A_1 : i32
    %scan3A_3 = arith.constant 1 : i32
    scf.for %scan3A_51 = %scan3A to %scan3A_2 step %scan3A_3  : i32 {
      %mul3A_52 = arith.constant 1 : i32
      %mul3A_53 = arith.muli %scan3A_51, %mul3A_52 : i32
      %add3A_54 = arith.constant 0 : i32
      %add3A_55 = arith.addi %add3A_54, %mul3A_53 : i32
      %swap3A = arith.index_cast %add3A_55 : i32 to index
      %swap3A_56 = arith.constant 0 : index
      %swap3A_57 = tpu.vector_load %arg11[%swap3A, %swap3A_56] {strides = array<i32>} : memref<128x128xf32, #tpu.memory_space<vmem>>, vector<1x16xf32>,
      %swap3A_58 = vector.shape_cast %swap3A_57 : vector<1x16xf32> to vector<16xf32>
      %swap3A_59 = vector.shape_cast %broadcast_in_dim3A_0 : vector<16xf32> to vector<1x16xf32>
      tpu.vector_store %arg11[%swap3A, %swap3A_56], %swap3A_59 {strides = array<i32>} : memref<128x128xf32, #tpu.memory_space<vmem>>, vector<1x16xf32>,
      %swap3A_60 = arith.index_cast %add3A_55 : i32 to index
      %swap3A_61 = arith.constant 16 : index
      %swap3A_62 = tpu.vector_load %arg11[%swap3A_60, %swap3A_61] {strides = array<i32>} : memref<128x128xf32, #tpu.memory_space<vmem>>, vector<1x16xf32>,
      %swap3A_63 = vector.shape_cast %swap3A_62 : vector<1x16xf32> to vector<16xf32>
      %swap3A_64 = vector.shape_cast %broadcast_in_dim3A_0 : vector<16xf32> to vector<1x16xf32>
      tpu.vector_store %arg11[%swap3A_60, %swap3A_61], %swap3A_64 {strides = array<i32>} : memref<128x128xf32, #tpu.memory_space<vmem>>, vector<1x16xf32>,
      %swap3A_65 = arith.index_cast %add3A_55 : i32 to index
      %swap3A_66 = arith.constant 32 : index
      %swap3A_67 = tpu.vector_load %arg11[%swap3A_65, %swap3A_66] {strides = array<i32>} : memref<128x128xf32, #tpu.memory_space<vmem>>, vector<1x16xf32>,
      %swap3A_68 = vector.shape_cast %swap3A_67 : vector<1x16xf32> to vector<16xf32>
      %swap3A_69 = vector.shape_cast %broadcast_in_dim3A_0 : vector<16xf32> to vector<1x16xf32>
      tpu.vector_store %arg11[%swap3A_65, %swap3A_66], %swap3A_69 {strides = array<i32>} : memref<128x128xf32, #tpu.memory_space<vmem>>, vector<1x16xf32>,
      %swap3A_70 = arith.index_cast %add3A_55 : i32 to index
      %swap3A_71 = arith.constant 48 : index
      %swap3A_72 = tpu.vector_load %arg11[%swap3A_70, %swap3A_71] {strides = array<i32>} : memref<128x128xf32, #tpu.memory_space<vmem>>, vector<1x16xf32>,
      %swap3A_73 = vector.shape_cast %swap3A_72 : vector<1x16xf32> to vector<16xf32>
      %swap3A_74 = vector.shape_cast %broadcast_in_dim3A_0 : vector<16xf32> to vector<1x16xf32>
      tpu.vector_store %arg11[%swap3A_70, %swap3A_71], %swap3A_74 {strides = array<i32>} : memref<128x128xf32, #tpu.memory_space<vmem>>, vector<1x16xf32>,
      %swap3A_75 = arith.index_cast %add3A_55 : i32 to index
      %swap3A_76 = arith.constant 64 : index
      %swap3A_77 = tpu.vector_load %arg11[%swap3A_75, %swap3A_76] {strides = array<i32>} : memref<128x128xf32, #tpu.memory_space<vmem>>, vector<1x16xf32>,
      %swap3A_78 = vector.shape_cast %swap3A_77 : vector<1x16xf32> to vector<16xf32>
      %swap3A_79 = vector.shape_cast %broadcast_in_dim3A_0 : vector<16xf32> to vector<1x16xf32>
      tpu.vector_store %arg11[%swap3A_75, %swap3A_76], %swap3A_79 {strides = array<i32>} : memref<128x128xf32, #tpu.memory_space<vmem>>, vector<1x16xf32>,
      %swap3A_80 = arith.index_cast %add3A_55 : i32 to index
      %swap3A_81 = arith.constant 80 : index
      %swap3A_82 = tpu.vector_load %arg11[%swap3A_80, %swap3A_81] {strides = array<i32>} : memref<128x128xf32, #tpu.memory_space<vmem>>, vector<1x16xf32>,
      %swap3A_83 = vector.shape_cast %swap3A_82 : vector<1x16xf32> to vector<16xf32>
      %swap3A_84 = vector.shape_cast %broadcast_in_dim3A_0 : vector<16xf32> to vector<1x16xf32>
      tpu.vector_store %arg11[%swap3A_80, %swap3A_81], %swap3A_84 {strides = array<i32>} : memref<128x128xf32, #tpu.memory_space<vmem>>, vector<1x16xf32>,
      %swap3A_85 = arith.index_cast %add3A_55 : i32 to index
      %swap3A_86 = arith.constant 96 : index
      %swap3A_87 = tpu.vector_load %arg11[%swap3A_85, %swap3A_86] {strides = array<i32>} : memref<128x128xf32, #tpu.memory_space<vmem>>, vector<1x16xf32>,
      %swap3A_88 = vector.shape_cast %swap3A_87 : vector<1x16xf32> to vector<16xf32>
      %swap3A_89 = vector.shape_cast %broadcast_in_dim3A_0 : vector<16xf32> to vector<1x16xf32>
      tpu.vector_store %arg11[%swap3A_85, %swap3A_86], %swap3A_89 {strides = array<i32>} : memref<128x128xf32, #tpu.memory_space<vmem>>, vector<1x16xf32>,
      %swap3A_90 = arith.index_cast %add3A_55 : i32 to index
      %swap3A_91 = arith.constant 112 : index
      %swap3A_92 = tpu.vector_load %arg11[%swap3A_90, %swap3A_91] {strides = array<i32>} : memref<128x128xf32, #tpu.memory_space<vmem>>, vector<1x16xf32>,
      %swap3A_93 = vector.shape_cast %swap3A_92 : vector<1x16xf32> to vector<16xf32>
      %swap3A_94 = vector.shape_cast %broadcast_in_dim3A_0 : vector<16xf32> to vector<1x16xf32>
      tpu.vector_store %arg11[%swap3A_90, %swap3A_91], %swap3A_94 {strides = array<i32>} : memref<128x128xf32, #tpu.memory_space<vmem>>, vector<1x16xf32>,
    }
    %scan3A_4 = arith.constant 128 : i32
    %mul3A = arith.constant 624 : i32
    %mul3A_5 = arith.muli %arg1, %mul3A : i32
    %add3A = arith.constant 0 : i32
    %add3A_6 = arith.addi %mul3A_5, %add3A : i32
    "tpu.region"() ({
      %run_scoped3A = tpu.sem_alloc : memref<!tpu.dma_semaphore, #tpu.memory_space<semaphore_mem>>
      %dma_start3A = arith.constant 0 : i32
      %dma_start3A_51 = tpu.memref_slice %arg12[%add3A_6, %dma_start3A] : memref<10000x128xf32, #tpu.memory_space<vmem_shared>> -> memref<128x128xf32, #tpu.memory_space<vmem_shared>>
      %dma_start3A_52 = arith.constant 0 : i32
      %dma_start3A_53 = tpu.memref_slice %arg12[%add3A_6, %dma_start3A_52] : memref<10000x128xf32, #tpu.memory_space<vmem_shared>> -> memref<128x128xf32, #tpu.memory_space<vmem_shared>>
      tpu.enqueue_dma source(%arg11 : memref<128x128xf32, #tpu.memory_space<vmem>>) target(%dma_start3A_53 : memref<128x128xf32, #tpu.memory_space<vmem_shared>>) target_semaphore(%run_scoped3A : memref<!tpu.dma_semaphore, #tpu.memory_space<semaphore_mem>>)
      %dma_wait3A = arith.constant 0 : i32
      %dma_wait3A_54 = tpu.memref_slice %arg12[%add3A_6, %dma_wait3A] : memref<10000x128xf32, #tpu.memory_space<vmem_shared>> -> memref<128x128xf32, #tpu.memory_space<vmem_shared>>
      %dma_wait3A_55 = arith.constant 0 : i32
      %dma_wait3A_56 = tpu.memref_slice %arg12[%add3A_6, %dma_wait3A_55] : memref<10000x128xf32, #tpu.memory_space<vmem_shared>> -> memref<128x128xf32, #tpu.memory_space<vmem_shared>>
      tpu.wait_dma2 semaphore(%run_scoped3A : memref<!tpu.dma_semaphore, #tpu.memory_space<semaphore_mem>>) src(%arg11 : memref<128x128xf32, #tpu.memory_space<vmem>>) dst(%dma_wait3A_56 : memref<128x128xf32, #tpu.memory_space<vmem_shared>>)
      tpu.yield
    }) : () -> ()
    %add3A_7 = arith.constant 128 : i32
    %add3A_8 = arith.addi %mul3A_5, %add3A_7 : i32
    "tpu.region"() ({
      %run_scoped3A = tpu.sem_alloc : memref<!tpu.dma_semaphore, #tpu.memory_space<semaphore_mem>>
      %dma_start3A = arith.constant 0 : i32
      %dma_start3A_51 = tpu.memref_slice %arg12[%add3A_8, %dma_start3A] : memref<10000x128xf32, #tpu.memory_space<vmem_shared>> -> memref<128x128xf32, #tpu.memory_space<vmem_shared>>
      %dma_start3A_52 = arith.constant 0 : i32
      %dma_start3A_53 = tpu.memref_slice %arg12[%add3A_8, %dma_start3A_52] : memref<10000x128xf32, #tpu.memory_space<vmem_shared>> -> memref<128x128xf32, #tpu.memory_space<vmem_shared>>
      tpu.enqueue_dma source(%arg11 : memref<128x128xf32, #tpu.memory_space<vmem>>) target(%dma_start3A_53 : memref<128x128xf32, #tpu.memory_space<vmem_shared>>) target_semaphore(%run_scoped3A : memref<!tpu.dma_semaphore, #tpu.memory_space<semaphore_mem>>)
      %dma_wait3A = arith.constant 0 : i32
      %dma_wait3A_54 = tpu.memref_slice %arg12[%add3A_8, %dma_wait3A] : memref<10000x128xf32, #tpu.memory_space<vmem_shared>> -> memref<128x128xf32, #tpu.memory_space<vmem_shared>>
      %dma_wait3A_55 = arith.constant 0 : i32
      %dma_wait3A_56 = tpu.memref_slice %arg12[%add3A_8, %dma_wait3A_55] : memref<10000x128xf32, #tpu.memory_space<vmem_shared>> -> memref<128x128xf32, #tpu.memory_space<vmem_shared>>
      tpu.wait_dma2 semaphore(%run_scoped3A : memref<!tpu.dma_semaphore, #tpu.memory_space<semaphore_mem>>) src(%arg11 : memref<128x128xf32, #tpu.memory_space<vmem>>) dst(%dma_wait3A_56 : memref<128x128xf32, #tpu.memory_space<vmem_shared>>)
      tpu.yield
    }) : () -> ()
    %add3A_9 = arith.constant 256 : i32
    %add3A_10 = arith.addi %mul3A_5, %add3A_9 : i32
    "tpu.region"() ({
      %run_scoped3A = tpu.sem_alloc : memref<!tpu.dma_semaphore, #tpu.memory_space<semaphore_mem>>
      %dma_start3A = arith.constant 0 : i32
      %dma_start3A_51 = tpu.memref_slice %arg12[%add3A_10, %dma_start3A] : memref<10000x128xf32, #tpu.memory_space<vmem_shared>> -> memref<128x128xf32, #tpu.memory_space<vmem_shared>>
      %dma_start3A_52 = arith.constant 0 : i32
      %dma_start3A_53 = tpu.memref_slice %arg12[%add3A_10, %dma_start3A_52] : memref<10000x128xf32, #tpu.memory_space<vmem_shared>> -> memref<128x128xf32, #tpu.memory_space<vmem_shared>>
      tpu.enqueue_dma source(%arg11 : memref<128x128xf32, #tpu.memory_space<vmem>>) target(%dma_start3A_53 : memref<128x128xf32, #tpu.memory_space<vmem_shared>>) target_semaphore(%run_scoped3A : memref<!tpu.dma_semaphore, #tpu.memory_space<semaphore_mem>>)
      %dma_wait3A = arith.constant 0 : i32
      %dma_wait3A_54 = tpu.memref_slice %arg12[%add3A_10, %dma_wait3A] : memref<10000x128xf32, #tpu.memory_space<vmem_shared>> -> memref<128x128xf32, #tpu.memory_space<vmem_shared>>
      %dma_wait3A_55 = arith.constant 0 : i32
      %dma_wait3A_56 = tpu.memref_slice %arg12[%add3A_10, %dma_wait3A_55] : memref<10000x128xf32, #tpu.memory_space<vmem_shared>> -> memref<128x128xf32, #tpu.memory_space<vmem_shared>>
      tpu.wait_dma2 semaphore(%run_scoped3A : memref<!tpu.dma_semaphore, #tpu.memory_space<semaphore_mem>>) src(%arg11 : memref<128x128xf32, #tpu.memory_space<vmem>>) dst(%dma_wait3A_56 : memref<128x128xf32, #tpu.memory_space<vmem_shared>>)
      tpu.yield
    }) : () -> ()
    %add3A_11 = arith.constant 384 : i32
    %add3A_12 = arith.addi %mul3A_5, %add3A_11 : i32
    "tpu.region"() ({
      %run_scoped3A = tpu.sem_alloc : memref<!tpu.dma_semaphore, #tpu.memory_space<semaphore_mem>>
      %dma_start3A = arith.constant 0 : i32
      %dma_start3A_51 = tpu.memref_slice %arg12[%add3A_12, %dma_start3A] : memref<10000x128xf32, #tpu.memory_space<vmem_shared>> -> memref<128x128xf32, #tpu.memory_space<vmem_shared>>
      %dma_start3A_52 = arith.constant 0 : i32
      %dma_start3A_53 = tpu.memref_slice %arg12[%add3A_12, %dma_start3A_52] : memref<10000x128xf32, #tpu.memory_space<vmem_shared>> -> memref<128x128xf32, #tpu.memory_space<vmem_shared>>
      tpu.enqueue_dma source(%arg11 : memref<128x128xf32, #tpu.memory_space<vmem>>) target(%dma_start3A_53 : memref<128x128xf32, #tpu.memory_space<vmem_shared>>) target_semaphore(%run_scoped3A : memref<!tpu.dma_semaphore, #tpu.memory_space<semaphore_mem>>)
      %dma_wait3A = arith.constant 0 : i32
      %dma_wait3A_54 = tpu.memref_slice %arg12[%add3A_12, %dma_wait3A] : memref<10000x128xf32, #tpu.memory_space<vmem_shared>> -> memref<128x128xf32, #tpu.memory_space<vmem_shared>>
      %dma_wait3A_55 = arith.constant 0 : i32
      %dma_wait3A_56 = tpu.memref_slice %arg12[%add3A_12, %dma_wait3A_55] : memref<10000x128xf32, #tpu.memory_space<vmem_shared>> -> memref<128x128xf32, #tpu.memory_space<vmem_shared>>
      tpu.wait_dma2 semaphore(%run_scoped3A : memref<!tpu.dma_semaphore, #tpu.memory_space<semaphore_mem>>) src(%arg11 : memref<128x128xf32, #tpu.memory_space<vmem>>) dst(%dma_wait3A_56 : memref<128x128xf32, #tpu.memory_space<vmem_shared>>)
      tpu.yield
    }) : () -> ()
    %lt3A = arith.constant 15 : i32
    %lt3A_13 = arith.cmpi slt, %arg1, %lt3A : i32
    %convert_element_type3A = arith.extui %lt3A_13 : i1 to i32
    %cond3A = arith.constant 0 : i32
    %cond3A_14 = arith.cmpi ne, %convert_element_type3A, %cond3A : i32
    scf.if %cond3A_14 {
      %add3A_51 = arith.constant 512 : i32
      %add3A_52 = arith.addi %mul3A_5, %add3A_51 : i32
      "tpu.region"() ({
        %run_scoped3A = tpu.sem_alloc : memref<!tpu.dma_semaphore, #tpu.memory_space<semaphore_mem>>
        %dma_start3A = arith.constant 0 : i32
        %dma_start3A_53 = arith.constant 0 : i32
        %dma_start3A_54 = tpu.memref_slice %arg11[%dma_start3A, %dma_start3A_53] : memref<128x128xf32, #tpu.memory_space<vmem>> -> memref<112x128xf32, #tpu.memory_space<vmem>>
        %dma_start3A_55 = arith.constant 0 : i32
        %dma_start3A_56 = tpu.memref_slice %arg12[%add3A_52, %dma_start3A_55] : memref<10000x128xf32, #tpu.memory_space<vmem_shared>> -> memref<112x128xf32, #tpu.memory_space<vmem_shared>>
        %dma_start3A_57 = arith.constant 0 : i32
        %dma_start3A_58 = tpu.memref_slice %arg12[%add3A_52, %dma_start3A_57] : memref<10000x128xf32, #tpu.memory_space<vmem_shared>> -> memref<112x128xf32, #tpu.memory_space<vmem_shared>>
        %dma_start3A_59 = arith.constant 0 : i32
        %dma_start3A_60 = arith.constant 0 : i32
        %dma_start3A_61 = tpu.memref_slice %arg11[%dma_start3A_59, %dma_start3A_60] : memref<128x128xf32, #tpu.memory_space<vmem>> -> memref<112x128xf32, #tpu.memory_space<vmem>>
        tpu.enqueue_dma source(%dma_start3A_61 : memref<112x128xf32, #tpu.memory_space<vmem>>) target(%dma_start3A_58 : memref<112x128xf32, #tpu.memory_space<vmem_shared>>) target_semaphore(%run_scoped3A : memref<!tpu.dma_semaphore, #tpu.memory_space<semaphore_mem>>)
        %dma_wait3A = arith.constant 0 : i32
        %dma_wait3A_62 = arith.constant 0 : i32
        %dma_wait3A_63 = tpu.memref_slice %arg11[%dma_wait3A, %dma_wait3A_62] : memref<128x128xf32, #tpu.memory_space<vmem>> -> memref<112x128xf32, #tpu.memory_space<vmem>>
        %dma_wait3A_64 = arith.constant 0 : i32
        %dma_wait3A_65 = tpu.memref_slice %arg12[%add3A_52, %dma_wait3A_64] : memref<10000x128xf32, #tpu.memory_space<vmem_shared>> -> memref<112x128xf32, #tpu.memory_space<vmem_shared>>
        %dma_wait3A_66 = arith.constant 0 : i32
        %dma_wait3A_67 = tpu.memref_slice %arg12[%add3A_52, %dma_wait3A_66] : memref<10000x128xf32, #tpu.memory_space<vmem_shared>> -> memref<112x128xf32, #tpu.memory_space<vmem_shared>>
        %dma_wait3A_68 = arith.constant 0 : i32
        %dma_wait3A_69 = arith.constant 0 : i32
        %dma_wait3A_70 = tpu.memref_slice %arg11[%dma_wait3A_68, %dma_wait3A_69] : memref<128x128xf32, #tpu.memory_space<vmem>> -> memref<112x128xf32, #tpu.memory_space<vmem>>
        tpu.wait_dma2 semaphore(%run_scoped3A : memref<!tpu.dma_semaphore, #tpu.memory_space<semaphore_mem>>) src(%dma_wait3A_70 : memref<112x128xf32, #tpu.memory_space<vmem>>) dst(%dma_wait3A_67 : memref<112x128xf32, #tpu.memory_space<vmem_shared>>)
        tpu.yield
      }) : () -> ()
    } else {
    }
    %eq3A = arith.constant 15 : i32
    %eq3A_15 = arith.cmpi eq, %arg1, %eq3A : i32
    %convert_element_type3A_16 = arith.extui %eq3A_15 : i1 to i32
    %cond3A_17 = arith.constant 0 : i32
    %cond3A_18 = arith.cmpi ne, %convert_element_type3A_16, %cond3A_17 : i32
    scf.if %cond3A_18 {
      %add3A_51 = arith.constant 512 : i32
      %add3A_52 = arith.addi %mul3A_5, %add3A_51 : i32
      "tpu.region"() ({
        %run_scoped3A = tpu.sem_alloc : memref<!tpu.dma_semaphore, #tpu.memory_space<semaphore_mem>>
        %dma_start3A = arith.constant 0 : i32
        %dma_start3A_53 = tpu.memref_slice %arg12[%add3A_52, %dma_start3A] : memref<10000x128xf32, #tpu.memory_space<vmem_shared>> -> memref<128x128xf32, #tpu.memory_space<vmem_shared>>
        %dma_start3A_54 = arith.constant 0 : i32
        %dma_start3A_55 = tpu.memref_slice %arg12[%add3A_52, %dma_start3A_54] : memref<10000x128xf32, #tpu.memory_space<vmem_shared>> -> memref<128x128xf32, #tpu.memory_space<vmem_shared>>
        tpu.enqueue_dma source(%arg11 : memref<128x128xf32, #tpu.memory_space<vmem>>) target(%dma_start3A_55 : memref<128x128xf32, #tpu.memory_space<vmem_shared>>) target_semaphore(%run_scoped3A : memref<!tpu.dma_semaphore, #tpu.memory_space<semaphore_mem>>)
        %dma_wait3A = arith.constant 0 : i32
        %dma_wait3A_56 = tpu.memref_slice %arg12[%add3A_52, %dma_wait3A] : memref<10000x128xf32, #tpu.memory_space<vmem_shared>> -> memref<128x128xf32, #tpu.memory_space<vmem_shared>>
        %dma_wait3A_57 = arith.constant 0 : i32
        %dma_wait3A_58 = tpu.memref_slice %arg12[%add3A_52, %dma_wait3A_57] : memref<10000x128xf32, #tpu.memory_space<vmem_shared>> -> memref<128x128xf32, #tpu.memory_space<vmem_shared>>
        tpu.wait_dma2 semaphore(%run_scoped3A : memref<!tpu.dma_semaphore, #tpu.memory_space<semaphore_mem>>) src(%arg11 : memref<128x128xf32, #tpu.memory_space<vmem>>) dst(%dma_wait3A_58 : memref<128x128xf32, #tpu.memory_space<vmem_shared>>)
        tpu.yield
      }) : () -> ()
    } else {
    }
    %barrier3A = arith.constant 0 : index
    tpu.barrier barrier_id(%barrier3A)
    %scan3A_19 = arith.constant 0 : i32
    %scan3A_20 = arith.constant 79 : i32
    %scan3A_21 = arith.addi %scan3A_19, %scan3A_20 : i32
    %scan3A_22 = arith.constant 1 : i32
    scf.for %scan3A_51 = %scan3A_19 to %scan3A_21 step %scan3A_22  : i32 {
      %mul3A_52 = arith.constant 1 : i32
      %mul3A_53 = arith.muli %scan3A_51, %mul3A_52 : i32
      %add3A_54 = arith.constant 0 : i32
      %add3A_55 = arith.addi %add3A_54, %mul3A_53 : i32
      %mul3A_56 = arith.constant 16 : i32
      %mul3A_57 = arith.muli %add3A_55, %mul3A_56 : i32
      %add3A_58 = arith.addi %arg1, %mul3A_57 : i32
      %lt3A_59 = arith.constant 1250 : i32
      %lt3A_60 = arith.cmpi slt, %add3A_58, %lt3A_59 : i32
      %convert_element_type3A_61 = arith.extui %lt3A_60 : i1 to i32
      %cond3A_62 = arith.constant 0 : i32
      %cond3A_63 = arith.cmpi ne, %convert_element_type3A_61, %cond3A_62 : i32
      scf.if %cond3A_63 {
        %mul3A_64 = arith.constant 128 : i32
        %mul3A_65 = arith.muli %add3A_58, %mul3A_64 : i32
        %dma_start3A = tpu.memref_slice %arg3[%mul3A_65] : memref<160000xi32, #tpu.memory_space<hbm>> -> memref<128xi32, #tpu.memory_space<hbm>>
        %dma_start3A_66 = tpu.memref_slice %arg3[%mul3A_65] : memref<160000xi32, #tpu.memory_space<hbm>> -> memref<128xi32, #tpu.memory_space<hbm>>
        tpu.enqueue_dma source(%dma_start3A_66 : memref<128xi32, #tpu.memory_space<hbm>>) target(%arg8 : memref<128xi32, #tpu.memory_space<vmem>>) target_semaphore(%arg14 : memref<!tpu.dma_semaphore, #tpu.memory_space<semaphore_mem>>)
        %dma_start3A_67 = tpu.memref_slice %arg2[%mul3A_65] : memref<160000xi32, #tpu.memory_space<hbm>> -> memref<128xi32, #tpu.memory_space<hbm>>
        %dma_start3A_68 = tpu.memref_slice %arg2[%mul3A_65] : memref<160000xi32, #tpu.memory_space<hbm>> -> memref<128xi32, #tpu.memory_space<hbm>>
        tpu.enqueue_dma source(%dma_start3A_68 : memref<128xi32, #tpu.memory_space<hbm>>) target(%arg9 : memref<128xi32, #tpu.memory_space<vmem>>) target_semaphore(%arg14 : memref<!tpu.dma_semaphore, #tpu.memory_space<semaphore_mem>>)
        %dma_start3A_69 = tpu.memref_slice %arg4[%mul3A_65] : memref<160000xf32, #tpu.memory_space<hbm>> -> memref<128xf32, #tpu.memory_space<hbm>>
        %dma_start3A_70 = tpu.memref_slice %arg4[%mul3A_65] : memref<160000xf32, #tpu.memory_space<hbm>> -> memref<128xf32, #tpu.memory_space<hbm>>
        tpu.enqueue_dma source(%dma_start3A_70 : memref<128xf32, #tpu.memory_space<hbm>>) target(%arg10 : memref<128xf32, #tpu.memory_space<vmem>>) target_semaphore(%arg14 : memref<!tpu.dma_semaphore, #tpu.memory_space<semaphore_mem>>)
        %dma_wait3A = tpu.memref_slice %arg3[%mul3A_65] : memref<160000xi32, #tpu.memory_space<hbm>> -> memref<128xi32, #tpu.memory_space<hbm>>
        %dma_wait3A_71 = tpu.memref_slice %arg3[%mul3A_65] : memref<160000xi32, #tpu.memory_space<hbm>> -> memref<128xi32, #tpu.memory_space<hbm>>
        tpu.wait_dma2 semaphore(%arg14 : memref<!tpu.dma_semaphore, #tpu.memory_space<semaphore_mem>>) src(%dma_wait3A_71 : memref<128xi32, #tpu.memory_space<hbm>>) dst(%arg8 : memref<128xi32, #tpu.memory_space<vmem>>)
        %dma_wait3A_72 = tpu.memref_slice %arg2[%mul3A_65] : memref<160000xi32, #tpu.memory_space<hbm>> -> memref<128xi32, #tpu.memory_space<hbm>>
        %dma_wait3A_73 = tpu.memref_slice %arg2[%mul3A_65] : memref<160000xi32, #tpu.memory_space<hbm>> -> memref<128xi32, #tpu.memory_space<hbm>>
        tpu.wait_dma2 semaphore(%arg14 : memref<!tpu.dma_semaphore, #tpu.memory_space<semaphore_mem>>) src(%dma_wait3A_73 : memref<128xi32, #tpu.memory_space<hbm>>) dst(%arg9 : memref<128xi32, #tpu.memory_space<vmem>>)
        %dma_wait3A_74 = tpu.memref_slice %arg4[%mul3A_65] : memref<160000xf32, #tpu.memory_space<hbm>> -> memref<128xf32, #tpu.memory_space<hbm>>
        %dma_wait3A_75 = tpu.memref_slice %arg4[%mul3A_65] : memref<160000xf32, #tpu.memory_space<hbm>> -> memref<128xf32, #tpu.memory_space<hbm>>
        tpu.wait_dma2 semaphore(%arg14 : memref<!tpu.dma_semaphore, #tpu.memory_space<semaphore_mem>>) src(%dma_wait3A_75 : memref<128xf32, #tpu.memory_space<hbm>>) dst(%arg10 : memref<128xf32, #tpu.memory_space<vmem>>)
        %eq3A_76 = arith.constant 0 : i32
        %eq3A_77 = arith.cmpi eq, %arg0, %eq3A_76 : i32
        %convert_element_type3A_78 = arith.extui %eq3A_77 : i1 to i32
        %cond3A_79 = arith.constant 0 : i32
        %cond3A_80 = arith.cmpi ne, %convert_element_type3A_78, %cond3A_79 : i32
        scf.if %cond3A_80 {
          %dma_start3A_91 = arith.constant 0 : i32
          %dma_start3A_92 = arith.constant 0 : i32
          %dma_start3A_93 = tpu.memref_slice %arg5[%dma_start3A_91, %dma_start3A_92] : memref<10000x128xf32, #tpu.memory_space<hbm>> -> memref<10000x128xf32, #tpu.memory_space<hbm>>
          tpu.enqueue_indirect_dma source(%dma_start3A_93 : memref<10000x128xf32, #tpu.memory_space<hbm>>) target(%arg11 : memref<128x128xf32, #tpu.memory_space<vmem>>) offsets(%arg8 : memref<128xi32, #tpu.memory_space<vmem>>) semaphore(%arg13 : memref<!tpu.dma_semaphore, #tpu.memory_space<semaphore_mem>>)
          %dma_wait3A_94 = arith.constant 0 : i32
          %dma_wait3A_95 = arith.constant 0 : i32
          %dma_wait3A_96 = tpu.memref_slice %arg5[%dma_wait3A_94, %dma_wait3A_95] : memref<10000x128xf32, #tpu.memory_space<hbm>> -> memref<10000x128xf32, #tpu.memory_space<hbm>>
          tpu.wait_indirect_dma semaphore(%arg13 : memref<!tpu.dma_semaphore, #tpu.memory_space<semaphore_mem>>) src(%dma_wait3A_96 : memref<10000x128xf32, #tpu.memory_space<hbm>>) dst(%arg11 : memref<128x128xf32, #tpu.memory_space<vmem>>)
        } else {
        }
        %eq3A_81 = arith.constant 1 : i32
        %eq3A_82 = arith.cmpi eq, %arg0, %eq3A_81 : i32
        %convert_element_type3A_83 = arith.extui %eq3A_82 : i1 to i32
        %cond3A_84 = arith.constant 0 : i32
        %cond3A_85 = arith.cmpi ne, %convert_element_type3A_83, %cond3A_84 : i32
        scf.if %cond3A_85 {
          %dma_start3A_91 = arith.constant 0 : i32
          %dma_start3A_92 = arith.constant 0 : i32
          %dma_start3A_93 = tpu.memref_slice %arg6[%dma_start3A_91, %dma_start3A_92] : memref<10000x128xf32, #tpu.memory_space<hbm>> -> memref<10000x128xf32, #tpu.memory_space<hbm>>
          tpu.enqueue_indirect_dma source(%dma_start3A_93 : memref<10000x128xf32, #tpu.memory_space<hbm>>) target(%arg11 : memref<128x128xf32, #tpu.memory_space<vmem>>) offsets(%arg8 : memref<128xi32, #tpu.memory_space<vmem>>) semaphore(%arg13 : memref<!tpu.dma_semaphore, #tpu.memory_space<semaphore_mem>>)
          %dma_wait3A_94 = arith.constant 0 : i32
          %dma_wait3A_95 = arith.constant 0 : i32
          %dma_wait3A_96 = tpu.memref_slice %arg6[%dma_wait3A_94, %dma_wait3A_95] : memref<10000x128xf32, #tpu.memory_space<hbm>> -> memref<10000x128xf32, #tpu.memory_space<hbm>>
          tpu.wait_indirect_dma semaphore(%arg13 : memref<!tpu.dma_semaphore, #tpu.memory_space<semaphore_mem>>) src(%dma_wait3A_96 : memref<10000x128xf32, #tpu.memory_space<hbm>>) dst(%arg11 : memref<128x128xf32, #tpu.memory_space<vmem>>)
        } else {
        }
        %scan3A_86 = arith.constant 0 : i32
        %scan3A_87 = arith.constant 8 : i32
        %scan3A_88 = arith.addi %scan3A_86, %scan3A_87 : i32
        %scan3A_89 = arith.constant 1 : i32
        scf.for %scan3A_91 = %scan3A_86 to %scan3A_88 step %scan3A_89  : i32 {
          %mul3A_92 = arith.constant 1 : i32
          %mul3A_93 = arith.muli %scan3A_91, %mul3A_92 : i32
          %add3A_94 = arith.constant 0 : i32
          %add3A_95 = arith.addi %add3A_94, %mul3A_93 : i32
          %mul3A_96 = arith.constant 16 : i32
          %mul3A_97 = arith.muli %add3A_95, %mul3A_96 : i32
          %get3A = arith.index_cast %mul3A_97 : i32 to index
          %get3A_98 = tpu.vector_load %arg10[%get3A] {strides = array<i32>} : memref<128xf32, #tpu.memory_space<vmem>>, vector<16xf32>,
          %get3A_99 = vector.shape_cast %get3A_98 : vector<16xf32> to vector<16xf32>
          %broadcast_in_dim3A_100 = arith.constant 0 : i32
          %broadcast_in_dim3A_101 = vector.broadcast %broadcast_in_dim3A_100 : i32 to vector<16xi32>
          %lt3A_102 = arith.constant 0 : i32
          %lt3A_103 = vector.broadcast %lt3A_102 : i32 to vector<16xi32>
          %lt3A_104 = arith.cmpi slt, %broadcast_in_dim3A_101, %lt3A_103 : vector<16xi32>
          %add3A_105 = arith.constant 16 : i32
          %add3A_106 = vector.broadcast %add3A_105 : i32 to vector<16xi32>
          %add3A_107 = arith.addi %broadcast_in_dim3A_101, %add3A_106 : vector<16xi32>
          %select_n3A = arith.select %lt3A_104, %add3A_107, %broadcast_in_dim3A_101 : vector<16xi1>, vector<16xi32>
          %reshape3A = vector.shape_cast %select_n3A : vector<16xi32> to vector<16x1xi32>
          %gather3A = vector.shape_cast %reshape3A : vector<16x1xi32> to vector<16xi32>
          %gather3A_108 = tpu.dynamic_gather %get3A_99[%gather3A] in [0] : vector<16xf32>, vector<16xi32> -> vector<16xf32>
          %mul3A_109 = arith.constant 16 : i32
          %mul3A_110 = arith.muli %add3A_95, %mul3A_109 : i32
          %add3A_111 = arith.constant 0 : i32
          %add3A_112 = arith.addi %mul3A_110, %add3A_111 : i32
          %get3A_113 = arith.index_cast %add3A_112 : i32 to index
          %get3A_114 = arith.constant 0 : index
          %get3A_115 = tpu.vector_load %arg11[%get3A_113, %get3A_114] {strides = array<i32>} : memref<128x128xf32, #tpu.memory_space<vmem>>, vector<1x16xf32>,
          %get3A_116 = vector.shape_cast %get3A_115 : vector<1x16xf32> to vector<16xf32>
          %mul3A_117 = arith.mulf %get3A_116, %gather3A_108 : vector<16xf32>
          %swap3A = arith.index_cast %add3A_112 : i32 to index
          %swap3A_118 = arith.constant 0 : index
          %swap3A_119 = tpu.vector_load %arg11[%swap3A, %swap3A_118] {strides = array<i32>} : memref<128x128xf32, #tpu.memory_space<vmem>>, vector<1x16xf32>,
          %swap3A_120 = vector.shape_cast %swap3A_119 : vector<1x16xf32> to vector<16xf32>
          %swap3A_121 = vector.shape_cast %mul3A_117 : vector<16xf32> to vector<1x16xf32>
          tpu.vector_store %arg11[%swap3A, %swap3A_118], %swap3A_121 {strides = array<i32>} : memref<128x128xf32, #tpu.memory_space<vmem>>, vector<1x16xf32>,
          %get3A_122 = arith.index_cast %add3A_112 : i32 to index
          %get3A_123 = arith.constant 16 : index
          %get3A_124 = tpu.vector_load %arg11[%get3A_122, %get3A_123] {strides = array<i32>} : memref<128x128xf32, #tpu.memory_space<vmem>>, vector<1x16xf32>,
          %get3A_125 = vector.shape_cast %get3A_124 : vector<1x16xf32> to vector<16xf32>
          %mul3A_126 = arith.mulf %get3A_125, %gather3A_108 : vector<16xf32>
          %swap3A_127 = arith.index_cast %add3A_112 : i32 to index
          %swap3A_128 = arith.constant 16 : index
          %swap3A_129 = tpu.vector_load %arg11[%swap3A_127, %swap3A_128] {strides = array<i32>} : memref<128x128xf32, #tpu.memory_space<vmem>>, vector<1x16xf32>,
          %swap3A_130 = vector.shape_cast %swap3A_129 : vector<1x16xf32> to vector<16xf32>
          %swap3A_131 = vector.shape_cast %mul3A_126 : vector<16xf32> to vector<1x16xf32>
          tpu.vector_store %arg11[%swap3A_127, %swap3A_128], %swap3A_131 {strides = array<i32>} : memref<128x128xf32, #tpu.memory_space<vmem>>, vector<1x16xf32>,
          %get3A_132 = arith.index_cast %add3A_112 : i32 to index
          %get3A_133 = arith.constant 32 : index
          %get3A_134 = tpu.vector_load %arg11[%get3A_132, %get3A_133] {strides = array<i32>} : memref<128x128xf32, #tpu.memory_space<vmem>>, vector<1x16xf32>,
          %get3A_135 = vector.shape_cast %get3A_134 : vector<1x16xf32> to vector<16xf32>
          %mul3A_136 = arith.mulf %get3A_135, %gather3A_108 : vector<16xf32>
          %swap3A_137 = arith.index_cast %add3A_112 : i32 to index
          %swap3A_138 = arith.constant 32 : index
          %swap3A_139 = tpu.vector_load %arg11[%swap3A_137, %swap3A_138] {strides = array<i32>} : memref<128x128xf32, #tpu.memory_space<vmem>>, vector<1x16xf32>,
          %swap3A_140 = vector.shape_cast %swap3A_139 : vector<1x16xf32> to vector<16xf32>
          %swap3A_141 = vector.shape_cast %mul3A_136 : vector<16xf32> to vector<1x16xf32>
          tpu.vector_store %arg11[%swap3A_137, %swap3A_138], %swap3A_141 {strides = array<i32>} : memref<128x128xf32, #tpu.memory_space<vmem>>, vector<1x16xf32>,
          %get3A_142 = arith.index_cast %add3A_112 : i32 to index
          %get3A_143 = arith.constant 48 : index
          %get3A_144 = tpu.vector_load %arg11[%get3A_142, %get3A_143] {strides = array<i32>} : memref<128x128xf32, #tpu.memory_space<vmem>>, vector<1x16xf32>,
          %get3A_145 = vector.shape_cast %get3A_144 : vector<1x16xf32> to vector<16xf32>
          %mul3A_146 = arith.mulf %get3A_145, %gather3A_108 : vector<16xf32>
          %swap3A_147 = arith.index_cast %add3A_112 : i32 to index
          %swap3A_148 = arith.constant 48 : index
          %swap3A_149 = tpu.vector_load %arg11[%swap3A_147, %swap3A_148] {strides = array<i32>} : memref<128x128xf32, #tpu.memory_space<vmem>>, vector<1x16xf32>,
          %swap3A_150 = vector.shape_cast %swap3A_149 : vector<1x16xf32> to vector<16xf32>
          %swap3A_151 = vector.shape_cast %mul3A_146 : vector<16xf32> to vector<1x16xf32>
          tpu.vector_store %arg11[%swap3A_147, %swap3A_148], %swap3A_151 {strides = array<i32>} : memref<128x128xf32, #tpu.memory_space<vmem>>, vector<1x16xf32>,
          %get3A_152 = arith.index_cast %add3A_112 : i32 to index
          %get3A_153 = arith.constant 64 : index
          %get3A_154 = tpu.vector_load %arg11[%get3A_152, %get3A_153] {strides = array<i32>} : memref<128x128xf32, #tpu.memory_space<vmem>>, vector<1x16xf32>,
          %get3A_155 = vector.shape_cast %get3A_154 : vector<1x16xf32> to vector<16xf32>
          %mul3A_156 = arith.mulf %get3A_155, %gather3A_108 : vector<16xf32>
          %swap3A_157 = arith.index_cast %add3A_112 : i32 to index
          %swap3A_158 = arith.constant 64 : index
          %swap3A_159 = tpu.vector_load %arg11[%swap3A_157, %swap3A_158] {strides = array<i32>} : memref<128x128xf32, #tpu.memory_space<vmem>>, vector<1x16xf32>,
          %swap3A_160 = vector.shape_cast %swap3A_159 : vector<1x16xf32> to vector<16xf32>
          %swap3A_161 = vector.shape_cast %mul3A_156 : vector<16xf32> to vector<1x16xf32>
          tpu.vector_store %arg11[%swap3A_157, %swap3A_158], %swap3A_161 {strides = array<i32>} : memref<128x128xf32, #tpu.memory_space<vmem>>, vector<1x16xf32>,
          %get3A_162 = arith.index_cast %add3A_112 : i32 to index
          %get3A_163 = arith.constant 80 : index
          %get3A_164 = tpu.vector_load %arg11[%get3A_162, %get3A_163] {strides = array<i32>} : memref<128x128xf32, #tpu.memory_space<vmem>>, vector<1x16xf32>,
          %get3A_165 = vector.shape_cast %get3A_164 : vector<1x16xf32> to vector<16xf32>
          %mul3A_166 = arith.mulf %get3A_165, %gather3A_108 : vector<16xf32>
          %swap3A_167 = arith.index_cast %add3A_112 : i32 to index
          %swap3A_168 = arith.constant 80 : index
          %swap3A_169 = tpu.vector_load %arg11[%swap3A_167, %swap3A_168] {strides = array<i32>} : memref<128x128xf32, #tpu.memory_space<vmem>>, vector<1x16xf32>,
          %swap3A_170 = vector.shape_cast %swap3A_169 : vector<1x16xf32> to vector<16xf32>
          %swap3A_171 = vector.shape_cast %mul3A_166 : vector<16xf32> to vector<1x16xf32>
          tpu.vector_store %arg11[%swap3A_167, %swap3A_168], %swap3A_171 {strides = array<i32>} : memref<128x128xf32, #tpu.memory_space<vmem>>, vector<1x16xf32>,
          %get3A_172 = arith.index_cast %add3A_112 : i32 to index
          %get3A_173 = arith.constant 96 : index
          %get3A_174 = tpu.vector_load %arg11[%get3A_172, %get3A_173] {strides = array<i32>} : memref<128x128xf32, #tpu.memory_space<vmem>>, vector<1x16xf32>,
          %get3A_175 = vector.shape_cast %get3A_174 : vector<1x16xf32> to vector<16xf32>
          %mul3A_176 = arith.mulf %get3A_175, %gather3A_108 : vector<16xf32>
          %swap3A_177 = arith.index_cast %add3A_112 : i32 to index
          %swap3A_178 = arith.constant 96 : index
          %swap3A_179 = tpu.vector_load %arg11[%swap3A_177, %swap3A_178] {strides = array<i32>} : memref<128x128xf32, #tpu.memory_space<vmem>>, vector<1x16xf32>,
          %swap3A_180 = vector.shape_cast %swap3A_179 : vector<1x16xf32> to vector<16xf32>
          %swap3A_181 = vector.shape_cast %mul3A_176 : vector<16xf32> to vector<1x16xf32>
          tpu.vector_store %arg11[%swap3A_177, %swap3A_178], %swap3A_181 {strides = array<i32>} : memref<128x128xf32, #tpu.memory_space<vmem>>, vector<1x16xf32>,
          %get3A_182 = arith.index_cast %add3A_112 : i32 to index
          %get3A_183 = arith.constant 112 : index
          %get3A_184 = tpu.vector_load %arg11[%get3A_182, %get3A_183] {strides = array<i32>} : memref<128x128xf32, #tpu.memory_space<vmem>>, vector<1x16xf32>,
          %get3A_185 = vector.shape_cast %get3A_184 : vector<1x16xf32> to vector<16xf32>
          %mul3A_186 = arith.mulf %get3A_185, %gather3A_108 : vector<16xf32>
          %swap3A_187 = arith.index_cast %add3A_112 : i32 to index
          %swap3A_188 = arith.constant 112 : index
          %swap3A_189 = tpu.vector_load %arg11[%swap3A_187, %swap3A_188] {strides = array<i32>} : memref<128x128xf32, #tpu.memory_space<vmem>>, vector<1x16xf32>,
          %swap3A_190 = vector.shape_cast %swap3A_189 : vector<1x16xf32> to vector<16xf32>
          %swap3A_191 = vector.shape_cast %mul3A_186 : vector<16xf32> to vector<1x16xf32>
          tpu.vector_store %arg11[%swap3A_187, %swap3A_188], %swap3A_191 {strides = array<i32>} : memref<128x128xf32, #tpu.memory_space<vmem>>, vector<1x16xf32>,
          %broadcast_in_dim3A_192 = arith.constant 1 : i32
          %broadcast_in_dim3A_193 = vector.broadcast %broadcast_in_dim3A_192 : i32 to vector<16xi32>
          %lt3A_194 = arith.constant 0 : i32
          %lt3A_195 = vector.broadcast %lt3A_194 : i32 to vector<16xi32>
          %lt3A_196 = arith.cmpi slt, %broadcast_in_dim3A_193, %lt3A_195 : vector<16xi32>
          %add3A_197 = arith.constant 16 : i32
          %add3A_198 = vector.broadcast %add3A_197 : i32 to vector<16xi32>
          %add3A_199 = arith.addi %broadcast_in_dim3A_193, %add3A_198 : vector<16xi32>
          %select_n3A_200 = arith.select %lt3A_196, %add3A_199, %broadcast_in_dim3A_193 : vector<16xi1>, vector<16xi32>
          %reshape3A_201 = vector.shape_cast %select_n3A_200 : vector<16xi32> to vector<16x1xi32>
          %gather3A_202 = vector.shape_cast %reshape3A_201 : vector<16x1xi32> to vector<16xi32>
          %gather3A_203 = tpu.dynamic_gather %get3A_99[%gather3A_202] in [0] : vector<16xf32>, vector<16xi32> -> vector<16xf32>
          %mul3A_204 = arith.constant 16 : i32
          %mul3A_205 = arith.muli %add3A_95, %mul3A_204 : i32
          %add3A_206 = arith.constant 1 : i32
          %add3A_207 = arith.addi %mul3A_205, %add3A_206 : i32
          %get3A_208 = arith.index_cast %add3A_207 : i32 to index
          %get3A_209 = arith.constant 0 : index
          %get3A_210 = tpu.vector_load %arg11[%get3A_208, %get3A_209] {strides = array<i32>} : memref<128x128xf32, #tpu.memory_space<vmem>>, vector<1x16xf32>,
          %get3A_211 = vector.shape_cast %get3A_210 : vector<1x16xf32> to vector<16xf32>
          %mul3A_212 = arith.mulf %get3A_211, %gather3A_203 : vector<16xf32>
          %swap3A_213 = arith.index_cast %add3A_207 : i32 to index
          %swap3A_214 = arith.constant 0 : index
          %swap3A_215 = tpu.vector_load %arg11[%swap3A_213, %swap3A_214] {strides = array<i32>} : memref<128x128xf32, #tpu.memory_space<vmem>>, vector<1x16xf32>,
          %swap3A_216 = vector.shape_cast %swap3A_215 : vector<1x16xf32> to vector<16xf32>
          %swap3A_217 = vector.shape_cast %mul3A_212 : vector<16xf32> to vector<1x16xf32>
          tpu.vector_store %arg11[%swap3A_213, %swap3A_214], %swap3A_217 {strides = array<i32>} : memref<128x128xf32, #tpu.memory_space<vmem>>, vector<1x16xf32>,
          %get3A_218 = arith.index_cast %add3A_207 : i32 to index
          %get3A_219 = arith.constant 16 : index
          %get3A_220 = tpu.vector_load %arg11[%get3A_218, %get3A_219] {strides = array<i32>} : memref<128x128xf32, #tpu.memory_space<vmem>>, vector<1x16xf32>,
          %get3A_221 = vector.shape_cast %get3A_220 : vector<1x16xf32> to vector<16xf32>
          %mul3A_222 = arith.mulf %get3A_221, %gather3A_203 : vector<16xf32>
          %swap3A_223 = arith.index_cast %add3A_207 : i32 to index
          %swap3A_224 = arith.constant 16 : index
          %swap3A_225 = tpu.vector_load %arg11[%swap3A_223, %swap3A_224] {strides = array<i32>} : memref<128x128xf32, #tpu.memory_space<vmem>>, vector<1x16xf32>,
          %swap3A_226 = vector.shape_cast %swap3A_225 : vector<1x16xf32> to vector<16xf32>
          %swap3A_227 = vector.shape_cast %mul3A_222 : vector<16xf32> to vector<1x16xf32>
          tpu.vector_store %arg11[%swap3A_223, %swap3A_224], %swap3A_227 {strides = array<i32>} : memref<128x128xf32, #tpu.memory_space<vmem>>, vector<1x16xf32>,
          %get3A_228 = arith.index_cast %add3A_207 : i32 to index
          %get3A_229 = arith.constant 32 : index
          %get3A_230 = tpu.vector_load %arg11[%get3A_228, %get3A_229] {strides = array<i32>} : memref<128x128xf32, #tpu.memory_space<vmem>>, vector<1x16xf32>,
          %get3A_231 = vector.shape_cast %get3A_230 : vector<1x16xf32> to vector<16xf32>
          %mul3A_232 = arith.mulf %get3A_231, %gather3A_203 : vector<16xf32>
          %swap3A_233 = arith.index_cast %add3A_207 : i32 to index
          %swap3A_234 = arith.constant 32 : index
          %swap3A_235 = tpu.vector_load %arg11[%swap3A_233, %swap3A_234] {strides = array<i32>} : memref<128x128xf32, #tpu.memory_space<vmem>>, vector<1x16xf32>,
          %swap3A_236 = vector.shape_cast %swap3A_235 : vector<1x16xf32> to vector<16xf32>
          %swap3A_237 = vector.shape_cast %mul3A_232 : vector<16xf32> to vector<1x16xf32>
          tpu.vector_store %arg11[%swap3A_233, %swap3A_234], %swap3A_237 {strides = array<i32>} : memref<128x128xf32, #tpu.memory_space<vmem>>, vector<1x16xf32>,
          %get3A_238 = arith.index_cast %add3A_207 : i32 to index
          %get3A_239 = arith.constant 48 : index
          %get3A_240 = tpu.vector_load %arg11[%get3A_238, %get3A_239] {strides = array<i32>} : memref<128x128xf32, #tpu.memory_space<vmem>>, vector<1x16xf32>,
          %get3A_241 = vector.shape_cast %get3A_240 : vector<1x16xf32> to vector<16xf32>
          %mul3A_242 = arith.mulf %get3A_241, %gather3A_203 : vector<16xf32>
          %swap3A_243 = arith.index_cast %add3A_207 : i32 to index
          %swap3A_244 = arith.constant 48 : index
          %swap3A_245 = tpu.vector_load %arg11[%swap3A_243, %swap3A_244] {strides = array<i32>} : memref<128x128xf32, #tpu.memory_space<vmem>>, vector<1x16xf32>,
          %swap3A_246 = vector.shape_cast %swap3A_245 : vector<1x16xf32> to vector<16xf32>
          %swap3A_247 = vector.shape_cast %mul3A_242 : vector<16xf32> to vector<1x16xf32>
          tpu.vector_store %arg11[%swap3A_243, %swap3A_244], %swap3A_247 {strides = array<i32>} : memref<128x128xf32, #tpu.memory_space<vmem>>, vector<1x16xf32>,
          %get3A_248 = arith.index_cast %add3A_207 : i32 to index
          %get3A_249 = arith.constant 64 : index
          %get3A_250 = tpu.vector_load %arg11[%get3A_248, %get3A_249] {strides = array<i32>} : memref<128x128xf32, #tpu.memory_space<vmem>>, vector<1x16xf32>,
          %get3A_251 = vector.shape_cast %get3A_250 : vector<1x16xf32> to vector<16xf32>
          %mul3A_252 = arith.mulf %get3A_251, %gather3A_203 : vector<16xf32>
          %swap3A_253 = arith.index_cast %add3A_207 : i32 to index
          %swap3A_254 = arith.constant 64 : index
          %swap3A_255 = tpu.vector_load %arg11[%swap3A_253, %swap3A_254] {strides = array<i32>} : memref<128x128xf32, #tpu.memory_space<vmem>>, vector<1x16xf32>,
          %swap3A_256 = vector.shape_cast %swap3A_255 : vector<1x16xf32> to vector<16xf32>
          %swap3A_257 = vector.shape_cast %mul3A_252 : vector<16xf32> to vector<1x16xf32>
          tpu.vector_store %arg11[%swap3A_253, %swap3A_254], %swap3A_257 {strides = array<i32>} : memref<128x128xf32, #tpu.memory_space<vmem>>, vector<1x16xf32>,
          %get3A_258 = arith.index_cast %add3A_207 : i32 to index
          %get3A_259 = arith.constant 80 : index
          %get3A_260 = tpu.vector_load %arg11[%get3A_258, %get3A_259] {strides = array<i32>} : memref<128x128xf32, #tpu.memory_space<vmem>>, vector<1x16xf32>,
          %get3A_261 = vector.shape_cast %get3A_260 : vector<1x16xf32> to vector<16xf32>
          %mul3A_262 = arith.mulf %get3A_261, %gather3A_203 : vector<16xf32>
          %swap3A_263 = arith.index_cast %add3A_207 : i32 to index
          %swap3A_264 = arith.constant 80 : index
          %swap3A_265 = tpu.vector_load %arg11[%swap3A_263, %swap3A_264] {strides = array<i32>} : memref<128x128xf32, #tpu.memory_space<vmem>>, vector<1x16xf32>,
          %swap3A_266 = vector.shape_cast %swap3A_265 : vector<1x16xf32> to vector<16xf32>
          %swap3A_267 = vector.shape_cast %mul3A_262 : vector<16xf32> to vector<1x16xf32>
          tpu.vector_store %arg11[%swap3A_263, %swap3A_264], %swap3A_267 {strides = array<i32>} : memref<128x128xf32, #tpu.memory_space<vmem>>, vector<1x16xf32>,
          %get3A_268 = arith.index_cast %add3A_207 : i32 to index
          %get3A_269 = arith.constant 96 : index
          %get3A_270 = tpu.vector_load %arg11[%get3A_268, %get3A_269] {strides = array<i32>} : memref<128x128xf32, #tpu.memory_space<vmem>>, vector<1x16xf32>,
          %get3A_271 = vector.shape_cast %get3A_270 : vector<1x16xf32> to vector<16xf32>
          %mul3A_272 = arith.mulf %get3A_271, %gather3A_203 : vector<16xf32>
          %swap3A_273 = arith.index_cast %add3A_207 : i32 to index
          %swap3A_274 = arith.constant 96 : index
          %swap3A_275 = tpu.vector_load %arg11[%swap3A_273, %swap3A_274] {strides = array<i32>} : memref<128x128xf32, #tpu.memory_space<vmem>>, vector<1x16xf32>,
          %swap3A_276 = vector.shape_cast %swap3A_275 : vector<1x16xf32> to vector<16xf32>
          %swap3A_277 = vector.shape_cast %mul3A_272 : vector<16xf32> to vector<1x16xf32>
          tpu.vector_store %arg11[%swap3A_273, %swap3A_274], %swap3A_277 {strides = array<i32>} : memref<128x128xf32, #tpu.memory_space<vmem>>, vector<1x16xf32>,
          %get3A_278 = arith.index_cast %add3A_207 : i32 to index
          %get3A_279 = arith.constant 112 : index
          %get3A_280 = tpu.vector_load %arg11[%get3A_278, %get3A_279] {strides = array<i32>} : memref<128x128xf32, #tpu.memory_space<vmem>>, vector<1x16xf32>,
          %get3A_281 = vector.shape_cast %get3A_280 : vector<1x16xf32> to vector<16xf32>
          %mul3A_282 = arith.mulf %get3A_281, %gather3A_203 : vector<16xf32>
          %swap3A_283 = arith.index_cast %add3A_207 : i32 to index
          %swap3A_284 = arith.constant 112 : index
          %swap3A_285 = tpu.vector_load %arg11[%swap3A_283, %swap3A_284] {strides = array<i32>} : memref<128x128xf32, #tpu.memory_space<vmem>>, vector<1x16xf32>,
          %swap3A_286 = vector.shape_cast %swap3A_285 : vector<1x16xf32> to vector<16xf32>
          %swap3A_287 = vector.shape_cast %mul3A_282 : vector<16xf32> to vector<1x16xf32>
          tpu.vector_store %arg11[%swap3A_283, %swap3A_284], %swap3A_287 {strides = array<i32>} : memref<128x128xf32, #tpu.memory_space<vmem>>, vector<1x16xf32>,
          %broadcast_in_dim3A_288 = arith.constant 2 : i32
          %broadcast_in_dim3A_289 = vector.broadcast %broadcast_in_dim3A_288 : i32 to vector<16xi32>
          %lt3A_290 = arith.constant 0 : i32
          %lt3A_291 = vector.broadcast %lt3A_290 : i32 to vector<16xi32>
          %lt3A_292 = arith.cmpi slt, %broadcast_in_dim3A_289, %lt3A_291 : vector<16xi32>
          %add3A_293 = arith.constant 16 : i32
          %add3A_294 = vector.broadcast %add3A_293 : i32 to vector<16xi32>
          %add3A_295 = arith.addi %broadcast_in_dim3A_289, %add3A_294 : vector<16xi32>
          %select_n3A_296 = arith.select %lt3A_292, %add3A_295, %broadcast_in_dim3A_289 : vector<16xi1>, vector<16xi32>
          %reshape3A_297 = vector.shape_cast %select_n3A_296 : vector<16xi32> to vector<16x1xi32>
          %gather3A_298 = vector.shape_cast %reshape3A_297 : vector<16x1xi32> to vector<16xi32>
          %gather3A_299 = tpu.dynamic_gather %get3A_99[%gather3A_298] in [0] : vector<16xf32>, vector<16xi32> -> vector<16xf32>
          %mul3A_300 = arith.constant 16 : i32
          %mul3A_301 = arith.muli %add3A_95, %mul3A_300 : i32
          %add3A_302 = arith.constant 2 : i32
          %add3A_303 = arith.addi %mul3A_301, %add3A_302 : i32
          %get3A_304 = arith.index_cast %add3A_303 : i32 to index
          %get3A_305 = arith.constant 0 : index
          %get3A_306 = tpu.vector_load %arg11[%get3A_304, %get3A_305] {strides = array<i32>} : memref<128x128xf32, #tpu.memory_space<vmem>>, vector<1x16xf32>,
          %get3A_307 = vector.shape_cast %get3A_306 : vector<1x16xf32> to vector<16xf32>
          %mul3A_308 = arith.mulf %get3A_307, %gather3A_299 : vector<16xf32>
          %swap3A_309 = arith.index_cast %add3A_303 : i32 to index
          %swap3A_310 = arith.constant 0 : index
          %swap3A_311 = tpu.vector_load %arg11[%swap3A_309, %swap3A_310] {strides = array<i32>} : memref<128x128xf32, #tpu.memory_space<vmem>>, vector<1x16xf32>,
          %swap3A_312 = vector.shape_cast %swap3A_311 : vector<1x16xf32> to vector<16xf32>
          %swap3A_313 = vector.shape_cast %mul3A_308 : vector<16xf32> to vector<1x16xf32>
          tpu.vector_store %arg11[%swap3A_309, %swap3A_310], %swap3A_313 {strides = array<i32>} : memref<128x128xf32, #tpu.memory_space<vmem>>, vector<1x16xf32>,
          %get3A_314 = arith.index_cast %add3A_303 : i32 to index
          %get3A_315 = arith.constant 16 : index
          %get3A_316 = tpu.vector_load %arg11[%get3A_314, %get3A_315] {strides = array<i32>} : memref<128x128xf32, #tpu.memory_space<vmem>>, vector<1x16xf32>,
          %get3A_317 = vector.shape_cast %get3A_316 : vector<1x16xf32> to vector<16xf32>
          %mul3A_318 = arith.mulf %get3A_317, %gather3A_299 : vector<16xf32>
          %swap3A_319 = arith.index_cast %add3A_303 : i32 to index
          %swap3A_320 = arith.constant 16 : index
          %swap3A_321 = tpu.vector_load %arg11[%swap3A_319, %swap3A_320] {strides = array<i32>} : memref<128x128xf32, #tpu.memory_space<vmem>>, vector<1x16xf32>,
          %swap3A_322 = vector.shape_cast %swap3A_321 : vector<1x16xf32> to vector<16xf32>
          %swap3A_323 = vector.shape_cast %mul3A_318 : vector<16xf32> to vector<1x16xf32>
          tpu.vector_store %arg11[%swap3A_319, %swap3A_320], %swap3A_323 {strides = array<i32>} : memref<128x128xf32, #tpu.memory_space<vmem>>, vector<1x16xf32>,
          %get3A_324 = arith.index_cast %add3A_303 : i32 to index
          %get3A_325 = arith.constant 32 : index
          %get3A_326 = tpu.vector_load %arg11[%get3A_324, %get3A_325] {strides = array<i32>} : memref<128x128xf32, #tpu.memory_space<vmem>>, vector<1x16xf32>,
          %get3A_327 = vector.shape_cast %get3A_326 : vector<1x16xf32> to vector<16xf32>
          %mul3A_328 = arith.mulf %get3A_327, %gather3A_299 : vector<16xf32>
          %swap3A_329 = arith.index_cast %add3A_303 : i32 to index
          %swap3A_330 = arith.constant 32 : index
          %swap3A_331 = tpu.vector_load %arg11[%swap3A_329, %swap3A_330] {strides = array<i32>} : memref<128x128xf32, #tpu.memory_space<vmem>>, vector<1x16xf32>,
          %swap3A_332 = vector.shape_cast %swap3A_331 : vector<1x16xf32> to vector<16xf32>
          %swap3A_333 = vector.shape_cast %mul3A_328 : vector<16xf32> to vector<1x16xf32>
          tpu.vector_store %arg11[%swap3A_329, %swap3A_330], %swap3A_333 {strides = array<i32>} : memref<128x128xf32, #tpu.memory_space<vmem>>, vector<1x16xf32>,
          %get3A_334 = arith.index_cast %add3A_303 : i32 to index
          %get3A_335 = arith.constant 48 : index
          %get3A_336 = tpu.vector_load %arg11[%get3A_334, %get3A_335] {strides = array<i32>} : memref<128x128xf32, #tpu.memory_space<vmem>>, vector<1x16xf32>,
          %get3A_337 = vector.shape_cast %get3A_336 : vector<1x16xf32> to vector<16xf32>
          %mul3A_338 = arith.mulf %get3A_337, %gather3A_299 : vector<16xf32>
          %swap3A_339 = arith.index_cast %add3A_303 : i32 to index
          %swap3A_340 = arith.constant 48 : index
          %swap3A_341 = tpu.vector_load %arg11[%swap3A_339, %swap3A_340] {strides = array<i32>} : memref<128x128xf32, #tpu.memory_space<vmem>>, vector<1x16xf32>,
          %swap3A_342 = vector.shape_cast %swap3A_341 : vector<1x16xf32> to vector<16xf32>
          %swap3A_343 = vector.shape_cast %mul3A_338 : vector<16xf32> to vector<1x16xf32>
          tpu.vector_store %arg11[%swap3A_339, %swap3A_340], %swap3A_343 {strides = array<i32>} : memref<128x128xf32, #tpu.memory_space<vmem>>, vector<1x16xf32>,
          %get3A_344 = arith.index_cast %add3A_303 : i32 to index
          %get3A_345 = arith.constant 64 : index
          %get3A_346 = tpu.vector_load %arg11[%get3A_344, %get3A_345] {strides = array<i32>} : memref<128x128xf32, #tpu.memory_space<vmem>>, vector<1x16xf32>,
          %get3A_347 = vector.shape_cast %get3A_346 : vector<1x16xf32> to vector<16xf32>
          %mul3A_348 = arith.mulf %get3A_347, %gather3A_299 : vector<16xf32>
          %swap3A_349 = arith.index_cast %add3A_303 : i32 to index
          %swap3A_350 = arith.constant 64 : index
          %swap3A_351 = tpu.vector_load %arg11[%swap3A_349, %swap3A_350] {strides = array<i32>} : memref<128x128xf32, #tpu.memory_space<vmem>>, vector<1x16xf32>,
          %swap3A_352 = vector.shape_cast %swap3A_351 : vector<1x16xf32> to vector<16xf32>
          %swap3A_353 = vector.shape_cast %mul3A_348 : vector<16xf32> to vector<1x16xf32>
          tpu.vector_store %arg11[%swap3A_349, %swap3A_350], %swap3A_353 {strides = array<i32>} : memref<128x128xf32, #tpu.memory_space<vmem>>, vector<1x16xf32>,
          %get3A_354 = arith.index_cast %add3A_303 : i32 to index
          %get3A_355 = arith.constant 80 : index
          %get3A_356 = tpu.vector_load %arg11[%get3A_354, %get3A_355] {strides = array<i32>} : memref<128x128xf32, #tpu.memory_space<vmem>>, vector<1x16xf32>,
          %get3A_357 = vector.shape_cast %get3A_356 : vector<1x16xf32> to vector<16xf32>
          %mul3A_358 = arith.mulf %get3A_357, %gather3A_299 : vector<16xf32>
          %swap3A_359 = arith.index_cast %add3A_303 : i32 to index
          %swap3A_360 = arith.constant 80 : index
          %swap3A_361 = tpu.vector_load %arg11[%swap3A_359, %swap3A_360] {strides = array<i32>} : memref<128x128xf32, #tpu.memory_space<vmem>>, vector<1x16xf32>,
          %swap3A_362 = vector.shape_cast %swap3A_361 : vector<1x16xf32> to vector<16xf32>
          %swap3A_363 = vector.shape_cast %mul3A_358 : vector<16xf32> to vector<1x16xf32>
          tpu.vector_store %arg11[%swap3A_359, %swap3A_360], %swap3A_363 {strides = array<i32>} : memref<128x128xf32, #tpu.memory_space<vmem>>, vector<1x16xf32>,
          %get3A_364 = arith.index_cast %add3A_303 : i32 to index
          %get3A_365 = arith.constant 96 : index
          %get3A_366 = tpu.vector_load %arg11[%get3A_364, %get3A_365] {strides = array<i32>} : memref<128x128xf32, #tpu.memory_space<vmem>>, vector<1x16xf32>,
          %get3A_367 = vector.shape_cast %get3A_366 : vector<1x16xf32> to vector<16xf32>
          %mul3A_368 = arith.mulf %get3A_367, %gather3A_299 : vector<16xf32>
          %swap3A_369 = arith.index_cast %add3A_303 : i32 to index
          %swap3A_370 = arith.constant 96 : index
          %swap3A_371 = tpu.vector_load %arg11[%swap3A_369, %swap3A_370] {strides = array<i32>} : memref<128x128xf32, #tpu.memory_space<vmem>>, vector<1x16xf32>,
          %swap3A_372 = vector.shape_cast %swap3A_371 : vector<1x16xf32> to vector<16xf32>
          %swap3A_373 = vector.shape_cast %mul3A_368 : vector<16xf32> to vector<1x16xf32>
          tpu.vector_store %arg11[%swap3A_369, %swap3A_370], %swap3A_373 {strides = array<i32>} : memref<128x128xf32, #tpu.memory_space<vmem>>, vector<1x16xf32>,
          %get3A_374 = arith.index_cast %add3A_303 : i32 to index
          %get3A_375 = arith.constant 112 : index
          %get3A_376 = tpu.vector_load %arg11[%get3A_374, %get3A_375] {strides = array<i32>} : memref<128x128xf32, #tpu.memory_space<vmem>>, vector<1x16xf32>,
          %get3A_377 = vector.shape_cast %get3A_376 : vector<1x16xf32> to vector<16xf32>
          %mul3A_378 = arith.mulf %get3A_377, %gather3A_299 : vector<16xf32>
          %swap3A_379 = arith.index_cast %add3A_303 : i32 to index
          %swap3A_380 = arith.constant 112 : index
          %swap3A_381 = tpu.vector_load %arg11[%swap3A_379, %swap3A_380] {strides = array<i32>} : memref<128x128xf32, #tpu.memory_space<vmem>>, vector<1x16xf32>,
          %swap3A_382 = vector.shape_cast %swap3A_381 : vector<1x16xf32> to vector<16xf32>
          %swap3A_383 = vector.shape_cast %mul3A_378 : vector<16xf32> to vector<1x16xf32>
          tpu.vector_store %arg11[%swap3A_379, %swap3A_380], %swap3A_383 {strides = array<i32>} : memref<128x128xf32, #tpu.memory_space<vmem>>, vector<1x16xf32>,
          %broadcast_in_dim3A_384 = arith.constant 3 : i32
          %broadcast_in_dim3A_385 = vector.broadcast %broadcast_in_dim3A_384 : i32 to vector<16xi32>
          %lt3A_386 = arith.constant 0 : i32
          %lt3A_387 = vector.broadcast %lt3A_386 : i32 to vector<16xi32>
          %lt3A_388 = arith.cmpi slt, %broadcast_in_dim3A_385, %lt3A_387 : vector<16xi32>
          %add3A_389 = arith.constant 16 : i32
          %add3A_390 = vector.broadcast %add3A_389 : i32 to vector<16xi32>
          %add3A_391 = arith.addi %broadcast_in_dim3A_385, %add3A_390 : vector<16xi32>
          %select_n3A_392 = arith.select %lt3A_388, %add3A_391, %broadcast_in_dim3A_385 : vector<16xi1>, vector<16xi32>
          %reshape3A_393 = vector.shape_cast %select_n3A_392 : vector<16xi32> to vector<16x1xi32>
          %gather3A_394 = vector.shape_cast %reshape3A_393 : vector<16x1xi32> to vector<16xi32>
          %gather3A_395 = tpu.dynamic_gather %get3A_99[%gather3A_394] in [0] : vector<16xf32>, vector<16xi32> -> vector<16xf32>
          %mul3A_396 = arith.constant 16 : i32
          %mul3A_397 = arith.muli %add3A_95, %mul3A_396 : i32
          %add3A_398 = arith.constant 3 : i32
          %add3A_399 = arith.addi %mul3A_397, %add3A_398 : i32
          %get3A_400 = arith.index_cast %add3A_399 : i32 to index
          %get3A_401 = arith.constant 0 : index
          %get3A_402 = tpu.vector_load %arg11[%get3A_400, %get3A_401] {strides = array<i32>} : memref<128x128xf32, #tpu.memory_space<vmem>>, vector<1x16xf32>,
          %get3A_403 = vector.shape_cast %get3A_402 : vector<1x16xf32> to vector<16xf32>
          %mul3A_404 = arith.mulf %get3A_403, %gather3A_395 : vector<16xf32>
          %swap3A_405 = arith.index_cast %add3A_399 : i32 to index
          %swap3A_406 = arith.constant 0 : index
          %swap3A_407 = tpu.vector_load %arg11[%swap3A_405, %swap3A_406] {strides = array<i32>} : memref<128x128xf32, #tpu.memory_space<vmem>>, vector<1x16xf32>,
          %swap3A_408 = vector.shape_cast %swap3A_407 : vector<1x16xf32> to vector<16xf32>
          %swap3A_409 = vector.shape_cast %mul3A_404 : vector<16xf32> to vector<1x16xf32>
          tpu.vector_store %arg11[%swap3A_405, %swap3A_406], %swap3A_409 {strides = array<i32>} : memref<128x128xf32, #tpu.memory_space<vmem>>, vector<1x16xf32>,
          %get3A_410 = arith.index_cast %add3A_399 : i32 to index
          %get3A_411 = arith.constant 16 : index
          %get3A_412 = tpu.vector_load %arg11[%get3A_410, %get3A_411] {strides = array<i32>} : memref<128x128xf32, #tpu.memory_space<vmem>>, vector<1x16xf32>,
          %get3A_413 = vector.shape_cast %get3A_412 : vector<1x16xf32> to vector<16xf32>
          %mul3A_414 = arith.mulf %get3A_413, %gather3A_395 : vector<16xf32>
          %swap3A_415 = arith.index_cast %add3A_399 : i32 to index
          %swap3A_416 = arith.constant 16 : index
          %swap3A_417 = tpu.vector_load %arg11[%swap3A_415, %swap3A_416] {strides = array<i32>} : memref<128x128xf32, #tpu.memory_space<vmem>>, vector<1x16xf32>,
          %swap3A_418 = vector.shape_cast %swap3A_417 : vector<1x16xf32> to vector<16xf32>
          %swap3A_419 = vector.shape_cast %mul3A_414 : vector<16xf32> to vector<1x16xf32>
          tpu.vector_store %arg11[%swap3A_415, %swap3A_416], %swap3A_419 {strides = array<i32>} : memref<128x128xf32, #tpu.memory_space<vmem>>, vector<1x16xf32>,
          %get3A_420 = arith.index_cast %add3A_399 : i32 to index
          %get3A_421 = arith.constant 32 : index
          %get3A_422 = tpu.vector_load %arg11[%get3A_420, %get3A_421] {strides = array<i32>} : memref<128x128xf32, #tpu.memory_space<vmem>>, vector<1x16xf32>,
          %get3A_423 = vector.shape_cast %get3A_422 : vector<1x16xf32> to vector<16xf32>
          %mul3A_424 = arith.mulf %get3A_423, %gather3A_395 : vector<16xf32>
          %swap3A_425 = arith.index_cast %add3A_399 : i32 to index
          %swap3A_426 = arith.constant 32 : index
          %swap3A_427 = tpu.vector_load %arg11[%swap3A_425, %swap3A_426] {strides = array<i32>} : memref<128x128xf32, #tpu.memory_space<vmem>>, vector<1x16xf32>,
          %swap3A_428 = vector.shape_cast %swap3A_427 : vector<1x16xf32> to vector<16xf32>
          %swap3A_429 = vector.shape_cast %mul3A_424 : vector<16xf32> to vector<1x16xf32>
          tpu.vector_store %arg11[%swap3A_425, %swap3A_426], %swap3A_429 {strides = array<i32>} : memref<128x128xf32, #tpu.memory_space<vmem>>, vector<1x16xf32>,
          %get3A_430 = arith.index_cast %add3A_399 : i32 to index
          %get3A_431 = arith.constant 48 : index
          %get3A_432 = tpu.vector_load %arg11[%get3A_430, %get3A_431] {strides = array<i32>} : memref<128x128xf32, #tpu.memory_space<vmem>>, vector<1x16xf32>,
          %get3A_433 = vector.shape_cast %get3A_432 : vector<1x16xf32> to vector<16xf32>
          %mul3A_434 = arith.mulf %get3A_433, %gather3A_395 : vector<16xf32>
          %swap3A_435 = arith.index_cast %add3A_399 : i32 to index
          %swap3A_436 = arith.constant 48 : index
          %swap3A_437 = tpu.vector_load %arg11[%swap3A_435, %swap3A_436] {strides = array<i32>} : memref<128x128xf32, #tpu.memory_space<vmem>>, vector<1x16xf32>,
          %swap3A_438 = vector.shape_cast %swap3A_437 : vector<1x16xf32> to vector<16xf32>
          %swap3A_439 = vector.shape_cast %mul3A_434 : vector<16xf32> to vector<1x16xf32>
          tpu.vector_store %arg11[%swap3A_435, %swap3A_436], %swap3A_439 {strides = array<i32>} : memref<128x128xf32, #tpu.memory_space<vmem>>, vector<1x16xf32>,
          %get3A_440 = arith.index_cast %add3A_399 : i32 to index
          %get3A_441 = arith.constant 64 : index
          %get3A_442 = tpu.vector_load %arg11[%get3A_440, %get3A_441] {strides = array<i32>} : memref<128x128xf32, #tpu.memory_space<vmem>>, vector<1x16xf32>,
          %get3A_443 = vector.shape_cast %get3A_442 : vector<1x16xf32> to vector<16xf32>
          %mul3A_444 = arith.mulf %get3A_443, %gather3A_395 : vector<16xf32>
          %swap3A_445 = arith.index_cast %add3A_399 : i32 to index
          %swap3A_446 = arith.constant 64 : index
          %swap3A_447 = tpu.vector_load %arg11[%swap3A_445, %swap3A_446] {strides = array<i32>} : memref<128x128xf32, #tpu.memory_space<vmem>>, vector<1x16xf32>,
          %swap3A_448 = vector.shape_cast %swap3A_447 : vector<1x16xf32> to vector<16xf32>
          %swap3A_449 = vector.shape_cast %mul3A_444 : vector<16xf32> to vector<1x16xf32>
          tpu.vector_store %arg11[%swap3A_445, %swap3A_446], %swap3A_449 {strides = array<i32>} : memref<128x128xf32, #tpu.memory_space<vmem>>, vector<1x16xf32>,
          %get3A_450 = arith.index_cast %add3A_399 : i32 to index
          %get3A_451 = arith.constant 80 : index
          %get3A_452 = tpu.vector_load %arg11[%get3A_450, %get3A_451] {strides = array<i32>} : memref<128x128xf32, #tpu.memory_space<vmem>>, vector<1x16xf32>,
          %get3A_453 = vector.shape_cast %get3A_452 : vector<1x16xf32> to vector<16xf32>
          %mul3A_454 = arith.mulf %get3A_453, %gather3A_395 : vector<16xf32>
          %swap3A_455 = arith.index_cast %add3A_399 : i32 to index
          %swap3A_456 = arith.constant 80 : index
          %swap3A_457 = tpu.vector_load %arg11[%swap3A_455, %swap3A_456] {strides = array<i32>} : memref<128x128xf32, #tpu.memory_space<vmem>>, vector<1x16xf32>,
          %swap3A_458 = vector.shape_cast %swap3A_457 : vector<1x16xf32> to vector<16xf32>
          %swap3A_459 = vector.shape_cast %mul3A_454 : vector<16xf32> to vector<1x16xf32>
          tpu.vector_store %arg11[%swap3A_455, %swap3A_456], %swap3A_459 {strides = array<i32>} : memref<128x128xf32, #tpu.memory_space<vmem>>, vector<1x16xf32>,
          %get3A_460 = arith.index_cast %add3A_399 : i32 to index
          %get3A_461 = arith.constant 96 : index
          %get3A_462 = tpu.vector_load %arg11[%get3A_460, %get3A_461] {strides = array<i32>} : memref<128x128xf32, #tpu.memory_space<vmem>>, vector<1x16xf32>,
          %get3A_463 = vector.shape_cast %get3A_462 : vector<1x16xf32> to vector<16xf32>
          %mul3A_464 = arith.mulf %get3A_463, %gather3A_395 : vector<16xf32>
          %swap3A_465 = arith.index_cast %add3A_399 : i32 to index
          %swap3A_466 = arith.constant 96 : index
          %swap3A_467 = tpu.vector_load %arg11[%swap3A_465, %swap3A_466] {strides = array<i32>} : memref<128x128xf32, #tpu.memory_space<vmem>>, vector<1x16xf32>,
          %swap3A_468 = vector.shape_cast %swap3A_467 : vector<1x16xf32> to vector<16xf32>
          %swap3A_469 = vector.shape_cast %mul3A_464 : vector<16xf32> to vector<1x16xf32>
          tpu.vector_store %arg11[%swap3A_465, %swap3A_466], %swap3A_469 {strides = array<i32>} : memref<128x128xf32, #tpu.memory_space<vmem>>, vector<1x16xf32>,
          %get3A_470 = arith.index_cast %add3A_399 : i32 to index
          %get3A_471 = arith.constant 112 : index
          %get3A_472 = tpu.vector_load %arg11[%get3A_470, %get3A_471] {strides = array<i32>} : memref<128x128xf32, #tpu.memory_space<vmem>>, vector<1x16xf32>,
          %get3A_473 = vector.shape_cast %get3A_472 : vector<1x16xf32> to vector<16xf32>
          %mul3A_474 = arith.mulf %get3A_473, %gather3A_395 : vector<16xf32>
          %swap3A_475 = arith.index_cast %add3A_399 : i32 to index
          %swap3A_476 = arith.constant 112 : index
          %swap3A_477 = tpu.vector_load %arg11[%swap3A_475, %swap3A_476] {strides = array<i32>} : memref<128x128xf32, #tpu.memory_space<vmem>>, vector<1x16xf32>,
          %swap3A_478 = vector.shape_cast %swap3A_477 : vector<1x16xf32> to vector<16xf32>
          %swap3A_479 = vector.shape_cast %mul3A_474 : vector<16xf32> to vector<1x16xf32>
          tpu.vector_store %arg11[%swap3A_475, %swap3A_476], %swap3A_479 {strides = array<i32>} : memref<128x128xf32, #tpu.memory_space<vmem>>, vector<1x16xf32>,
          %broadcast_in_dim3A_480 = arith.constant 4 : i32
          %broadcast_in_dim3A_481 = vector.broadcast %broadcast_in_dim3A_480 : i32 to vector<16xi32>
          %lt3A_482 = arith.constant 0 : i32
          %lt3A_483 = vector.broadcast %lt3A_482 : i32 to vector<16xi32>
          %lt3A_484 = arith.cmpi slt, %broadcast_in_dim3A_481, %lt3A_483 : vector<16xi32>
          %add3A_485 = arith.constant 16 : i32
          %add3A_486 = vector.broadcast %add3A_485 : i32 to vector<16xi32>
          %add3A_487 = arith.addi %broadcast_in_dim3A_481, %add3A_486 : vector<16xi32>
          %select_n3A_488 = arith.select %lt3A_484, %add3A_487, %broadcast_in_dim3A_481 : vector<16xi1>, vector<16xi32>
          %reshape3A_489 = vector.shape_cast %select_n3A_488 : vector<16xi32> to vector<16x1xi32>
          %gather3A_490 = vector.shape_cast %reshape3A_489 : vector<16x1xi32> to vector<16xi32>
          %gather3A_491 = tpu.dynamic_gather %get3A_99[%gather3A_490] in [0] : vector<16xf32>, vector<16xi32> -> vector<16xf32>
          %mul3A_492 = arith.constant 16 : i32
          %mul3A_493 = arith.muli %add3A_95, %mul3A_492 : i32
          %add3A_494 = arith.constant 4 : i32
          %add3A_495 = arith.addi %mul3A_493, %add3A_494 : i32
          %get3A_496 = arith.index_cast %add3A_495 : i32 to index
          %get3A_497 = arith.constant 0 : index
          %get3A_498 = tpu.vector_load %arg11[%get3A_496, %get3A_497] {strides = array<i32>} : memref<128x128xf32, #tpu.memory_space<vmem>>, vector<1x16xf32>,
          %get3A_499 = vector.shape_cast %get3A_498 : vector<1x16xf32> to vector<16xf32>
          %mul3A_500 = arith.mulf %get3A_499, %gather3A_491 : vector<16xf32>
          %swap3A_501 = arith.index_cast %add3A_495 : i32 to index
          %swap3A_502 = arith.constant 0 : index
          %swap3A_503 = tpu.vector_load %arg11[%swap3A_501, %swap3A_502] {strides = array<i32>} : memref<128x128xf32, #tpu.memory_space<vmem>>, vector<1x16xf32>,
          %swap3A_504 = vector.shape_cast %swap3A_503 : vector<1x16xf32> to vector<16xf32>
          %swap3A_505 = vector.shape_cast %mul3A_500 : vector<16xf32> to vector<1x16xf32>
          tpu.vector_store %arg11[%swap3A_501, %swap3A_502], %swap3A_505 {strides = array<i32>} : memref<128x128xf32, #tpu.memory_space<vmem>>, vector<1x16xf32>,
          %get3A_506 = arith.index_cast %add3A_495 : i32 to index
          %get3A_507 = arith.constant 16 : index
          %get3A_508 = tpu.vector_load %arg11[%get3A_506, %get3A_507] {strides = array<i32>} : memref<128x128xf32, #tpu.memory_space<vmem>>, vector<1x16xf32>,
          %get3A_509 = vector.shape_cast %get3A_508 : vector<1x16xf32> to vector<16xf32>
          %mul3A_510 = arith.mulf %get3A_509, %gather3A_491 : vector<16xf32>
          %swap3A_511 = arith.index_cast %add3A_495 : i32 to index
          %swap3A_512 = arith.constant 16 : index
          %swap3A_513 = tpu.vector_load %arg11[%swap3A_511, %swap3A_512] {strides = array<i32>} : memref<128x128xf32, #tpu.memory_space<vmem>>, vector<1x16xf32>,
          %swap3A_514 = vector.shape_cast %swap3A_513 : vector<1x16xf32> to vector<16xf32>
          %swap3A_515 = vector.shape_cast %mul3A_510 : vector<16xf32> to vector<1x16xf32>
          tpu.vector_store %arg11[%swap3A_511, %swap3A_512], %swap3A_515 {strides = array<i32>} : memref<128x128xf32, #tpu.memory_space<vmem>>, vector<1x16xf32>,
          %get3A_516 = arith.index_cast %add3A_495 : i32 to index
          %get3A_517 = arith.constant 32 : index
          %get3A_518 = tpu.vector_load %arg11[%get3A_516, %get3A_517] {strides = array<i32>} : memref<128x128xf32, #tpu.memory_space<vmem>>, vector<1x16xf32>,
          %get3A_519 = vector.shape_cast %get3A_518 : vector<1x16xf32> to vector<16xf32>
          %mul3A_520 = arith.mulf %get3A_519, %gather3A_491 : vector<16xf32>
          %swap3A_521 = arith.index_cast %add3A_495 : i32 to index
          %swap3A_522 = arith.constant 32 : index
          %swap3A_523 = tpu.vector_load %arg11[%swap3A_521, %swap3A_522] {strides = array<i32>} : memref<128x128xf32, #tpu.memory_space<vmem>>, vector<1x16xf32>,
          %swap3A_524 = vector.shape_cast %swap3A_523 : vector<1x16xf32> to vector<16xf32>
          %swap3A_525 = vector.shape_cast %mul3A_520 : vector<16xf32> to vector<1x16xf32>
          tpu.vector_store %arg11[%swap3A_521, %swap3A_522], %swap3A_525 {strides = array<i32>} : memref<128x128xf32, #tpu.memory_space<vmem>>, vector<1x16xf32>,
          %get3A_526 = arith.index_cast %add3A_495 : i32 to index
          %get3A_527 = arith.constant 48 : index
          %get3A_528 = tpu.vector_load %arg11[%get3A_526, %get3A_527] {strides = array<i32>} : memref<128x128xf32, #tpu.memory_space<vmem>>, vector<1x16xf32>,
          %get3A_529 = vector.shape_cast %get3A_528 : vector<1x16xf32> to vector<16xf32>
          %mul3A_530 = arith.mulf %get3A_529, %gather3A_491 : vector<16xf32>
          %swap3A_531 = arith.index_cast %add3A_495 : i32 to index
          %swap3A_532 = arith.constant 48 : index
          %swap3A_533 = tpu.vector_load %arg11[%swap3A_531, %swap3A_532] {strides = array<i32>} : memref<128x128xf32, #tpu.memory_space<vmem>>, vector<1x16xf32>,
          %swap3A_534 = vector.shape_cast %swap3A_533 : vector<1x16xf32> to vector<16xf32>
          %swap3A_535 = vector.shape_cast %mul3A_530 : vector<16xf32> to vector<1x16xf32>
          tpu.vector_store %arg11[%swap3A_531, %swap3A_532], %swap3A_535 {strides = array<i32>} : memref<128x128xf32, #tpu.memory_space<vmem>>, vector<1x16xf32>,
          %get3A_536 = arith.index_cast %add3A_495 : i32 to index
          %get3A_537 = arith.constant 64 : index
          %get3A_538 = tpu.vector_load %arg11[%get3A_536, %get3A_537] {strides = array<i32>} : memref<128x128xf32, #tpu.memory_space<vmem>>, vector<1x16xf32>,
          %get3A_539 = vector.shape_cast %get3A_538 : vector<1x16xf32> to vector<16xf32>
          %mul3A_540 = arith.mulf %get3A_539, %gather3A_491 : vector<16xf32>
          %swap3A_541 = arith.index_cast %add3A_495 : i32 to index
          %swap3A_542 = arith.constant 64 : index
          %swap3A_543 = tpu.vector_load %arg11[%swap3A_541, %swap3A_542] {strides = array<i32>} : memref<128x128xf32, #tpu.memory_space<vmem>>, vector<1x16xf32>,
          %swap3A_544 = vector.shape_cast %swap3A_543 : vector<1x16xf32> to vector<16xf32>
          %swap3A_545 = vector.shape_cast %mul3A_540 : vector<16xf32> to vector<1x16xf32>
          tpu.vector_store %arg11[%swap3A_541, %swap3A_542], %swap3A_545 {strides = array<i32>} : memref<128x128xf32, #tpu.memory_space<vmem>>, vector<1x16xf32>,
          %get3A_546 = arith.index_cast %add3A_495 : i32 to index
          %get3A_547 = arith.constant 80 : index
          %get3A_548 = tpu.vector_load %arg11[%get3A_546, %get3A_547] {strides = array<i32>} : memref<128x128xf32, #tpu.memory_space<vmem>>, vector<1x16xf32>,
          %get3A_549 = vector.shape_cast %get3A_548 : vector<1x16xf32> to vector<16xf32>
          %mul3A_550 = arith.mulf %get3A_549, %gather3A_491 : vector<16xf32>
          %swap3A_551 = arith.index_cast %add3A_495 : i32 to index
          %swap3A_552 = arith.constant 80 : index
          %swap3A_553 = tpu.vector_load %arg11[%swap3A_551, %swap3A_552] {strides = array<i32>} : memref<128x128xf32, #tpu.memory_space<vmem>>, vector<1x16xf32>,
          %swap3A_554 = vector.shape_cast %swap3A_553 : vector<1x16xf32> to vector<16xf32>
          %swap3A_555 = vector.shape_cast %mul3A_550 : vector<16xf32> to vector<1x16xf32>
          tpu.vector_store %arg11[%swap3A_551, %swap3A_552], %swap3A_555 {strides = array<i32>} : memref<128x128xf32, #tpu.memory_space<vmem>>, vector<1x16xf32>,
          %get3A_556 = arith.index_cast %add3A_495 : i32 to index
          %get3A_557 = arith.constant 96 : index
          %get3A_558 = tpu.vector_load %arg11[%get3A_556, %get3A_557] {strides = array<i32>} : memref<128x128xf32, #tpu.memory_space<vmem>>, vector<1x16xf32>,
          %get3A_559 = vector.shape_cast %get3A_558 : vector<1x16xf32> to vector<16xf32>
          %mul3A_560 = arith.mulf %get3A_559, %gather3A_491 : vector<16xf32>
          %swap3A_561 = arith.index_cast %add3A_495 : i32 to index
          %swap3A_562 = arith.constant 96 : index
          %swap3A_563 = tpu.vector_load %arg11[%swap3A_561, %swap3A_562] {strides = array<i32>} : memref<128x128xf32, #tpu.memory_space<vmem>>, vector<1x16xf32>,
          %swap3A_564 = vector.shape_cast %swap3A_563 : vector<1x16xf32> to vector<16xf32>
          %swap3A_565 = vector.shape_cast %mul3A_560 : vector<16xf32> to vector<1x16xf32>
          tpu.vector_store %arg11[%swap3A_561, %swap3A_562], %swap3A_565 {strides = array<i32>} : memref<128x128xf32, #tpu.memory_space<vmem>>, vector<1x16xf32>,
          %get3A_566 = arith.index_cast %add3A_495 : i32 to index
          %get3A_567 = arith.constant 112 : index
          %get3A_568 = tpu.vector_load %arg11[%get3A_566, %get3A_567] {strides = array<i32>} : memref<128x128xf32, #tpu.memory_space<vmem>>, vector<1x16xf32>,
          %get3A_569 = vector.shape_cast %get3A_568 : vector<1x16xf32> to vector<16xf32>
          %mul3A_570 = arith.mulf %get3A_569, %gather3A_491 : vector<16xf32>
          %swap3A_571 = arith.index_cast %add3A_495 : i32 to index
          %swap3A_572 = arith.constant 112 : index
          %swap3A_573 = tpu.vector_load %arg11[%swap3A_571, %swap3A_572] {strides = array<i32>} : memref<128x128xf32, #tpu.memory_space<vmem>>, vector<1x16xf32>,
          %swap3A_574 = vector.shape_cast %swap3A_573 : vector<1x16xf32> to vector<16xf32>
          %swap3A_575 = vector.shape_cast %mul3A_570 : vector<16xf32> to vector<1x16xf32>
          tpu.vector_store %arg11[%swap3A_571, %swap3A_572], %swap3A_575 {strides = array<i32>} : memref<128x128xf32, #tpu.memory_space<vmem>>, vector<1x16xf32>,
          %broadcast_in_dim3A_576 = arith.constant 5 : i32
          %broadcast_in_dim3A_577 = vector.broadcast %broadcast_in_dim3A_576 : i32 to vector<16xi32>
          %lt3A_578 = arith.constant 0 : i32
          %lt3A_579 = vector.broadcast %lt3A_578 : i32 to vector<16xi32>
          %lt3A_580 = arith.cmpi slt, %broadcast_in_dim3A_577, %lt3A_579 : vector<16xi32>
          %add3A_581 = arith.constant 16 : i32
          %add3A_582 = vector.broadcast %add3A_581 : i32 to vector<16xi32>
          %add3A_583 = arith.addi %broadcast_in_dim3A_577, %add3A_582 : vector<16xi32>
          %select_n3A_584 = arith.select %lt3A_580, %add3A_583, %broadcast_in_dim3A_577 : vector<16xi1>, vector<16xi32>
          %reshape3A_585 = vector.shape_cast %select_n3A_584 : vector<16xi32> to vector<16x1xi32>
          %gather3A_586 = vector.shape_cast %reshape3A_585 : vector<16x1xi32> to vector<16xi32>
          %gather3A_587 = tpu.dynamic_gather %get3A_99[%gather3A_586] in [0] : vector<16xf32>, vector<16xi32> -> vector<16xf32>
          %mul3A_588 = arith.constant 16 : i32
          %mul3A_589 = arith.muli %add3A_95, %mul3A_588 : i32
          %add3A_590 = arith.constant 5 : i32
          %add3A_591 = arith.addi %mul3A_589, %add3A_590 : i32
          %get3A_592 = arith.index_cast %add3A_591 : i32 to index
          %get3A_593 = arith.constant 0 : index
          %get3A_594 = tpu.vector_load %arg11[%get3A_592, %get3A_593] {strides = array<i32>} : memref<128x128xf32, #tpu.memory_space<vmem>>, vector<1x16xf32>,
          %get3A_595 = vector.shape_cast %get3A_594 : vector<1x16xf32> to vector<16xf32>
          %mul3A_596 = arith.mulf %get3A_595, %gather3A_587 : vector<16xf32>
          %swap3A_597 = arith.index_cast %add3A_591 : i32 to index
          %swap3A_598 = arith.constant 0 : index
          %swap3A_599 = tpu.vector_load %arg11[%swap3A_597, %swap3A_598] {strides = array<i32>} : memref<128x128xf32, #tpu.memory_space<vmem>>, vector<1x16xf32>,
          %swap3A_600 = vector.shape_cast %swap3A_599 : vector<1x16xf32> to vector<16xf32>
          %swap3A_601 = vector.shape_cast %mul3A_596 : vector<16xf32> to vector<1x16xf32>
          tpu.vector_store %arg11[%swap3A_597, %swap3A_598], %swap3A_601 {strides = array<i32>} : memref<128x128xf32, #tpu.memory_space<vmem>>, vector<1x16xf32>,
          %get3A_602 = arith.index_cast %add3A_591 : i32 to index
          %get3A_603 = arith.constant 16 : index
          %get3A_604 = tpu.vector_load %arg11[%get3A_602, %get3A_603] {strides = array<i32>} : memref<128x128xf32, #tpu.memory_space<vmem>>, vector<1x16xf32>,
          %get3A_605 = vector.shape_cast %get3A_604 : vector<1x16xf32> to vector<16xf32>
          %mul3A_606 = arith.mulf %get3A_605, %gather3A_587 : vector<16xf32>
          %swap3A_607 = arith.index_cast %add3A_591 : i32 to index
          %swap3A_608 = arith.constant 16 : index
          %swap3A_609 = tpu.vector_load %arg11[%swap3A_607, %swap3A_608] {strides = array<i32>} : memref<128x128xf32, #tpu.memory_space<vmem>>, vector<1x16xf32>,
          %swap3A_610 = vector.shape_cast %swap3A_609 : vector<1x16xf32> to vector<16xf32>
          %swap3A_611 = vector.shape_cast %mul3A_606 : vector<16xf32> to vector<1x16xf32>
          tpu.vector_store %arg11[%swap3A_607, %swap3A_608], %swap3A_611 {strides = array<i32>} : memref<128x128xf32, #tpu.memory_space<vmem>>, vector<1x16xf32>,
          %get3A_612 = arith.index_cast %add3A_591 : i32 to index
          %get3A_613 = arith.constant 32 : index
          %get3A_614 = tpu.vector_load %arg11[%get3A_612, %get3A_613] {strides = array<i32>} : memref<128x128xf32, #tpu.memory_space<vmem>>, vector<1x16xf32>,
          %get3A_615 = vector.shape_cast %get3A_614 : vector<1x16xf32> to vector<16xf32>
          %mul3A_616 = arith.mulf %get3A_615, %gather3A_587 : vector<16xf32>
          %swap3A_617 = arith.index_cast %add3A_591 : i32 to index
          %swap3A_618 = arith.constant 32 : index
          %swap3A_619 = tpu.vector_load %arg11[%swap3A_617, %swap3A_618] {strides = array<i32>} : memref<128x128xf32, #tpu.memory_space<vmem>>, vector<1x16xf32>,
          %swap3A_620 = vector.shape_cast %swap3A_619 : vector<1x16xf32> to vector<16xf32>
          %swap3A_621 = vector.shape_cast %mul3A_616 : vector<16xf32> to vector<1x16xf32>
          tpu.vector_store %arg11[%swap3A_617, %swap3A_618], %swap3A_621 {strides = array<i32>} : memref<128x128xf32, #tpu.memory_space<vmem>>, vector<1x16xf32>,
          %get3A_622 = arith.index_cast %add3A_591 : i32 to index
          %get3A_623 = arith.constant 48 : index
          %get3A_624 = tpu.vector_load %arg11[%get3A_622, %get3A_623] {strides = array<i32>} : memref<128x128xf32, #tpu.memory_space<vmem>>, vector<1x16xf32>,
          %get3A_625 = vector.shape_cast %get3A_624 : vector<1x16xf32> to vector<16xf32>
          %mul3A_626 = arith.mulf %get3A_625, %gather3A_587 : vector<16xf32>
          %swap3A_627 = arith.index_cast %add3A_591 : i32 to index
          %swap3A_628 = arith.constant 48 : index
          %swap3A_629 = tpu.vector_load %arg11[%swap3A_627, %swap3A_628] {strides = array<i32>} : memref<128x128xf32, #tpu.memory_space<vmem>>, vector<1x16xf32>,
          %swap3A_630 = vector.shape_cast %swap3A_629 : vector<1x16xf32> to vector<16xf32>
          %swap3A_631 = vector.shape_cast %mul3A_626 : vector<16xf32> to vector<1x16xf32>
          tpu.vector_store %arg11[%swap3A_627, %swap3A_628], %swap3A_631 {strides = array<i32>} : memref<128x128xf32, #tpu.memory_space<vmem>>, vector<1x16xf32>,
          %get3A_632 = arith.index_cast %add3A_591 : i32 to index
          %get3A_633 = arith.constant 64 : index
          %get3A_634 = tpu.vector_load %arg11[%get3A_632, %get3A_633] {strides = array<i32>} : memref<128x128xf32, #tpu.memory_space<vmem>>, vector<1x16xf32>,
          %get3A_635 = vector.shape_cast %get3A_634 : vector<1x16xf32> to vector<16xf32>
          %mul3A_636 = arith.mulf %get3A_635, %gather3A_587 : vector<16xf32>
          %swap3A_637 = arith.index_cast %add3A_591 : i32 to index
          %swap3A_638 = arith.constant 64 : index
          %swap3A_639 = tpu.vector_load %arg11[%swap3A_637, %swap3A_638] {strides = array<i32>} : memref<128x128xf32, #tpu.memory_space<vmem>>, vector<1x16xf32>,
          %swap3A_640 = vector.shape_cast %swap3A_639 : vector<1x16xf32> to vector<16xf32>
          %swap3A_641 = vector.shape_cast %mul3A_636 : vector<16xf32> to vector<1x16xf32>
          tpu.vector_store %arg11[%swap3A_637, %swap3A_638], %swap3A_641 {strides = array<i32>} : memref<128x128xf32, #tpu.memory_space<vmem>>, vector<1x16xf32>,
          %get3A_642 = arith.index_cast %add3A_591 : i32 to index
          %get3A_643 = arith.constant 80 : index
          %get3A_644 = tpu.vector_load %arg11[%get3A_642, %get3A_643] {strides = array<i32>} : memref<128x128xf32, #tpu.memory_space<vmem>>, vector<1x16xf32>,
          %get3A_645 = vector.shape_cast %get3A_644 : vector<1x16xf32> to vector<16xf32>
          %mul3A_646 = arith.mulf %get3A_645, %gather3A_587 : vector<16xf32>
          %swap3A_647 = arith.index_cast %add3A_591 : i32 to index
          %swap3A_648 = arith.constant 80 : index
          %swap3A_649 = tpu.vector_load %arg11[%swap3A_647, %swap3A_648] {strides = array<i32>} : memref<128x128xf32, #tpu.memory_space<vmem>>, vector<1x16xf32>,
          %swap3A_650 = vector.shape_cast %swap3A_649 : vector<1x16xf32> to vector<16xf32>
          %swap3A_651 = vector.shape_cast %mul3A_646 : vector<16xf32> to vector<1x16xf32>
          tpu.vector_store %arg11[%swap3A_647, %swap3A_648], %swap3A_651 {strides = array<i32>} : memref<128x128xf32, #tpu.memory_space<vmem>>, vector<1x16xf32>,
          %get3A_652 = arith.index_cast %add3A_591 : i32 to index
          %get3A_653 = arith.constant 96 : index
          %get3A_654 = tpu.vector_load %arg11[%get3A_652, %get3A_653] {strides = array<i32>} : memref<128x128xf32, #tpu.memory_space<vmem>>, vector<1x16xf32>,
          %get3A_655 = vector.shape_cast %get3A_654 : vector<1x16xf32> to vector<16xf32>
          %mul3A_656 = arith.mulf %get3A_655, %gather3A_587 : vector<16xf32>
          %swap3A_657 = arith.index_cast %add3A_591 : i32 to index
          %swap3A_658 = arith.constant 96 : index
          %swap3A_659 = tpu.vector_load %arg11[%swap3A_657, %swap3A_658] {strides = array<i32>} : memref<128x128xf32, #tpu.memory_space<vmem>>, vector<1x16xf32>,
          %swap3A_660 = vector.shape_cast %swap3A_659 : vector<1x16xf32> to vector<16xf32>
          %swap3A_661 = vector.shape_cast %mul3A_656 : vector<16xf32> to vector<1x16xf32>
          tpu.vector_store %arg11[%swap3A_657, %swap3A_658], %swap3A_661 {strides = array<i32>} : memref<128x128xf32, #tpu.memory_space<vmem>>, vector<1x16xf32>,
          %get3A_662 = arith.index_cast %add3A_591 : i32 to index
          %get3A_663 = arith.constant 112 : index
          %get3A_664 = tpu.vector_load %arg11[%get3A_662, %get3A_663] {strides = array<i32>} : memref<128x128xf32, #tpu.memory_space<vmem>>, vector<1x16xf32>,
          %get3A_665 = vector.shape_cast %get3A_664 : vector<1x16xf32> to vector<16xf32>
          %mul3A_666 = arith.mulf %get3A_665, %gather3A_587 : vector<16xf32>
          %swap3A_667 = arith.index_cast %add3A_591 : i32 to index
          %swap3A_668 = arith.constant 112 : index
          %swap3A_669 = tpu.vector_load %arg11[%swap3A_667, %swap3A_668] {strides = array<i32>} : memref<128x128xf32, #tpu.memory_space<vmem>>, vector<1x16xf32>,
          %swap3A_670 = vector.shape_cast %swap3A_669 : vector<1x16xf32> to vector<16xf32>
          %swap3A_671 = vector.shape_cast %mul3A_666 : vector<16xf32> to vector<1x16xf32>
          tpu.vector_store %arg11[%swap3A_667, %swap3A_668], %swap3A_671 {strides = array<i32>} : memref<128x128xf32, #tpu.memory_space<vmem>>, vector<1x16xf32>,
          %broadcast_in_dim3A_672 = arith.constant 6 : i32
          %broadcast_in_dim3A_673 = vector.broadcast %broadcast_in_dim3A_672 : i32 to vector<16xi32>
          %lt3A_674 = arith.constant 0 : i32
          %lt3A_675 = vector.broadcast %lt3A_674 : i32 to vector<16xi32>
          %lt3A_676 = arith.cmpi slt, %broadcast_in_dim3A_673, %lt3A_675 : vector<16xi32>
          %add3A_677 = arith.constant 16 : i32
          %add3A_678 = vector.broadcast %add3A_677 : i32 to vector<16xi32>
          %add3A_679 = arith.addi %broadcast_in_dim3A_673, %add3A_678 : vector<16xi32>
          %select_n3A_680 = arith.select %lt3A_676, %add3A_679, %broadcast_in_dim3A_673 : vector<16xi1>, vector<16xi32>
          %reshape3A_681 = vector.shape_cast %select_n3A_680 : vector<16xi32> to vector<16x1xi32>
          %gather3A_682 = vector.shape_cast %reshape3A_681 : vector<16x1xi32> to vector<16xi32>
          %gather3A_683 = tpu.dynamic_gather %get3A_99[%gather3A_682] in [0] : vector<16xf32>, vector<16xi32> -> vector<16xf32>
          %mul3A_684 = arith.constant 16 : i32
          %mul3A_685 = arith.muli %add3A_95, %mul3A_684 : i32
          %add3A_686 = arith.constant 6 : i32
          %add3A_687 = arith.addi %mul3A_685, %add3A_686 : i32
          %get3A_688 = arith.index_cast %add3A_687 : i32 to index
          %get3A_689 = arith.constant 0 : index
          %get3A_690 = tpu.vector_load %arg11[%get3A_688, %get3A_689] {strides = array<i32>} : memref<128x128xf32, #tpu.memory_space<vmem>>, vector<1x16xf32>,
          %get3A_691 = vector.shape_cast %get3A_690 : vector<1x16xf32> to vector<16xf32>
          %mul3A_692 = arith.mulf %get3A_691, %gather3A_683 : vector<16xf32>
          %swap3A_693 = arith.index_cast %add3A_687 : i32 to index
          %swap3A_694 = arith.constant 0 : index
          %swap3A_695 = tpu.vector_load %arg11[%swap3A_693, %swap3A_694] {strides = array<i32>} : memref<128x128xf32, #tpu.memory_space<vmem>>, vector<1x16xf32>,
          %swap3A_696 = vector.shape_cast %swap3A_695 : vector<1x16xf32> to vector<16xf32>
          %swap3A_697 = vector.shape_cast %mul3A_692 : vector<16xf32> to vector<1x16xf32>
          tpu.vector_store %arg11[%swap3A_693, %swap3A_694], %swap3A_697 {strides = array<i32>} : memref<128x128xf32, #tpu.memory_space<vmem>>, vector<1x16xf32>,
          %get3A_698 = arith.index_cast %add3A_687 : i32 to index
          %get3A_699 = arith.constant 16 : index
          %get3A_700 = tpu.vector_load %arg11[%get3A_698, %get3A_699] {strides = array<i32>} : memref<128x128xf32, #tpu.memory_space<vmem>>, vector<1x16xf32>,
          %get3A_701 = vector.shape_cast %get3A_700 : vector<1x16xf32> to vector<16xf32>
          %mul3A_702 = arith.mulf %get3A_701, %gather3A_683 : vector<16xf32>
          %swap3A_703 = arith.index_cast %add3A_687 : i32 to index
          %swap3A_704 = arith.constant 16 : index
          %swap3A_705 = tpu.vector_load %arg11[%swap3A_703, %swap3A_704] {strides = array<i32>} : memref<128x128xf32, #tpu.memory_space<vmem>>, vector<1x16xf32>,
          %swap3A_706 = vector.shape_cast %swap3A_705 : vector<1x16xf32> to vector<16xf32>
          %swap3A_707 = vector.shape_cast %mul3A_702 : vector<16xf32> to vector<1x16xf32>
          tpu.vector_store %arg11[%swap3A_703, %swap3A_704], %swap3A_707 {strides = array<i32>} : memref<128x128xf32, #tpu.memory_space<vmem>>, vector<1x16xf32>,
          %get3A_708 = arith.index_cast %add3A_687 : i32 to index
          %get3A_709 = arith.constant 32 : index
          %get3A_710 = tpu.vector_load %arg11[%get3A_708, %get3A_709] {strides = array<i32>} : memref<128x128xf32, #tpu.memory_space<vmem>>, vector<1x16xf32>,
          %get3A_711 = vector.shape_cast %get3A_710 : vector<1x16xf32> to vector<16xf32>
          %mul3A_712 = arith.mulf %get3A_711, %gather3A_683 : vector<16xf32>
          %swap3A_713 = arith.index_cast %add3A_687 : i32 to index
          %swap3A_714 = arith.constant 32 : index
          %swap3A_715 = tpu.vector_load %arg11[%swap3A_713, %swap3A_714] {strides = array<i32>} : memref<128x128xf32, #tpu.memory_space<vmem>>, vector<1x16xf32>,
          %swap3A_716 = vector.shape_cast %swap3A_715 : vector<1x16xf32> to vector<16xf32>
          %swap3A_717 = vector.shape_cast %mul3A_712 : vector<16xf32> to vector<1x16xf32>
          tpu.vector_store %arg11[%swap3A_713, %swap3A_714], %swap3A_717 {strides = array<i32>} : memref<128x128xf32, #tpu.memory_space<vmem>>, vector<1x16xf32>,
          %get3A_718 = arith.index_cast %add3A_687 : i32 to index
          %get3A_719 = arith.constant 48 : index
          %get3A_720 = tpu.vector_load %arg11[%get3A_718, %get3A_719] {strides = array<i32>} : memref<128x128xf32, #tpu.memory_space<vmem>>, vector<1x16xf32>,
          %get3A_721 = vector.shape_cast %get3A_720 : vector<1x16xf32> to vector<16xf32>
          %mul3A_722 = arith.mulf %get3A_721, %gather3A_683 : vector<16xf32>
          %swap3A_723 = arith.index_cast %add3A_687 : i32 to index
          %swap3A_724 = arith.constant 48 : index
          %swap3A_725 = tpu.vector_load %arg11[%swap3A_723, %swap3A_724] {strides = array<i32>} : memref<128x128xf32, #tpu.memory_space<vmem>>, vector<1x16xf32>,
          %swap3A_726 = vector.shape_cast %swap3A_725 : vector<1x16xf32> to vector<16xf32>
          %swap3A_727 = vector.shape_cast %mul3A_722 : vector<16xf32> to vector<1x16xf32>
          tpu.vector_store %arg11[%swap3A_723, %swap3A_724], %swap3A_727 {strides = array<i32>} : memref<128x128xf32, #tpu.memory_space<vmem>>, vector<1x16xf32>,
          %get3A_728 = arith.index_cast %add3A_687 : i32 to index
          %get3A_729 = arith.constant 64 : index
          %get3A_730 = tpu.vector_load %arg11[%get3A_728, %get3A_729] {strides = array<i32>} : memref<128x128xf32, #tpu.memory_space<vmem>>, vector<1x16xf32>,
          %get3A_731 = vector.shape_cast %get3A_730 : vector<1x16xf32> to vector<16xf32>
          %mul3A_732 = arith.mulf %get3A_731, %gather3A_683 : vector<16xf32>
          %swap3A_733 = arith.index_cast %add3A_687 : i32 to index
          %swap3A_734 = arith.constant 64 : index
          %swap3A_735 = tpu.vector_load %arg11[%swap3A_733, %swap3A_734] {strides = array<i32>} : memref<128x128xf32, #tpu.memory_space<vmem>>, vector<1x16xf32>,
          %swap3A_736 = vector.shape_cast %swap3A_735 : vector<1x16xf32> to vector<16xf32>
          %swap3A_737 = vector.shape_cast %mul3A_732 : vector<16xf32> to vector<1x16xf32>
          tpu.vector_store %arg11[%swap3A_733, %swap3A_734], %swap3A_737 {strides = array<i32>} : memref<128x128xf32, #tpu.memory_space<vmem>>, vector<1x16xf32>,
          %get3A_738 = arith.index_cast %add3A_687 : i32 to index
          %get3A_739 = arith.constant 80 : index
          %get3A_740 = tpu.vector_load %arg11[%get3A_738, %get3A_739] {strides = array<i32>} : memref<128x128xf32, #tpu.memory_space<vmem>>, vector<1x16xf32>,
          %get3A_741 = vector.shape_cast %get3A_740 : vector<1x16xf32> to vector<16xf32>
          %mul3A_742 = arith.mulf %get3A_741, %gather3A_683 : vector<16xf32>
          %swap3A_743 = arith.index_cast %add3A_687 : i32 to index
          %swap3A_744 = arith.constant 80 : index
          %swap3A_745 = tpu.vector_load %arg11[%swap3A_743, %swap3A_744] {strides = array<i32>} : memref<128x128xf32, #tpu.memory_space<vmem>>, vector<1x16xf32>,
          %swap3A_746 = vector.shape_cast %swap3A_745 : vector<1x16xf32> to vector<16xf32>
          %swap3A_747 = vector.shape_cast %mul3A_742 : vector<16xf32> to vector<1x16xf32>
          tpu.vector_store %arg11[%swap3A_743, %swap3A_744], %swap3A_747 {strides = array<i32>} : memref<128x128xf32, #tpu.memory_space<vmem>>, vector<1x16xf32>,
          %get3A_748 = arith.index_cast %add3A_687 : i32 to index
          %get3A_749 = arith.constant 96 : index
          %get3A_750 = tpu.vector_load %arg11[%get3A_748, %get3A_749] {strides = array<i32>} : memref<128x128xf32, #tpu.memory_space<vmem>>, vector<1x16xf32>,
          %get3A_751 = vector.shape_cast %get3A_750 : vector<1x16xf32> to vector<16xf32>
          %mul3A_752 = arith.mulf %get3A_751, %gather3A_683 : vector<16xf32>
          %swap3A_753 = arith.index_cast %add3A_687 : i32 to index
          %swap3A_754 = arith.constant 96 : index
          %swap3A_755 = tpu.vector_load %arg11[%swap3A_753, %swap3A_754] {strides = array<i32>} : memref<128x128xf32, #tpu.memory_space<vmem>>, vector<1x16xf32>,
          %swap3A_756 = vector.shape_cast %swap3A_755 : vector<1x16xf32> to vector<16xf32>
          %swap3A_757 = vector.shape_cast %mul3A_752 : vector<16xf32> to vector<1x16xf32>
          tpu.vector_store %arg11[%swap3A_753, %swap3A_754], %swap3A_757 {strides = array<i32>} : memref<128x128xf32, #tpu.memory_space<vmem>>, vector<1x16xf32>,
          %get3A_758 = arith.index_cast %add3A_687 : i32 to index
          %get3A_759 = arith.constant 112 : index
          %get3A_760 = tpu.vector_load %arg11[%get3A_758, %get3A_759] {strides = array<i32>} : memref<128x128xf32, #tpu.memory_space<vmem>>, vector<1x16xf32>,
          %get3A_761 = vector.shape_cast %get3A_760 : vector<1x16xf32> to vector<16xf32>
          %mul3A_762 = arith.mulf %get3A_761, %gather3A_683 : vector<16xf32>
          %swap3A_763 = arith.index_cast %add3A_687 : i32 to index
          %swap3A_764 = arith.constant 112 : index
          %swap3A_765 = tpu.vector_load %arg11[%swap3A_763, %swap3A_764] {strides = array<i32>} : memref<128x128xf32, #tpu.memory_space<vmem>>, vector<1x16xf32>,
          %swap3A_766 = vector.shape_cast %swap3A_765 : vector<1x16xf32> to vector<16xf32>
          %swap3A_767 = vector.shape_cast %mul3A_762 : vector<16xf32> to vector<1x16xf32>
          tpu.vector_store %arg11[%swap3A_763, %swap3A_764], %swap3A_767 {strides = array<i32>} : memref<128x128xf32, #tpu.memory_space<vmem>>, vector<1x16xf32>,
          %broadcast_in_dim3A_768 = arith.constant 7 : i32
          %broadcast_in_dim3A_769 = vector.broadcast %broadcast_in_dim3A_768 : i32 to vector<16xi32>
          %lt3A_770 = arith.constant 0 : i32
          %lt3A_771 = vector.broadcast %lt3A_770 : i32 to vector<16xi32>
          %lt3A_772 = arith.cmpi slt, %broadcast_in_dim3A_769, %lt3A_771 : vector<16xi32>
          %add3A_773 = arith.constant 16 : i32
          %add3A_774 = vector.broadcast %add3A_773 : i32 to vector<16xi32>
          %add3A_775 = arith.addi %broadcast_in_dim3A_769, %add3A_774 : vector<16xi32>
          %select_n3A_776 = arith.select %lt3A_772, %add3A_775, %broadcast_in_dim3A_769 : vector<16xi1>, vector<16xi32>
          %reshape3A_777 = vector.shape_cast %select_n3A_776 : vector<16xi32> to vector<16x1xi32>
          %gather3A_778 = vector.shape_cast %reshape3A_777 : vector<16x1xi32> to vector<16xi32>
          %gather3A_779 = tpu.dynamic_gather %get3A_99[%gather3A_778] in [0] : vector<16xf32>, vector<16xi32> -> vector<16xf32>
          %mul3A_780 = arith.constant 16 : i32
          %mul3A_781 = arith.muli %add3A_95, %mul3A_780 : i32
          %add3A_782 = arith.constant 7 : i32
          %add3A_783 = arith.addi %mul3A_781, %add3A_782 : i32
          %get3A_784 = arith.index_cast %add3A_783 : i32 to index
          %get3A_785 = arith.constant 0 : index
          %get3A_786 = tpu.vector_load %arg11[%get3A_784, %get3A_785] {strides = array<i32>} : memref<128x128xf32, #tpu.memory_space<vmem>>, vector<1x16xf32>,
          %get3A_787 = vector.shape_cast %get3A_786 : vector<1x16xf32> to vector<16xf32>
          %mul3A_788 = arith.mulf %get3A_787, %gather3A_779 : vector<16xf32>
          %swap3A_789 = arith.index_cast %add3A_783 : i32 to index
          %swap3A_790 = arith.constant 0 : index
          %swap3A_791 = tpu.vector_load %arg11[%swap3A_789, %swap3A_790] {strides = array<i32>} : memref<128x128xf32, #tpu.memory_space<vmem>>, vector<1x16xf32>,
          %swap3A_792 = vector.shape_cast %swap3A_791 : vector<1x16xf32> to vector<16xf32>
          %swap3A_793 = vector.shape_cast %mul3A_788 : vector<16xf32> to vector<1x16xf32>
          tpu.vector_store %arg11[%swap3A_789, %swap3A_790], %swap3A_793 {strides = array<i32>} : memref<128x128xf32, #tpu.memory_space<vmem>>, vector<1x16xf32>,
          %get3A_794 = arith.index_cast %add3A_783 : i32 to index
          %get3A_795 = arith.constant 16 : index
          %get3A_796 = tpu.vector_load %arg11[%get3A_794, %get3A_795] {strides = array<i32>} : memref<128x128xf32, #tpu.memory_space<vmem>>, vector<1x16xf32>,
          %get3A_797 = vector.shape_cast %get3A_796 : vector<1x16xf32> to vector<16xf32>
          %mul3A_798 = arith.mulf %get3A_797, %gather3A_779 : vector<16xf32>
          %swap3A_799 = arith.index_cast %add3A_783 : i32 to index
          %swap3A_800 = arith.constant 16 : index
          %swap3A_801 = tpu.vector_load %arg11[%swap3A_799, %swap3A_800] {strides = array<i32>} : memref<128x128xf32, #tpu.memory_space<vmem>>, vector<1x16xf32>,
          %swap3A_802 = vector.shape_cast %swap3A_801 : vector<1x16xf32> to vector<16xf32>
          %swap3A_803 = vector.shape_cast %mul3A_798 : vector<16xf32> to vector<1x16xf32>
          tpu.vector_store %arg11[%swap3A_799, %swap3A_800], %swap3A_803 {strides = array<i32>} : memref<128x128xf32, #tpu.memory_space<vmem>>, vector<1x16xf32>,
          %get3A_804 = arith.index_cast %add3A_783 : i32 to index
          %get3A_805 = arith.constant 32 : index
          %get3A_806 = tpu.vector_load %arg11[%get3A_804, %get3A_805] {strides = array<i32>} : memref<128x128xf32, #tpu.memory_space<vmem>>, vector<1x16xf32>,
          %get3A_807 = vector.shape_cast %get3A_806 : vector<1x16xf32> to vector<16xf32>
          %mul3A_808 = arith.mulf %get3A_807, %gather3A_779 : vector<16xf32>
          %swap3A_809 = arith.index_cast %add3A_783 : i32 to index
          %swap3A_810 = arith.constant 32 : index
          %swap3A_811 = tpu.vector_load %arg11[%swap3A_809, %swap3A_810] {strides = array<i32>} : memref<128x128xf32, #tpu.memory_space<vmem>>, vector<1x16xf32>,
          %swap3A_812 = vector.shape_cast %swap3A_811 : vector<1x16xf32> to vector<16xf32>
          %swap3A_813 = vector.shape_cast %mul3A_808 : vector<16xf32> to vector<1x16xf32>
          tpu.vector_store %arg11[%swap3A_809, %swap3A_810], %swap3A_813 {strides = array<i32>} : memref<128x128xf32, #tpu.memory_space<vmem>>, vector<1x16xf32>,
          %get3A_814 = arith.index_cast %add3A_783 : i32 to index
          %get3A_815 = arith.constant 48 : index
          %get3A_816 = tpu.vector_load %arg11[%get3A_814, %get3A_815] {strides = array<i32>} : memref<128x128xf32, #tpu.memory_space<vmem>>, vector<1x16xf32>,
          %get3A_817 = vector.shape_cast %get3A_816 : vector<1x16xf32> to vector<16xf32>
          %mul3A_818 = arith.mulf %get3A_817, %gather3A_779 : vector<16xf32>
          %swap3A_819 = arith.index_cast %add3A_783 : i32 to index
          %swap3A_820 = arith.constant 48 : index
          %swap3A_821 = tpu.vector_load %arg11[%swap3A_819, %swap3A_820] {strides = array<i32>} : memref<128x128xf32, #tpu.memory_space<vmem>>, vector<1x16xf32>,
          %swap3A_822 = vector.shape_cast %swap3A_821 : vector<1x16xf32> to vector<16xf32>
          %swap3A_823 = vector.shape_cast %mul3A_818 : vector<16xf32> to vector<1x16xf32>
          tpu.vector_store %arg11[%swap3A_819, %swap3A_820], %swap3A_823 {strides = array<i32>} : memref<128x128xf32, #tpu.memory_space<vmem>>, vector<1x16xf32>,
          %get3A_824 = arith.index_cast %add3A_783 : i32 to index
          %get3A_825 = arith.constant 64 : index
          %get3A_826 = tpu.vector_load %arg11[%get3A_824, %get3A_825] {strides = array<i32>} : memref<128x128xf32, #tpu.memory_space<vmem>>, vector<1x16xf32>,
          %get3A_827 = vector.shape_cast %get3A_826 : vector<1x16xf32> to vector<16xf32>
          %mul3A_828 = arith.mulf %get3A_827, %gather3A_779 : vector<16xf32>
          %swap3A_829 = arith.index_cast %add3A_783 : i32 to index
          %swap3A_830 = arith.constant 64 : index
          %swap3A_831 = tpu.vector_load %arg11[%swap3A_829, %swap3A_830] {strides = array<i32>} : memref<128x128xf32, #tpu.memory_space<vmem>>, vector<1x16xf32>,
          %swap3A_832 = vector.shape_cast %swap3A_831 : vector<1x16xf32> to vector<16xf32>
          %swap3A_833 = vector.shape_cast %mul3A_828 : vector<16xf32> to vector<1x16xf32>
          tpu.vector_store %arg11[%swap3A_829, %swap3A_830], %swap3A_833 {strides = array<i32>} : memref<128x128xf32, #tpu.memory_space<vmem>>, vector<1x16xf32>,
          %get3A_834 = arith.index_cast %add3A_783 : i32 to index
          %get3A_835 = arith.constant 80 : index
          %get3A_836 = tpu.vector_load %arg11[%get3A_834, %get3A_835] {strides = array<i32>} : memref<128x128xf32, #tpu.memory_space<vmem>>, vector<1x16xf32>,
          %get3A_837 = vector.shape_cast %get3A_836 : vector<1x16xf32> to vector<16xf32>
          %mul3A_838 = arith.mulf %get3A_837, %gather3A_779 : vector<16xf32>
          %swap3A_839 = arith.index_cast %add3A_783 : i32 to index
          %swap3A_840 = arith.constant 80 : index
          %swap3A_841 = tpu.vector_load %arg11[%swap3A_839, %swap3A_840] {strides = array<i32>} : memref<128x128xf32, #tpu.memory_space<vmem>>, vector<1x16xf32>,
          %swap3A_842 = vector.shape_cast %swap3A_841 : vector<1x16xf32> to vector<16xf32>
          %swap3A_843 = vector.shape_cast %mul3A_838 : vector<16xf32> to vector<1x16xf32>
          tpu.vector_store %arg11[%swap3A_839, %swap3A_840], %swap3A_843 {strides = array<i32>} : memref<128x128xf32, #tpu.memory_space<vmem>>, vector<1x16xf32>,
          %get3A_844 = arith.index_cast %add3A_783 : i32 to index
          %get3A_845 = arith.constant 96 : index
          %get3A_846 = tpu.vector_load %arg11[%get3A_844, %get3A_845] {strides = array<i32>} : memref<128x128xf32, #tpu.memory_space<vmem>>, vector<1x16xf32>,
          %get3A_847 = vector.shape_cast %get3A_846 : vector<1x16xf32> to vector<16xf32>
          %mul3A_848 = arith.mulf %get3A_847, %gather3A_779 : vector<16xf32>
          %swap3A_849 = arith.index_cast %add3A_783 : i32 to index
          %swap3A_850 = arith.constant 96 : index
          %swap3A_851 = tpu.vector_load %arg11[%swap3A_849, %swap3A_850] {strides = array<i32>} : memref<128x128xf32, #tpu.memory_space<vmem>>, vector<1x16xf32>,
          %swap3A_852 = vector.shape_cast %swap3A_851 : vector<1x16xf32> to vector<16xf32>
          %swap3A_853 = vector.shape_cast %mul3A_848 : vector<16xf32> to vector<1x16xf32>
          tpu.vector_store %arg11[%swap3A_849, %swap3A_850], %swap3A_853 {strides = array<i32>} : memref<128x128xf32, #tpu.memory_space<vmem>>, vector<1x16xf32>,
          %get3A_854 = arith.index_cast %add3A_783 : i32 to index
          %get3A_855 = arith.constant 112 : index
          %get3A_856 = tpu.vector_load %arg11[%get3A_854, %get3A_855] {strides = array<i32>} : memref<128x128xf32, #tpu.memory_space<vmem>>, vector<1x16xf32>,
          %get3A_857 = vector.shape_cast %get3A_856 : vector<1x16xf32> to vector<16xf32>
          %mul3A_858 = arith.mulf %get3A_857, %gather3A_779 : vector<16xf32>
          %swap3A_859 = arith.index_cast %add3A_783 : i32 to index
          %swap3A_860 = arith.constant 112 : index
          %swap3A_861 = tpu.vector_load %arg11[%swap3A_859, %swap3A_860] {strides = array<i32>} : memref<128x128xf32, #tpu.memory_space<vmem>>, vector<1x16xf32>,
          %swap3A_862 = vector.shape_cast %swap3A_861 : vector<1x16xf32> to vector<16xf32>
          %swap3A_863 = vector.shape_cast %mul3A_858 : vector<16xf32> to vector<1x16xf32>
          tpu.vector_store %arg11[%swap3A_859, %swap3A_860], %swap3A_863 {strides = array<i32>} : memref<128x128xf32, #tpu.memory_space<vmem>>, vector<1x16xf32>,
          %broadcast_in_dim3A_864 = arith.constant 8 : i32
          %broadcast_in_dim3A_865 = vector.broadcast %broadcast_in_dim3A_864 : i32 to vector<16xi32>
          %lt3A_866 = arith.constant 0 : i32
          %lt3A_867 = vector.broadcast %lt3A_866 : i32 to vector<16xi32>
          %lt3A_868 = arith.cmpi slt, %broadcast_in_dim3A_865, %lt3A_867 : vector<16xi32>
          %add3A_869 = arith.constant 16 : i32
          %add3A_870 = vector.broadcast %add3A_869 : i32 to vector<16xi32>
          %add3A_871 = arith.addi %broadcast_in_dim3A_865, %add3A_870 : vector<16xi32>
          %select_n3A_872 = arith.select %lt3A_868, %add3A_871, %broadcast_in_dim3A_865 : vector<16xi1>, vector<16xi32>
          %reshape3A_873 = vector.shape_cast %select_n3A_872 : vector<16xi32> to vector<16x1xi32>
          %gather3A_874 = vector.shape_cast %reshape3A_873 : vector<16x1xi32> to vector<16xi32>
          %gather3A_875 = tpu.dynamic_gather %get3A_99[%gather3A_874] in [0] : vector<16xf32>, vector<16xi32> -> vector<16xf32>
          %mul3A_876 = arith.constant 16 : i32
          %mul3A_877 = arith.muli %add3A_95, %mul3A_876 : i32
          %add3A_878 = arith.constant 8 : i32
          %add3A_879 = arith.addi %mul3A_877, %add3A_878 : i32
          %get3A_880 = arith.index_cast %add3A_879 : i32 to index
          %get3A_881 = arith.constant 0 : index
          %get3A_882 = tpu.vector_load %arg11[%get3A_880, %get3A_881] {strides = array<i32>} : memref<128x128xf32, #tpu.memory_space<vmem>>, vector<1x16xf32>,
          %get3A_883 = vector.shape_cast %get3A_882 : vector<1x16xf32> to vector<16xf32>
          %mul3A_884 = arith.mulf %get3A_883, %gather3A_875 : vector<16xf32>
          %swap3A_885 = arith.index_cast %add3A_879 : i32 to index
          %swap3A_886 = arith.constant 0 : index
          %swap3A_887 = tpu.vector_load %arg11[%swap3A_885, %swap3A_886] {strides = array<i32>} : memref<128x128xf32, #tpu.memory_space<vmem>>, vector<1x16xf32>,
          %swap3A_888 = vector.shape_cast %swap3A_887 : vector<1x16xf32> to vector<16xf32>
          %swap3A_889 = vector.shape_cast %mul3A_884 : vector<16xf32> to vector<1x16xf32>
          tpu.vector_store %arg11[%swap3A_885, %swap3A_886], %swap3A_889 {strides = array<i32>} : memref<128x128xf32, #tpu.memory_space<vmem>>, vector<1x16xf32>,
          %get3A_890 = arith.index_cast %add3A_879 : i32 to index
          %get3A_891 = arith.constant 16 : index
          %get3A_892 = tpu.vector_load %arg11[%get3A_890, %get3A_891] {strides = array<i32>} : memref<128x128xf32, #tpu.memory_space<vmem>>, vector<1x16xf32>,
          %get3A_893 = vector.shape_cast %get3A_892 : vector<1x16xf32> to vector<16xf32>
          %mul3A_894 = arith.mulf %get3A_893, %gather3A_875 : vector<16xf32>
          %swap3A_895 = arith.index_cast %add3A_879 : i32 to index
          %swap3A_896 = arith.constant 16 : index
          %swap3A_897 = tpu.vector_load %arg11[%swap3A_895, %swap3A_896] {strides = array<i32>} : memref<128x128xf32, #tpu.memory_space<vmem>>, vector<1x16xf32>,
          %swap3A_898 = vector.shape_cast %swap3A_897 : vector<1x16xf32> to vector<16xf32>
          %swap3A_899 = vector.shape_cast %mul3A_894 : vector<16xf32> to vector<1x16xf32>
          tpu.vector_store %arg11[%swap3A_895, %swap3A_896], %swap3A_899 {strides = array<i32>} : memref<128x128xf32, #tpu.memory_space<vmem>>, vector<1x16xf32>,
          %get3A_900 = arith.index_cast %add3A_879 : i32 to index
          %get3A_901 = arith.constant 32 : index
          %get3A_902 = tpu.vector_load %arg11[%get3A_900, %get3A_901] {strides = array<i32>} : memref<128x128xf32, #tpu.memory_space<vmem>>, vector<1x16xf32>,
          %get3A_903 = vector.shape_cast %get3A_902 : vector<1x16xf32> to vector<16xf32>
          %mul3A_904 = arith.mulf %get3A_903, %gather3A_875 : vector<16xf32>
          %swap3A_905 = arith.index_cast %add3A_879 : i32 to index
          %swap3A_906 = arith.constant 32 : index
          %swap3A_907 = tpu.vector_load %arg11[%swap3A_905, %swap3A_906] {strides = array<i32>} : memref<128x128xf32, #tpu.memory_space<vmem>>, vector<1x16xf32>,
          %swap3A_908 = vector.shape_cast %swap3A_907 : vector<1x16xf32> to vector<16xf32>
          %swap3A_909 = vector.shape_cast %mul3A_904 : vector<16xf32> to vector<1x16xf32>
          tpu.vector_store %arg11[%swap3A_905, %swap3A_906], %swap3A_909 {strides = array<i32>} : memref<128x128xf32, #tpu.memory_space<vmem>>, vector<1x16xf32>,
          %get3A_910 = arith.index_cast %add3A_879 : i32 to index
          %get3A_911 = arith.constant 48 : index
          %get3A_912 = tpu.vector_load %arg11[%get3A_910, %get3A_911] {strides = array<i32>} : memref<128x128xf32, #tpu.memory_space<vmem>>, vector<1x16xf32>,
          %get3A_913 = vector.shape_cast %get3A_912 : vector<1x16xf32> to vector<16xf32>
          %mul3A_914 = arith.mulf %get3A_913, %gather3A_875 : vector<16xf32>
          %swap3A_915 = arith.index_cast %add3A_879 : i32 to index
          %swap3A_916 = arith.constant 48 : index
          %swap3A_917 = tpu.vector_load %arg11[%swap3A_915, %swap3A_916] {strides = array<i32>} : memref<128x128xf32, #tpu.memory_space<vmem>>, vector<1x16xf32>,
          %swap3A_918 = vector.shape_cast %swap3A_917 : vector<1x16xf32> to vector<16xf32>
          %swap3A_919 = vector.shape_cast %mul3A_914 : vector<16xf32> to vector<1x16xf32>
          tpu.vector_store %arg11[%swap3A_915, %swap3A_916], %swap3A_919 {strides = array<i32>} : memref<128x128xf32, #tpu.memory_space<vmem>>, vector<1x16xf32>,
          %get3A_920 = arith.index_cast %add3A_879 : i32 to index
          %get3A_921 = arith.constant 64 : index
          %get3A_922 = tpu.vector_load %arg11[%get3A_920, %get3A_921] {strides = array<i32>} : memref<128x128xf32, #tpu.memory_space<vmem>>, vector<1x16xf32>,
          %get3A_923 = vector.shape_cast %get3A_922 : vector<1x16xf32> to vector<16xf32>
          %mul3A_924 = arith.mulf %get3A_923, %gather3A_875 : vector<16xf32>
          %swap3A_925 = arith.index_cast %add3A_879 : i32 to index
          %swap3A_926 = arith.constant 64 : index
          %swap3A_927 = tpu.vector_load %arg11[%swap3A_925, %swap3A_926] {strides = array<i32>} : memref<128x128xf32, #tpu.memory_space<vmem>>, vector<1x16xf32>,
          %swap3A_928 = vector.shape_cast %swap3A_927 : vector<1x16xf32> to vector<16xf32>
          %swap3A_929 = vector.shape_cast %mul3A_924 : vector<16xf32> to vector<1x16xf32>
          tpu.vector_store %arg11[%swap3A_925, %swap3A_926], %swap3A_929 {strides = array<i32>} : memref<128x128xf32, #tpu.memory_space<vmem>>, vector<1x16xf32>,
          %get3A_930 = arith.index_cast %add3A_879 : i32 to index
          %get3A_931 = arith.constant 80 : index
          %get3A_932 = tpu.vector_load %arg11[%get3A_930, %get3A_931] {strides = array<i32>} : memref<128x128xf32, #tpu.memory_space<vmem>>, vector<1x16xf32>,
          %get3A_933 = vector.shape_cast %get3A_932 : vector<1x16xf32> to vector<16xf32>
          %mul3A_934 = arith.mulf %get3A_933, %gather3A_875 : vector<16xf32>
          %swap3A_935 = arith.index_cast %add3A_879 : i32 to index
          %swap3A_936 = arith.constant 80 : index
          %swap3A_937 = tpu.vector_load %arg11[%swap3A_935, %swap3A_936] {strides = array<i32>} : memref<128x128xf32, #tpu.memory_space<vmem>>, vector<1x16xf32>,
          %swap3A_938 = vector.shape_cast %swap3A_937 : vector<1x16xf32> to vector<16xf32>
          %swap3A_939 = vector.shape_cast %mul3A_934 : vector<16xf32> to vector<1x16xf32>
          tpu.vector_store %arg11[%swap3A_935, %swap3A_936], %swap3A_939 {strides = array<i32>} : memref<128x128xf32, #tpu.memory_space<vmem>>, vector<1x16xf32>,
          %get3A_940 = arith.index_cast %add3A_879 : i32 to index
          %get3A_941 = arith.constant 96 : index
          %get3A_942 = tpu.vector_load %arg11[%get3A_940, %get3A_941] {strides = array<i32>} : memref<128x128xf32, #tpu.memory_space<vmem>>, vector<1x16xf32>,
          %get3A_943 = vector.shape_cast %get3A_942 : vector<1x16xf32> to vector<16xf32>
          %mul3A_944 = arith.mulf %get3A_943, %gather3A_875 : vector<16xf32>
          %swap3A_945 = arith.index_cast %add3A_879 : i32 to index
          %swap3A_946 = arith.constant 96 : index
          %swap3A_947 = tpu.vector_load %arg11[%swap3A_945, %swap3A_946] {strides = array<i32>} : memref<128x128xf32, #tpu.memory_space<vmem>>, vector<1x16xf32>,
          %swap3A_948 = vector.shape_cast %swap3A_947 : vector<1x16xf32> to vector<16xf32>
          %swap3A_949 = vector.shape_cast %mul3A_944 : vector<16xf32> to vector<1x16xf32>
          tpu.vector_store %arg11[%swap3A_945, %swap3A_946], %swap3A_949 {strides = array<i32>} : memref<128x128xf32, #tpu.memory_space<vmem>>, vector<1x16xf32>,
          %get3A_950 = arith.index_cast %add3A_879 : i32 to index
          %get3A_951 = arith.constant 112 : index
          %get3A_952 = tpu.vector_load %arg11[%get3A_950, %get3A_951] {strides = array<i32>} : memref<128x128xf32, #tpu.memory_space<vmem>>, vector<1x16xf32>,
          %get3A_953 = vector.shape_cast %get3A_952 : vector<1x16xf32> to vector<16xf32>
          %mul3A_954 = arith.mulf %get3A_953, %gather3A_875 : vector<16xf32>
          %swap3A_955 = arith.index_cast %add3A_879 : i32 to index
          %swap3A_956 = arith.constant 112 : index
          %swap3A_957 = tpu.vector_load %arg11[%swap3A_955, %swap3A_956] {strides = array<i32>} : memref<128x128xf32, #tpu.memory_space<vmem>>, vector<1x16xf32>,
          %swap3A_958 = vector.shape_cast %swap3A_957 : vector<1x16xf32> to vector<16xf32>
          %swap3A_959 = vector.shape_cast %mul3A_954 : vector<16xf32> to vector<1x16xf32>
          tpu.vector_store %arg11[%swap3A_955, %swap3A_956], %swap3A_959 {strides = array<i32>} : memref<128x128xf32, #tpu.memory_space<vmem>>, vector<1x16xf32>,
          %broadcast_in_dim3A_960 = arith.constant 9 : i32
          %broadcast_in_dim3A_961 = vector.broadcast %broadcast_in_dim3A_960 : i32 to vector<16xi32>
          %lt3A_962 = arith.constant 0 : i32
          %lt3A_963 = vector.broadcast %lt3A_962 : i32 to vector<16xi32>
          %lt3A_964 = arith.cmpi slt, %broadcast_in_dim3A_961, %lt3A_963 : vector<16xi32>
          %add3A_965 = arith.constant 16 : i32
          %add3A_966 = vector.broadcast %add3A_965 : i32 to vector<16xi32>
          %add3A_967 = arith.addi %broadcast_in_dim3A_961, %add3A_966 : vector<16xi32>
          %select_n3A_968 = arith.select %lt3A_964, %add3A_967, %broadcast_in_dim3A_961 : vector<16xi1>, vector<16xi32>
          %reshape3A_969 = vector.shape_cast %select_n3A_968 : vector<16xi32> to vector<16x1xi32>
          %gather3A_970 = vector.shape_cast %reshape3A_969 : vector<16x1xi32> to vector<16xi32>
          %gather3A_971 = tpu.dynamic_gather %get3A_99[%gather3A_970] in [0] : vector<16xf32>, vector<16xi32> -> vector<16xf32>
          %mul3A_972 = arith.constant 16 : i32
          %mul3A_973 = arith.muli %add3A_95, %mul3A_972 : i32
          %add3A_974 = arith.constant 9 : i32
          %add3A_975 = arith.addi %mul3A_973, %add3A_974 : i32
          %get3A_976 = arith.index_cast %add3A_975 : i32 to index
          %get3A_977 = arith.constant 0 : index
          %get3A_978 = tpu.vector_load %arg11[%get3A_976, %get3A_977] {strides = array<i32>} : memref<128x128xf32, #tpu.memory_space<vmem>>, vector<1x16xf32>,
          %get3A_979 = vector.shape_cast %get3A_978 : vector<1x16xf32> to vector<16xf32>
          %mul3A_980 = arith.mulf %get3A_979, %gather3A_971 : vector<16xf32>
          %swap3A_981 = arith.index_cast %add3A_975 : i32 to index
          %swap3A_982 = arith.constant 0 : index
          %swap3A_983 = tpu.vector_load %arg11[%swap3A_981, %swap3A_982] {strides = array<i32>} : memref<128x128xf32, #tpu.memory_space<vmem>>, vector<1x16xf32>,
          %swap3A_984 = vector.shape_cast %swap3A_983 : vector<1x16xf32> to vector<16xf32>
          %swap3A_985 = vector.shape_cast %mul3A_980 : vector<16xf32> to vector<1x16xf32>
          tpu.vector_store %arg11[%swap3A_981, %swap3A_982], %swap3A_985 {strides = array<i32>} : memref<128x128xf32, #tpu.memory_space<vmem>>, vector<1x16xf32>,
          %get3A_986 = arith.index_cast %add3A_975 : i32 to index
          %get3A_987 = arith.constant 16 : index
          %get3A_988 = tpu.vector_load %arg11[%get3A_986, %get3A_987] {strides = array<i32>} : memref<128x128xf32, #tpu.memory_space<vmem>>, vector<1x16xf32>,
          %get3A_989 = vector.shape_cast %get3A_988 : vector<1x16xf32> to vector<16xf32>
          %mul3A_990 = arith.mulf %get3A_989, %gather3A_971 : vector<16xf32>
          %swap3A_991 = arith.index_cast %add3A_975 : i32 to index
          %swap3A_992 = arith.constant 16 : index
          %swap3A_993 = tpu.vector_load %arg11[%swap3A_991, %swap3A_992] {strides = array<i32>} : memref<128x128xf32, #tpu.memory_space<vmem>>, vector<1x16xf32>,
          %swap3A_994 = vector.shape_cast %swap3A_993 : vector<1x16xf32> to vector<16xf32>
          %swap3A_995 = vector.shape_cast %mul3A_990 : vector<16xf32> to vector<1x16xf32>
          tpu.vector_store %arg11[%swap3A_991, %swap3A_992], %swap3A_995 {strides = array<i32>} : memref<128x128xf32, #tpu.memory_space<vmem>>, vector<1x16xf32>,
          %get3A_996 = arith.index_cast %add3A_975 : i32 to index
          %get3A_997 = arith.constant 32 : index
          %get3A_998 = tpu.vector_load %arg11[%get3A_996, %get3A_997] {strides = array<i32>} : memref<128x128xf32, #tpu.memory_space<vmem>>, vector<1x16xf32>,
          %get3A_999 = vector.shape_cast %get3A_998 : vector<1x16xf32> to vector<16xf32>
          %mul3A_1000 = arith.mulf %get3A_999, %gather3A_971 : vector<16xf32>
          %swap3A_1001 = arith.index_cast %add3A_975 : i32 to index
          %swap3A_1002 = arith.constant 32 : index
          %swap3A_1003 = tpu.vector_load %arg11[%swap3A_1001, %swap3A_1002] {strides = array<i32>} : memref<128x128xf32, #tpu.memory_space<vmem>>, vector<1x16xf32>,
          %swap3A_1004 = vector.shape_cast %swap3A_1003 : vector<1x16xf32> to vector<16xf32>
          %swap3A_1005 = vector.shape_cast %mul3A_1000 : vector<16xf32> to vector<1x16xf32>
          tpu.vector_store %arg11[%swap3A_1001, %swap3A_1002], %swap3A_1005 {strides = array<i32>} : memref<128x128xf32, #tpu.memory_space<vmem>>, vector<1x16xf32>,
          %get3A_1006 = arith.index_cast %add3A_975 : i32 to index
          %get3A_1007 = arith.constant 48 : index
          %get3A_1008 = tpu.vector_load %arg11[%get3A_1006, %get3A_1007] {strides = array<i32>} : memref<128x128xf32, #tpu.memory_space<vmem>>, vector<1x16xf32>,
          %get3A_1009 = vector.shape_cast %get3A_1008 : vector<1x16xf32> to vector<16xf32>
          %mul3A_1010 = arith.mulf %get3A_1009, %gather3A_971 : vector<16xf32>
          %swap3A_1011 = arith.index_cast %add3A_975 : i32 to index
          %swap3A_1012 = arith.constant 48 : index
          %swap3A_1013 = tpu.vector_load %arg11[%swap3A_1011, %swap3A_1012] {strides = array<i32>} : memref<128x128xf32, #tpu.memory_space<vmem>>, vector<1x16xf32>,
          %swap3A_1014 = vector.shape_cast %swap3A_1013 : vector<1x16xf32> to vector<16xf32>
          %swap3A_1015 = vector.shape_cast %mul3A_1010 : vector<16xf32> to vector<1x16xf32>
          tpu.vector_store %arg11[%swap3A_1011, %swap3A_1012], %swap3A_1015 {strides = array<i32>} : memref<128x128xf32, #tpu.memory_space<vmem>>, vector<1x16xf32>,
          %get3A_1016 = arith.index_cast %add3A_975 : i32 to index
          %get3A_1017 = arith.constant 64 : index
          %get3A_1018 = tpu.vector_load %arg11[%get3A_1016, %get3A_1017] {strides = array<i32>} : memref<128x128xf32, #tpu.memory_space<vmem>>, vector<1x16xf32>,
          %get3A_1019 = vector.shape_cast %get3A_1018 : vector<1x16xf32> to vector<16xf32>
          %mul3A_1020 = arith.mulf %get3A_1019, %gather3A_971 : vector<16xf32>
          %swap3A_1021 = arith.index_cast %add3A_975 : i32 to index
          %swap3A_1022 = arith.constant 64 : index
          %swap3A_1023 = tpu.vector_load %arg11[%swap3A_1021, %swap3A_1022] {strides = array<i32>} : memref<128x128xf32, #tpu.memory_space<vmem>>, vector<1x16xf32>,
          %swap3A_1024 = vector.shape_cast %swap3A_1023 : vector<1x16xf32> to vector<16xf32>
          %swap3A_1025 = vector.shape_cast %mul3A_1020 : vector<16xf32> to vector<1x16xf32>
          tpu.vector_store %arg11[%swap3A_1021, %swap3A_1022], %swap3A_1025 {strides = array<i32>} : memref<128x128xf32, #tpu.memory_space<vmem>>, vector<1x16xf32>,
          %get3A_1026 = arith.index_cast %add3A_975 : i32 to index
          %get3A_1027 = arith.constant 80 : index
          %get3A_1028 = tpu.vector_load %arg11[%get3A_1026, %get3A_1027] {strides = array<i32>} : memref<128x128xf32, #tpu.memory_space<vmem>>, vector<1x16xf32>,
          %get3A_1029 = vector.shape_cast %get3A_1028 : vector<1x16xf32> to vector<16xf32>
          %mul3A_1030 = arith.mulf %get3A_1029, %gather3A_971 : vector<16xf32>
          %swap3A_1031 = arith.index_cast %add3A_975 : i32 to index
          %swap3A_1032 = arith.constant 80 : index
          %swap3A_1033 = tpu.vector_load %arg11[%swap3A_1031, %swap3A_1032] {strides = array<i32>} : memref<128x128xf32, #tpu.memory_space<vmem>>, vector<1x16xf32>,
          %swap3A_1034 = vector.shape_cast %swap3A_1033 : vector<1x16xf32> to vector<16xf32>
          %swap3A_1035 = vector.shape_cast %mul3A_1030 : vector<16xf32> to vector<1x16xf32>
          tpu.vector_store %arg11[%swap3A_1031, %swap3A_1032], %swap3A_1035 {strides = array<i32>} : memref<128x128xf32, #tpu.memory_space<vmem>>, vector<1x16xf32>,
          %get3A_1036 = arith.index_cast %add3A_975 : i32 to index
          %get3A_1037 = arith.constant 96 : index
          %get3A_1038 = tpu.vector_load %arg11[%get3A_1036, %get3A_1037] {strides = array<i32>} : memref<128x128xf32, #tpu.memory_space<vmem>>, vector<1x16xf32>,
          %get3A_1039 = vector.shape_cast %get3A_1038 : vector<1x16xf32> to vector<16xf32>
          %mul3A_1040 = arith.mulf %get3A_1039, %gather3A_971 : vector<16xf32>
          %swap3A_1041 = arith.index_cast %add3A_975 : i32 to index
          %swap3A_1042 = arith.constant 96 : index
          %swap3A_1043 = tpu.vector_load %arg11[%swap3A_1041, %swap3A_1042] {strides = array<i32>} : memref<128x128xf32, #tpu.memory_space<vmem>>, vector<1x16xf32>,
          %swap3A_1044 = vector.shape_cast %swap3A_1043 : vector<1x16xf32> to vector<16xf32>
          %swap3A_1045 = vector.shape_cast %mul3A_1040 : vector<16xf32> to vector<1x16xf32>
          tpu.vector_store %arg11[%swap3A_1041, %swap3A_1042], %swap3A_1045 {strides = array<i32>} : memref<128x128xf32, #tpu.memory_space<vmem>>, vector<1x16xf32>,
          %get3A_1046 = arith.index_cast %add3A_975 : i32 to index
          %get3A_1047 = arith.constant 112 : index
          %get3A_1048 = tpu.vector_load %arg11[%get3A_1046, %get3A_1047] {strides = array<i32>} : memref<128x128xf32, #tpu.memory_space<vmem>>, vector<1x16xf32>,
          %get3A_1049 = vector.shape_cast %get3A_1048 : vector<1x16xf32> to vector<16xf32>
          %mul3A_1050 = arith.mulf %get3A_1049, %gather3A_971 : vector<16xf32>
          %swap3A_1051 = arith.index_cast %add3A_975 : i32 to index
          %swap3A_1052 = arith.constant 112 : index
          %swap3A_1053 = tpu.vector_load %arg11[%swap3A_1051, %swap3A_1052] {strides = array<i32>} : memref<128x128xf32, #tpu.memory_space<vmem>>, vector<1x16xf32>,
          %swap3A_1054 = vector.shape_cast %swap3A_1053 : vector<1x16xf32> to vector<16xf32>
          %swap3A_1055 = vector.shape_cast %mul3A_1050 : vector<16xf32> to vector<1x16xf32>
          tpu.vector_store %arg11[%swap3A_1051, %swap3A_1052], %swap3A_1055 {strides = array<i32>} : memref<128x128xf32, #tpu.memory_space<vmem>>, vector<1x16xf32>,
          %broadcast_in_dim3A_1056 = arith.constant 10 : i32
          %broadcast_in_dim3A_1057 = vector.broadcast %broadcast_in_dim3A_1056 : i32 to vector<16xi32>
          %lt3A_1058 = arith.constant 0 : i32
          %lt3A_1059 = vector.broadcast %lt3A_1058 : i32 to vector<16xi32>
          %lt3A_1060 = arith.cmpi slt, %broadcast_in_dim3A_1057, %lt3A_1059 : vector<16xi32>
          %add3A_1061 = arith.constant 16 : i32
          %add3A_1062 = vector.broadcast %add3A_1061 : i32 to vector<16xi32>
          %add3A_1063 = arith.addi %broadcast_in_dim3A_1057, %add3A_1062 : vector<16xi32>
          %select_n3A_1064 = arith.select %lt3A_1060, %add3A_1063, %broadcast_in_dim3A_1057 : vector<16xi1>, vector<16xi32>
          %reshape3A_1065 = vector.shape_cast %select_n3A_1064 : vector<16xi32> to vector<16x1xi32>
          %gather3A_1066 = vector.shape_cast %reshape3A_1065 : vector<16x1xi32> to vector<16xi32>
          %gather3A_1067 = tpu.dynamic_gather %get3A_99[%gather3A_1066] in [0] : vector<16xf32>, vector<16xi32> -> vector<16xf32>
          %mul3A_1068 = arith.constant 16 : i32
          %mul3A_1069 = arith.muli %add3A_95, %mul3A_1068 : i32
          %add3A_1070 = arith.constant 10 : i32
          %add3A_1071 = arith.addi %mul3A_1069, %add3A_1070 : i32
          %get3A_1072 = arith.index_cast %add3A_1071 : i32 to index
          %get3A_1073 = arith.constant 0 : index
          %get3A_1074 = tpu.vector_load %arg11[%get3A_1072, %get3A_1073] {strides = array<i32>} : memref<128x128xf32, #tpu.memory_space<vmem>>, vector<1x16xf32>,
          %get3A_1075 = vector.shape_cast %get3A_1074 : vector<1x16xf32> to vector<16xf32>
          %mul3A_1076 = arith.mulf %get3A_1075, %gather3A_1067 : vector<16xf32>
          %swap3A_1077 = arith.index_cast %add3A_1071 : i32 to index
          %swap3A_1078 = arith.constant 0 : index
          %swap3A_1079 = tpu.vector_load %arg11[%swap3A_1077, %swap3A_1078] {strides = array<i32>} : memref<128x128xf32, #tpu.memory_space<vmem>>, vector<1x16xf32>,
          %swap3A_1080 = vector.shape_cast %swap3A_1079 : vector<1x16xf32> to vector<16xf32>
          %swap3A_1081 = vector.shape_cast %mul3A_1076 : vector<16xf32> to vector<1x16xf32>
          tpu.vector_store %arg11[%swap3A_1077, %swap3A_1078], %swap3A_1081 {strides = array<i32>} : memref<128x128xf32, #tpu.memory_space<vmem>>, vector<1x16xf32>,
          %get3A_1082 = arith.index_cast %add3A_1071 : i32 to index
          %get3A_1083 = arith.constant 16 : index
          %get3A_1084 = tpu.vector_load %arg11[%get3A_1082, %get3A_1083] {strides = array<i32>} : memref<128x128xf32, #tpu.memory_space<vmem>>, vector<1x16xf32>,
          %get3A_1085 = vector.shape_cast %get3A_1084 : vector<1x16xf32> to vector<16xf32>
          %mul3A_1086 = arith.mulf %get3A_1085, %gather3A_1067 : vector<16xf32>
          %swap3A_1087 = arith.index_cast %add3A_1071 : i32 to index
          %swap3A_1088 = arith.constant 16 : index
          %swap3A_1089 = tpu.vector_load %arg11[%swap3A_1087, %swap3A_1088] {strides = array<i32>} : memref<128x128xf32, #tpu.memory_space<vmem>>, vector<1x16xf32>,
          %swap3A_1090 = vector.shape_cast %swap3A_1089 : vector<1x16xf32> to vector<16xf32>
          %swap3A_1091 = vector.shape_cast %mul3A_1086 : vector<16xf32> to vector<1x16xf32>
          tpu.vector_store %arg11[%swap3A_1087, %swap3A_1088], %swap3A_1091 {strides = array<i32>} : memref<128x128xf32, #tpu.memory_space<vmem>>, vector<1x16xf32>,
          %get3A_1092 = arith.index_cast %add3A_1071 : i32 to index
          %get3A_1093 = arith.constant 32 : index
          %get3A_1094 = tpu.vector_load %arg11[%get3A_1092, %get3A_1093] {strides = array<i32>} : memref<128x128xf32, #tpu.memory_space<vmem>>, vector<1x16xf32>,
          %get3A_1095 = vector.shape_cast %get3A_1094 : vector<1x16xf32> to vector<16xf32>
          %mul3A_1096 = arith.mulf %get3A_1095, %gather3A_1067 : vector<16xf32>
          %swap3A_1097 = arith.index_cast %add3A_1071 : i32 to index
          %swap3A_1098 = arith.constant 32 : index
          %swap3A_1099 = tpu.vector_load %arg11[%swap3A_1097, %swap3A_1098] {strides = array<i32>} : memref<128x128xf32, #tpu.memory_space<vmem>>, vector<1x16xf32>,
          %swap3A_1100 = vector.shape_cast %swap3A_1099 : vector<1x16xf32> to vector<16xf32>
          %swap3A_1101 = vector.shape_cast %mul3A_1096 : vector<16xf32> to vector<1x16xf32>
          tpu.vector_store %arg11[%swap3A_1097, %swap3A_1098], %swap3A_1101 {strides = array<i32>} : memref<128x128xf32, #tpu.memory_space<vmem>>, vector<1x16xf32>,
          %get3A_1102 = arith.index_cast %add3A_1071 : i32 to index
          %get3A_1103 = arith.constant 48 : index
          %get3A_1104 = tpu.vector_load %arg11[%get3A_1102, %get3A_1103] {strides = array<i32>} : memref<128x128xf32, #tpu.memory_space<vmem>>, vector<1x16xf32>,
          %get3A_1105 = vector.shape_cast %get3A_1104 : vector<1x16xf32> to vector<16xf32>
          %mul3A_1106 = arith.mulf %get3A_1105, %gather3A_1067 : vector<16xf32>
          %swap3A_1107 = arith.index_cast %add3A_1071 : i32 to index
          %swap3A_1108 = arith.constant 48 : index
          %swap3A_1109 = tpu.vector_load %arg11[%swap3A_1107, %swap3A_1108] {strides = array<i32>} : memref<128x128xf32, #tpu.memory_space<vmem>>, vector<1x16xf32>,
          %swap3A_1110 = vector.shape_cast %swap3A_1109 : vector<1x16xf32> to vector<16xf32>
          %swap3A_1111 = vector.shape_cast %mul3A_1106 : vector<16xf32> to vector<1x16xf32>
          tpu.vector_store %arg11[%swap3A_1107, %swap3A_1108], %swap3A_1111 {strides = array<i32>} : memref<128x128xf32, #tpu.memory_space<vmem>>, vector<1x16xf32>,
          %get3A_1112 = arith.index_cast %add3A_1071 : i32 to index
          %get3A_1113 = arith.constant 64 : index
          %get3A_1114 = tpu.vector_load %arg11[%get3A_1112, %get3A_1113] {strides = array<i32>} : memref<128x128xf32, #tpu.memory_space<vmem>>, vector<1x16xf32>,
          %get3A_1115 = vector.shape_cast %get3A_1114 : vector<1x16xf32> to vector<16xf32>
          %mul3A_1116 = arith.mulf %get3A_1115, %gather3A_1067 : vector<16xf32>
          %swap3A_1117 = arith.index_cast %add3A_1071 : i32 to index
          %swap3A_1118 = arith.constant 64 : index
          %swap3A_1119 = tpu.vector_load %arg11[%swap3A_1117, %swap3A_1118] {strides = array<i32>} : memref<128x128xf32, #tpu.memory_space<vmem>>, vector<1x16xf32>,
          %swap3A_1120 = vector.shape_cast %swap3A_1119 : vector<1x16xf32> to vector<16xf32>
          %swap3A_1121 = vector.shape_cast %mul3A_1116 : vector<16xf32> to vector<1x16xf32>
          tpu.vector_store %arg11[%swap3A_1117, %swap3A_1118], %swap3A_1121 {strides = array<i32>} : memref<128x128xf32, #tpu.memory_space<vmem>>, vector<1x16xf32>,
          %get3A_1122 = arith.index_cast %add3A_1071 : i32 to index
          %get3A_1123 = arith.constant 80 : index
          %get3A_1124 = tpu.vector_load %arg11[%get3A_1122, %get3A_1123] {strides = array<i32>} : memref<128x128xf32, #tpu.memory_space<vmem>>, vector<1x16xf32>,
          %get3A_1125 = vector.shape_cast %get3A_1124 : vector<1x16xf32> to vector<16xf32>
          %mul3A_1126 = arith.mulf %get3A_1125, %gather3A_1067 : vector<16xf32>
          %swap3A_1127 = arith.index_cast %add3A_1071 : i32 to index
          %swap3A_1128 = arith.constant 80 : index
          %swap3A_1129 = tpu.vector_load %arg11[%swap3A_1127, %swap3A_1128] {strides = array<i32>} : memref<128x128xf32, #tpu.memory_space<vmem>>, vector<1x16xf32>,
          %swap3A_1130 = vector.shape_cast %swap3A_1129 : vector<1x16xf32> to vector<16xf32>
          %swap3A_1131 = vector.shape_cast %mul3A_1126 : vector<16xf32> to vector<1x16xf32>
          tpu.vector_store %arg11[%swap3A_1127, %swap3A_1128], %swap3A_1131 {strides = array<i32>} : memref<128x128xf32, #tpu.memory_space<vmem>>, vector<1x16xf32>,
          %get3A_1132 = arith.index_cast %add3A_1071 : i32 to index
          %get3A_1133 = arith.constant 96 : index
          %get3A_1134 = tpu.vector_load %arg11[%get3A_1132, %get3A_1133] {strides = array<i32>} : memref<128x128xf32, #tpu.memory_space<vmem>>, vector<1x16xf32>,
          %get3A_1135 = vector.shape_cast %get3A_1134 : vector<1x16xf32> to vector<16xf32>
          %mul3A_1136 = arith.mulf %get3A_1135, %gather3A_1067 : vector<16xf32>
          %swap3A_1137 = arith.index_cast %add3A_1071 : i32 to index
          %swap3A_1138 = arith.constant 96 : index
          %swap3A_1139 = tpu.vector_load %arg11[%swap3A_1137, %swap3A_1138] {strides = array<i32>} : memref<128x128xf32, #tpu.memory_space<vmem>>, vector<1x16xf32>,
          %swap3A_1140 = vector.shape_cast %swap3A_1139 : vector<1x16xf32> to vector<16xf32>
          %swap3A_1141 = vector.shape_cast %mul3A_1136 : vector<16xf32> to vector<1x16xf32>
          tpu.vector_store %arg11[%swap3A_1137, %swap3A_1138], %swap3A_1141 {strides = array<i32>} : memref<128x128xf32, #tpu.memory_space<vmem>>, vector<1x16xf32>,
          %get3A_1142 = arith.index_cast %add3A_1071 : i32 to index
          %get3A_1143 = arith.constant 112 : index
          %get3A_1144 = tpu.vector_load %arg11[%get3A_1142, %get3A_1143] {strides = array<i32>} : memref<128x128xf32, #tpu.memory_space<vmem>>, vector<1x16xf32>,
          %get3A_1145 = vector.shape_cast %get3A_1144 : vector<1x16xf32> to vector<16xf32>
          %mul3A_1146 = arith.mulf %get3A_1145, %gather3A_1067 : vector<16xf32>
          %swap3A_1147 = arith.index_cast %add3A_1071 : i32 to index
          %swap3A_1148 = arith.constant 112 : index
          %swap3A_1149 = tpu.vector_load %arg11[%swap3A_1147, %swap3A_1148] {strides = array<i32>} : memref<128x128xf32, #tpu.memory_space<vmem>>, vector<1x16xf32>,
          %swap3A_1150 = vector.shape_cast %swap3A_1149 : vector<1x16xf32> to vector<16xf32>
          %swap3A_1151 = vector.shape_cast %mul3A_1146 : vector<16xf32> to vector<1x16xf32>
          tpu.vector_store %arg11[%swap3A_1147, %swap3A_1148], %swap3A_1151 {strides = array<i32>} : memref<128x128xf32, #tpu.memory_space<vmem>>, vector<1x16xf32>,
          %broadcast_in_dim3A_1152 = arith.constant 11 : i32
          %broadcast_in_dim3A_1153 = vector.broadcast %broadcast_in_dim3A_1152 : i32 to vector<16xi32>
          %lt3A_1154 = arith.constant 0 : i32
          %lt3A_1155 = vector.broadcast %lt3A_1154 : i32 to vector<16xi32>
          %lt3A_1156 = arith.cmpi slt, %broadcast_in_dim3A_1153, %lt3A_1155 : vector<16xi32>
          %add3A_1157 = arith.constant 16 : i32
          %add3A_1158 = vector.broadcast %add3A_1157 : i32 to vector<16xi32>
          %add3A_1159 = arith.addi %broadcast_in_dim3A_1153, %add3A_1158 : vector<16xi32>
          %select_n3A_1160 = arith.select %lt3A_1156, %add3A_1159, %broadcast_in_dim3A_1153 : vector<16xi1>, vector<16xi32>
          %reshape3A_1161 = vector.shape_cast %select_n3A_1160 : vector<16xi32> to vector<16x1xi32>
          %gather3A_1162 = vector.shape_cast %reshape3A_1161 : vector<16x1xi32> to vector<16xi32>
          %gather3A_1163 = tpu.dynamic_gather %get3A_99[%gather3A_1162] in [0] : vector<16xf32>, vector<16xi32> -> vector<16xf32>
          %mul3A_1164 = arith.constant 16 : i32
          %mul3A_1165 = arith.muli %add3A_95, %mul3A_1164 : i32
          %add3A_1166 = arith.constant 11 : i32
          %add3A_1167 = arith.addi %mul3A_1165, %add3A_1166 : i32
          %get3A_1168 = arith.index_cast %add3A_1167 : i32 to index
          %get3A_1169 = arith.constant 0 : index
          %get3A_1170 = tpu.vector_load %arg11[%get3A_1168, %get3A_1169] {strides = array<i32>} : memref<128x128xf32, #tpu.memory_space<vmem>>, vector<1x16xf32>,
          %get3A_1171 = vector.shape_cast %get3A_1170 : vector<1x16xf32> to vector<16xf32>
          %mul3A_1172 = arith.mulf %get3A_1171, %gather3A_1163 : vector<16xf32>
          %swap3A_1173 = arith.index_cast %add3A_1167 : i32 to index
          %swap3A_1174 = arith.constant 0 : index
          %swap3A_1175 = tpu.vector_load %arg11[%swap3A_1173, %swap3A_1174] {strides = array<i32>} : memref<128x128xf32, #tpu.memory_space<vmem>>, vector<1x16xf32>,
          %swap3A_1176 = vector.shape_cast %swap3A_1175 : vector<1x16xf32> to vector<16xf32>
          %swap3A_1177 = vector.shape_cast %mul3A_1172 : vector<16xf32> to vector<1x16xf32>
          tpu.vector_store %arg11[%swap3A_1173, %swap3A_1174], %swap3A_1177 {strides = array<i32>} : memref<128x128xf32, #tpu.memory_space<vmem>>, vector<1x16xf32>,
          %get3A_1178 = arith.index_cast %add3A_1167 : i32 to index
          %get3A_1179 = arith.constant 16 : index
          %get3A_1180 = tpu.vector_load %arg11[%get3A_1178, %get3A_1179] {strides = array<i32>} : memref<128x128xf32, #tpu.memory_space<vmem>>, vector<1x16xf32>,
          %get3A_1181 = vector.shape_cast %get3A_1180 : vector<1x16xf32> to vector<16xf32>
          %mul3A_1182 = arith.mulf %get3A_1181, %gather3A_1163 : vector<16xf32>
          %swap3A_1183 = arith.index_cast %add3A_1167 : i32 to index
          %swap3A_1184 = arith.constant 16 : index
          %swap3A_1185 = tpu.vector_load %arg11[%swap3A_1183, %swap3A_1184] {strides = array<i32>} : memref<128x128xf32, #tpu.memory_space<vmem>>, vector<1x16xf32>,
          %swap3A_1186 = vector.shape_cast %swap3A_1185 : vector<1x16xf32> to vector<16xf32>
          %swap3A_1187 = vector.shape_cast %mul3A_1182 : vector<16xf32> to vector<1x16xf32>
          tpu.vector_store %arg11[%swap3A_1183, %swap3A_1184], %swap3A_1187 {strides = array<i32>} : memref<128x128xf32, #tpu.memory_space<vmem>>, vector<1x16xf32>,
          %get3A_1188 = arith.index_cast %add3A_1167 : i32 to index
          %get3A_1189 = arith.constant 32 : index
          %get3A_1190 = tpu.vector_load %arg11[%get3A_1188, %get3A_1189] {strides = array<i32>} : memref<128x128xf32, #tpu.memory_space<vmem>>, vector<1x16xf32>,
          %get3A_1191 = vector.shape_cast %get3A_1190 : vector<1x16xf32> to vector<16xf32>
          %mul3A_1192 = arith.mulf %get3A_1191, %gather3A_1163 : vector<16xf32>
          %swap3A_1193 = arith.index_cast %add3A_1167 : i32 to index
          %swap3A_1194 = arith.constant 32 : index
          %swap3A_1195 = tpu.vector_load %arg11[%swap3A_1193, %swap3A_1194] {strides = array<i32>} : memref<128x128xf32, #tpu.memory_space<vmem>>, vector<1x16xf32>,
          %swap3A_1196 = vector.shape_cast %swap3A_1195 : vector<1x16xf32> to vector<16xf32>
          %swap3A_1197 = vector.shape_cast %mul3A_1192 : vector<16xf32> to vector<1x16xf32>
          tpu.vector_store %arg11[%swap3A_1193, %swap3A_1194], %swap3A_1197 {strides = array<i32>} : memref<128x128xf32, #tpu.memory_space<vmem>>, vector<1x16xf32>,
          %get3A_1198 = arith.index_cast %add3A_1167 : i32 to index
          %get3A_1199 = arith.constant 48 : index
          %get3A_1200 = tpu.vector_load %arg11[%get3A_1198, %get3A_1199] {strides = array<i32>} : memref<128x128xf32, #tpu.memory_space<vmem>>, vector<1x16xf32>,
          %get3A_1201 = vector.shape_cast %get3A_1200 : vector<1x16xf32> to vector<16xf32>
          %mul3A_1202 = arith.mulf %get3A_1201, %gather3A_1163 : vector<16xf32>
          %swap3A_1203 = arith.index_cast %add3A_1167 : i32 to index
          %swap3A_1204 = arith.constant 48 : index
          %swap3A_1205 = tpu.vector_load %arg11[%swap3A_1203, %swap3A_1204] {strides = array<i32>} : memref<128x128xf32, #tpu.memory_space<vmem>>, vector<1x16xf32>,
          %swap3A_1206 = vector.shape_cast %swap3A_1205 : vector<1x16xf32> to vector<16xf32>
          %swap3A_1207 = vector.shape_cast %mul3A_1202 : vector<16xf32> to vector<1x16xf32>
          tpu.vector_store %arg11[%swap3A_1203, %swap3A_1204], %swap3A_1207 {strides = array<i32>} : memref<128x128xf32, #tpu.memory_space<vmem>>, vector<1x16xf32>,
          %get3A_1208 = arith.index_cast %add3A_1167 : i32 to index
          %get3A_1209 = arith.constant 64 : index
          %get3A_1210 = tpu.vector_load %arg11[%get3A_1208, %get3A_1209] {strides = array<i32>} : memref<128x128xf32, #tpu.memory_space<vmem>>, vector<1x16xf32>,
          %get3A_1211 = vector.shape_cast %get3A_1210 : vector<1x16xf32> to vector<16xf32>
          %mul3A_1212 = arith.mulf %get3A_1211, %gather3A_1163 : vector<16xf32>
          %swap3A_1213 = arith.index_cast %add3A_1167 : i32 to index
          %swap3A_1214 = arith.constant 64 : index
          %swap3A_1215 = tpu.vector_load %arg11[%swap3A_1213, %swap3A_1214] {strides = array<i32>} : memref<128x128xf32, #tpu.memory_space<vmem>>, vector<1x16xf32>,
          %swap3A_1216 = vector.shape_cast %swap3A_1215 : vector<1x16xf32> to vector<16xf32>
          %swap3A_1217 = vector.shape_cast %mul3A_1212 : vector<16xf32> to vector<1x16xf32>
          tpu.vector_store %arg11[%swap3A_1213, %swap3A_1214], %swap3A_1217 {strides = array<i32>} : memref<128x128xf32, #tpu.memory_space<vmem>>, vector<1x16xf32>,
          %get3A_1218 = arith.index_cast %add3A_1167 : i32 to index
          %get3A_1219 = arith.constant 80 : index
          %get3A_1220 = tpu.vector_load %arg11[%get3A_1218, %get3A_1219] {strides = array<i32>} : memref<128x128xf32, #tpu.memory_space<vmem>>, vector<1x16xf32>,
          %get3A_1221 = vector.shape_cast %get3A_1220 : vector<1x16xf32> to vector<16xf32>
          %mul3A_1222 = arith.mulf %get3A_1221, %gather3A_1163 : vector<16xf32>
          %swap3A_1223 = arith.index_cast %add3A_1167 : i32 to index
          %swap3A_1224 = arith.constant 80 : index
          %swap3A_1225 = tpu.vector_load %arg11[%swap3A_1223, %swap3A_1224] {strides = array<i32>} : memref<128x128xf32, #tpu.memory_space<vmem>>, vector<1x16xf32>,
          %swap3A_1226 = vector.shape_cast %swap3A_1225 : vector<1x16xf32> to vector<16xf32>
          %swap3A_1227 = vector.shape_cast %mul3A_1222 : vector<16xf32> to vector<1x16xf32>
          tpu.vector_store %arg11[%swap3A_1223, %swap3A_1224], %swap3A_1227 {strides = array<i32>} : memref<128x128xf32, #tpu.memory_space<vmem>>, vector<1x16xf32>,
          %get3A_1228 = arith.index_cast %add3A_1167 : i32 to index
          %get3A_1229 = arith.constant 96 : index
          %get3A_1230 = tpu.vector_load %arg11[%get3A_1228, %get3A_1229] {strides = array<i32>} : memref<128x128xf32, #tpu.memory_space<vmem>>, vector<1x16xf32>,
          %get3A_1231 = vector.shape_cast %get3A_1230 : vector<1x16xf32> to vector<16xf32>
          %mul3A_1232 = arith.mulf %get3A_1231, %gather3A_1163 : vector<16xf32>
          %swap3A_1233 = arith.index_cast %add3A_1167 : i32 to index
          %swap3A_1234 = arith.constant 96 : index
          %swap3A_1235 = tpu.vector_load %arg11[%swap3A_1233, %swap3A_1234] {strides = array<i32>} : memref<128x128xf32, #tpu.memory_space<vmem>>, vector<1x16xf32>,
          %swap3A_1236 = vector.shape_cast %swap3A_1235 : vector<1x16xf32> to vector<16xf32>
          %swap3A_1237 = vector.shape_cast %mul3A_1232 : vector<16xf32> to vector<1x16xf32>
          tpu.vector_store %arg11[%swap3A_1233, %swap3A_1234], %swap3A_1237 {strides = array<i32>} : memref<128x128xf32, #tpu.memory_space<vmem>>, vector<1x16xf32>,
          %get3A_1238 = arith.index_cast %add3A_1167 : i32 to index
          %get3A_1239 = arith.constant 112 : index
          %get3A_1240 = tpu.vector_load %arg11[%get3A_1238, %get3A_1239] {strides = array<i32>} : memref<128x128xf32, #tpu.memory_space<vmem>>, vector<1x16xf32>,
          %get3A_1241 = vector.shape_cast %get3A_1240 : vector<1x16xf32> to vector<16xf32>
          %mul3A_1242 = arith.mulf %get3A_1241, %gather3A_1163 : vector<16xf32>
          %swap3A_1243 = arith.index_cast %add3A_1167 : i32 to index
          %swap3A_1244 = arith.constant 112 : index
          %swap3A_1245 = tpu.vector_load %arg11[%swap3A_1243, %swap3A_1244] {strides = array<i32>} : memref<128x128xf32, #tpu.memory_space<vmem>>, vector<1x16xf32>,
          %swap3A_1246 = vector.shape_cast %swap3A_1245 : vector<1x16xf32> to vector<16xf32>
          %swap3A_1247 = vector.shape_cast %mul3A_1242 : vector<16xf32> to vector<1x16xf32>
          tpu.vector_store %arg11[%swap3A_1243, %swap3A_1244], %swap3A_1247 {strides = array<i32>} : memref<128x128xf32, #tpu.memory_space<vmem>>, vector<1x16xf32>,
          %broadcast_in_dim3A_1248 = arith.constant 12 : i32
          %broadcast_in_dim3A_1249 = vector.broadcast %broadcast_in_dim3A_1248 : i32 to vector<16xi32>
          %lt3A_1250 = arith.constant 0 : i32
          %lt3A_1251 = vector.broadcast %lt3A_1250 : i32 to vector<16xi32>
          %lt3A_1252 = arith.cmpi slt, %broadcast_in_dim3A_1249, %lt3A_1251 : vector<16xi32>
          %add3A_1253 = arith.constant 16 : i32
          %add3A_1254 = vector.broadcast %add3A_1253 : i32 to vector<16xi32>
          %add3A_1255 = arith.addi %broadcast_in_dim3A_1249, %add3A_1254 : vector<16xi32>
          %select_n3A_1256 = arith.select %lt3A_1252, %add3A_1255, %broadcast_in_dim3A_1249 : vector<16xi1>, vector<16xi32>
          %reshape3A_1257 = vector.shape_cast %select_n3A_1256 : vector<16xi32> to vector<16x1xi32>
          %gather3A_1258 = vector.shape_cast %reshape3A_1257 : vector<16x1xi32> to vector<16xi32>
          %gather3A_1259 = tpu.dynamic_gather %get3A_99[%gather3A_1258] in [0] : vector<16xf32>, vector<16xi32> -> vector<16xf32>
          %mul3A_1260 = arith.constant 16 : i32
          %mul3A_1261 = arith.muli %add3A_95, %mul3A_1260 : i32
          %add3A_1262 = arith.constant 12 : i32
          %add3A_1263 = arith.addi %mul3A_1261, %add3A_1262 : i32
          %get3A_1264 = arith.index_cast %add3A_1263 : i32 to index
          %get3A_1265 = arith.constant 0 : index
          %get3A_1266 = tpu.vector_load %arg11[%get3A_1264, %get3A_1265] {strides = array<i32>} : memref<128x128xf32, #tpu.memory_space<vmem>>, vector<1x16xf32>,
          %get3A_1267 = vector.shape_cast %get3A_1266 : vector<1x16xf32> to vector<16xf32>
          %mul3A_1268 = arith.mulf %get3A_1267, %gather3A_1259 : vector<16xf32>
          %swap3A_1269 = arith.index_cast %add3A_1263 : i32 to index
          %swap3A_1270 = arith.constant 0 : index
          %swap3A_1271 = tpu.vector_load %arg11[%swap3A_1269, %swap3A_1270] {strides = array<i32>} : memref<128x128xf32, #tpu.memory_space<vmem>>, vector<1x16xf32>,
          %swap3A_1272 = vector.shape_cast %swap3A_1271 : vector<1x16xf32> to vector<16xf32>
          %swap3A_1273 = vector.shape_cast %mul3A_1268 : vector<16xf32> to vector<1x16xf32>
          tpu.vector_store %arg11[%swap3A_1269, %swap3A_1270], %swap3A_1273 {strides = array<i32>} : memref<128x128xf32, #tpu.memory_space<vmem>>, vector<1x16xf32>,
          %get3A_1274 = arith.index_cast %add3A_1263 : i32 to index
          %get3A_1275 = arith.constant 16 : index
          %get3A_1276 = tpu.vector_load %arg11[%get3A_1274, %get3A_1275] {strides = array<i32>} : memref<128x128xf32, #tpu.memory_space<vmem>>, vector<1x16xf32>,
          %get3A_1277 = vector.shape_cast %get3A_1276 : vector<1x16xf32> to vector<16xf32>
          %mul3A_1278 = arith.mulf %get3A_1277, %gather3A_1259 : vector<16xf32>
          %swap3A_1279 = arith.index_cast %add3A_1263 : i32 to index
          %swap3A_1280 = arith.constant 16 : index
          %swap3A_1281 = tpu.vector_load %arg11[%swap3A_1279, %swap3A_1280] {strides = array<i32>} : memref<128x128xf32, #tpu.memory_space<vmem>>, vector<1x16xf32>,
          %swap3A_1282 = vector.shape_cast %swap3A_1281 : vector<1x16xf32> to vector<16xf32>
          %swap3A_1283 = vector.shape_cast %mul3A_1278 : vector<16xf32> to vector<1x16xf32>
          tpu.vector_store %arg11[%swap3A_1279, %swap3A_1280], %swap3A_1283 {strides = array<i32>} : memref<128x128xf32, #tpu.memory_space<vmem>>, vector<1x16xf32>,
          %get3A_1284 = arith.index_cast %add3A_1263 : i32 to index
          %get3A_1285 = arith.constant 32 : index
          %get3A_1286 = tpu.vector_load %arg11[%get3A_1284, %get3A_1285] {strides = array<i32>} : memref<128x128xf32, #tpu.memory_space<vmem>>, vector<1x16xf32>,
          %get3A_1287 = vector.shape_cast %get3A_1286 : vector<1x16xf32> to vector<16xf32>
          %mul3A_1288 = arith.mulf %get3A_1287, %gather3A_1259 : vector<16xf32>
          %swap3A_1289 = arith.index_cast %add3A_1263 : i32 to index
          %swap3A_1290 = arith.constant 32 : index
          %swap3A_1291 = tpu.vector_load %arg11[%swap3A_1289, %swap3A_1290] {strides = array<i32>} : memref<128x128xf32, #tpu.memory_space<vmem>>, vector<1x16xf32>,
          %swap3A_1292 = vector.shape_cast %swap3A_1291 : vector<1x16xf32> to vector<16xf32>
          %swap3A_1293 = vector.shape_cast %mul3A_1288 : vector<16xf32> to vector<1x16xf32>
          tpu.vector_store %arg11[%swap3A_1289, %swap3A_1290], %swap3A_1293 {strides = array<i32>} : memref<128x128xf32, #tpu.memory_space<vmem>>, vector<1x16xf32>,
          %get3A_1294 = arith.index_cast %add3A_1263 : i32 to index
          %get3A_1295 = arith.constant 48 : index
          %get3A_1296 = tpu.vector_load %arg11[%get3A_1294, %get3A_1295] {strides = array<i32>} : memref<128x128xf32, #tpu.memory_space<vmem>>, vector<1x16xf32>,
          %get3A_1297 = vector.shape_cast %get3A_1296 : vector<1x16xf32> to vector<16xf32>
          %mul3A_1298 = arith.mulf %get3A_1297, %gather3A_1259 : vector<16xf32>
          %swap3A_1299 = arith.index_cast %add3A_1263 : i32 to index
          %swap3A_1300 = arith.constant 48 : index
          %swap3A_1301 = tpu.vector_load %arg11[%swap3A_1299, %swap3A_1300] {strides = array<i32>} : memref<128x128xf32, #tpu.memory_space<vmem>>, vector<1x16xf32>,
          %swap3A_1302 = vector.shape_cast %swap3A_1301 : vector<1x16xf32> to vector<16xf32>
          %swap3A_1303 = vector.shape_cast %mul3A_1298 : vector<16xf32> to vector<1x16xf32>
          tpu.vector_store %arg11[%swap3A_1299, %swap3A_1300], %swap3A_1303 {strides = array<i32>} : memref<128x128xf32, #tpu.memory_space<vmem>>, vector<1x16xf32>,
          %get3A_1304 = arith.index_cast %add3A_1263 : i32 to index
          %get3A_1305 = arith.constant 64 : index
          %get3A_1306 = tpu.vector_load %arg11[%get3A_1304, %get3A_1305] {strides = array<i32>} : memref<128x128xf32, #tpu.memory_space<vmem>>, vector<1x16xf32>,
          %get3A_1307 = vector.shape_cast %get3A_1306 : vector<1x16xf32> to vector<16xf32>
          %mul3A_1308 = arith.mulf %get3A_1307, %gather3A_1259 : vector<16xf32>
          %swap3A_1309 = arith.index_cast %add3A_1263 : i32 to index
          %swap3A_1310 = arith.constant 64 : index
          %swap3A_1311 = tpu.vector_load %arg11[%swap3A_1309, %swap3A_1310] {strides = array<i32>} : memref<128x128xf32, #tpu.memory_space<vmem>>, vector<1x16xf32>,
          %swap3A_1312 = vector.shape_cast %swap3A_1311 : vector<1x16xf32> to vector<16xf32>
          %swap3A_1313 = vector.shape_cast %mul3A_1308 : vector<16xf32> to vector<1x16xf32>
          tpu.vector_store %arg11[%swap3A_1309, %swap3A_1310], %swap3A_1313 {strides = array<i32>} : memref<128x128xf32, #tpu.memory_space<vmem>>, vector<1x16xf32>,
          %get3A_1314 = arith.index_cast %add3A_1263 : i32 to index
          %get3A_1315 = arith.constant 80 : index
          %get3A_1316 = tpu.vector_load %arg11[%get3A_1314, %get3A_1315] {strides = array<i32>} : memref<128x128xf32, #tpu.memory_space<vmem>>, vector<1x16xf32>,
          %get3A_1317 = vector.shape_cast %get3A_1316 : vector<1x16xf32> to vector<16xf32>
          %mul3A_1318 = arith.mulf %get3A_1317, %gather3A_1259 : vector<16xf32>
          %swap3A_1319 = arith.index_cast %add3A_1263 : i32 to index
          %swap3A_1320 = arith.constant 80 : index
          %swap3A_1321 = tpu.vector_load %arg11[%swap3A_1319, %swap3A_1320] {strides = array<i32>} : memref<128x128xf32, #tpu.memory_space<vmem>>, vector<1x16xf32>,
          %swap3A_1322 = vector.shape_cast %swap3A_1321 : vector<1x16xf32> to vector<16xf32>
          %swap3A_1323 = vector.shape_cast %mul3A_1318 : vector<16xf32> to vector<1x16xf32>
          tpu.vector_store %arg11[%swap3A_1319, %swap3A_1320], %swap3A_1323 {strides = array<i32>} : memref<128x128xf32, #tpu.memory_space<vmem>>, vector<1x16xf32>,
          %get3A_1324 = arith.index_cast %add3A_1263 : i32 to index
          %get3A_1325 = arith.constant 96 : index
          %get3A_1326 = tpu.vector_load %arg11[%get3A_1324, %get3A_1325] {strides = array<i32>} : memref<128x128xf32, #tpu.memory_space<vmem>>, vector<1x16xf32>,
          %get3A_1327 = vector.shape_cast %get3A_1326 : vector<1x16xf32> to vector<16xf32>
          %mul3A_1328 = arith.mulf %get3A_1327, %gather3A_1259 : vector<16xf32>
          %swap3A_1329 = arith.index_cast %add3A_1263 : i32 to index
          %swap3A_1330 = arith.constant 96 : index
          %swap3A_1331 = tpu.vector_load %arg11[%swap3A_1329, %swap3A_1330] {strides = array<i32>} : memref<128x128xf32, #tpu.memory_space<vmem>>, vector<1x16xf32>,
          %swap3A_1332 = vector.shape_cast %swap3A_1331 : vector<1x16xf32> to vector<16xf32>
          %swap3A_1333 = vector.shape_cast %mul3A_1328 : vector<16xf32> to vector<1x16xf32>
          tpu.vector_store %arg11[%swap3A_1329, %swap3A_1330], %swap3A_1333 {strides = array<i32>} : memref<128x128xf32, #tpu.memory_space<vmem>>, vector<1x16xf32>,
          %get3A_1334 = arith.index_cast %add3A_1263 : i32 to index
          %get3A_1335 = arith.constant 112 : index
          %get3A_1336 = tpu.vector_load %arg11[%get3A_1334, %get3A_1335] {strides = array<i32>} : memref<128x128xf32, #tpu.memory_space<vmem>>, vector<1x16xf32>,
          %get3A_1337 = vector.shape_cast %get3A_1336 : vector<1x16xf32> to vector<16xf32>
          %mul3A_1338 = arith.mulf %get3A_1337, %gather3A_1259 : vector<16xf32>
          %swap3A_1339 = arith.index_cast %add3A_1263 : i32 to index
          %swap3A_1340 = arith.constant 112 : index
          %swap3A_1341 = tpu.vector_load %arg11[%swap3A_1339, %swap3A_1340] {strides = array<i32>} : memref<128x128xf32, #tpu.memory_space<vmem>>, vector<1x16xf32>,
          %swap3A_1342 = vector.shape_cast %swap3A_1341 : vector<1x16xf32> to vector<16xf32>
          %swap3A_1343 = vector.shape_cast %mul3A_1338 : vector<16xf32> to vector<1x16xf32>
          tpu.vector_store %arg11[%swap3A_1339, %swap3A_1340], %swap3A_1343 {strides = array<i32>} : memref<128x128xf32, #tpu.memory_space<vmem>>, vector<1x16xf32>,
          %broadcast_in_dim3A_1344 = arith.constant 13 : i32
          %broadcast_in_dim3A_1345 = vector.broadcast %broadcast_in_dim3A_1344 : i32 to vector<16xi32>
          %lt3A_1346 = arith.constant 0 : i32
          %lt3A_1347 = vector.broadcast %lt3A_1346 : i32 to vector<16xi32>
          %lt3A_1348 = arith.cmpi slt, %broadcast_in_dim3A_1345, %lt3A_1347 : vector<16xi32>
          %add3A_1349 = arith.constant 16 : i32
          %add3A_1350 = vector.broadcast %add3A_1349 : i32 to vector<16xi32>
          %add3A_1351 = arith.addi %broadcast_in_dim3A_1345, %add3A_1350 : vector<16xi32>
          %select_n3A_1352 = arith.select %lt3A_1348, %add3A_1351, %broadcast_in_dim3A_1345 : vector<16xi1>, vector<16xi32>
          %reshape3A_1353 = vector.shape_cast %select_n3A_1352 : vector<16xi32> to vector<16x1xi32>
          %gather3A_1354 = vector.shape_cast %reshape3A_1353 : vector<16x1xi32> to vector<16xi32>
          %gather3A_1355 = tpu.dynamic_gather %get3A_99[%gather3A_1354] in [0] : vector<16xf32>, vector<16xi32> -> vector<16xf32>
          %mul3A_1356 = arith.constant 16 : i32
          %mul3A_1357 = arith.muli %add3A_95, %mul3A_1356 : i32
          %add3A_1358 = arith.constant 13 : i32
          %add3A_1359 = arith.addi %mul3A_1357, %add3A_1358 : i32
          %get3A_1360 = arith.index_cast %add3A_1359 : i32 to index
          %get3A_1361 = arith.constant 0 : index
          %get3A_1362 = tpu.vector_load %arg11[%get3A_1360, %get3A_1361] {strides = array<i32>} : memref<128x128xf32, #tpu.memory_space<vmem>>, vector<1x16xf32>,
          %get3A_1363 = vector.shape_cast %get3A_1362 : vector<1x16xf32> to vector<16xf32>
          %mul3A_1364 = arith.mulf %get3A_1363, %gather3A_1355 : vector<16xf32>
          %swap3A_1365 = arith.index_cast %add3A_1359 : i32 to index
          %swap3A_1366 = arith.constant 0 : index
          %swap3A_1367 = tpu.vector_load %arg11[%swap3A_1365, %swap3A_1366] {strides = array<i32>} : memref<128x128xf32, #tpu.memory_space<vmem>>, vector<1x16xf32>,
          %swap3A_1368 = vector.shape_cast %swap3A_1367 : vector<1x16xf32> to vector<16xf32>
          %swap3A_1369 = vector.shape_cast %mul3A_1364 : vector<16xf32> to vector<1x16xf32>
          tpu.vector_store %arg11[%swap3A_1365, %swap3A_1366], %swap3A_1369 {strides = array<i32>} : memref<128x128xf32, #tpu.memory_space<vmem>>, vector<1x16xf32>,
          %get3A_1370 = arith.index_cast %add3A_1359 : i32 to index
          %get3A_1371 = arith.constant 16 : index
          %get3A_1372 = tpu.vector_load %arg11[%get3A_1370, %get3A_1371] {strides = array<i32>} : memref<128x128xf32, #tpu.memory_space<vmem>>, vector<1x16xf32>,
          %get3A_1373 = vector.shape_cast %get3A_1372 : vector<1x16xf32> to vector<16xf32>
          %mul3A_1374 = arith.mulf %get3A_1373, %gather3A_1355 : vector<16xf32>
          %swap3A_1375 = arith.index_cast %add3A_1359 : i32 to index
          %swap3A_1376 = arith.constant 16 : index
          %swap3A_1377 = tpu.vector_load %arg11[%swap3A_1375, %swap3A_1376] {strides = array<i32>} : memref<128x128xf32, #tpu.memory_space<vmem>>, vector<1x16xf32>,
          %swap3A_1378 = vector.shape_cast %swap3A_1377 : vector<1x16xf32> to vector<16xf32>
          %swap3A_1379 = vector.shape_cast %mul3A_1374 : vector<16xf32> to vector<1x16xf32>
          tpu.vector_store %arg11[%swap3A_1375, %swap3A_1376], %swap3A_1379 {strides = array<i32>} : memref<128x128xf32, #tpu.memory_space<vmem>>, vector<1x16xf32>,
          %get3A_1380 = arith.index_cast %add3A_1359 : i32 to index
          %get3A_1381 = arith.constant 32 : index
          %get3A_1382 = tpu.vector_load %arg11[%get3A_1380, %get3A_1381] {strides = array<i32>} : memref<128x128xf32, #tpu.memory_space<vmem>>, vector<1x16xf32>,
          %get3A_1383 = vector.shape_cast %get3A_1382 : vector<1x16xf32> to vector<16xf32>
          %mul3A_1384 = arith.mulf %get3A_1383, %gather3A_1355 : vector<16xf32>
          %swap3A_1385 = arith.index_cast %add3A_1359 : i32 to index
          %swap3A_1386 = arith.constant 32 : index
          %swap3A_1387 = tpu.vector_load %arg11[%swap3A_1385, %swap3A_1386] {strides = array<i32>} : memref<128x128xf32, #tpu.memory_space<vmem>>, vector<1x16xf32>,
          %swap3A_1388 = vector.shape_cast %swap3A_1387 : vector<1x16xf32> to vector<16xf32>
          %swap3A_1389 = vector.shape_cast %mul3A_1384 : vector<16xf32> to vector<1x16xf32>
          tpu.vector_store %arg11[%swap3A_1385, %swap3A_1386], %swap3A_1389 {strides = array<i32>} : memref<128x128xf32, #tpu.memory_space<vmem>>, vector<1x16xf32>,
          %get3A_1390 = arith.index_cast %add3A_1359 : i32 to index
          %get3A_1391 = arith.constant 48 : index
          %get3A_1392 = tpu.vector_load %arg11[%get3A_1390, %get3A_1391] {strides = array<i32>} : memref<128x128xf32, #tpu.memory_space<vmem>>, vector<1x16xf32>,
          %get3A_1393 = vector.shape_cast %get3A_1392 : vector<1x16xf32> to vector<16xf32>
          %mul3A_1394 = arith.mulf %get3A_1393, %gather3A_1355 : vector<16xf32>
          %swap3A_1395 = arith.index_cast %add3A_1359 : i32 to index
          %swap3A_1396 = arith.constant 48 : index
          %swap3A_1397 = tpu.vector_load %arg11[%swap3A_1395, %swap3A_1396] {strides = array<i32>} : memref<128x128xf32, #tpu.memory_space<vmem>>, vector<1x16xf32>,
          %swap3A_1398 = vector.shape_cast %swap3A_1397 : vector<1x16xf32> to vector<16xf32>
          %swap3A_1399 = vector.shape_cast %mul3A_1394 : vector<16xf32> to vector<1x16xf32>
          tpu.vector_store %arg11[%swap3A_1395, %swap3A_1396], %swap3A_1399 {strides = array<i32>} : memref<128x128xf32, #tpu.memory_space<vmem>>, vector<1x16xf32>,
          %get3A_1400 = arith.index_cast %add3A_1359 : i32 to index
          %get3A_1401 = arith.constant 64 : index
          %get3A_1402 = tpu.vector_load %arg11[%get3A_1400, %get3A_1401] {strides = array<i32>} : memref<128x128xf32, #tpu.memory_space<vmem>>, vector<1x16xf32>,
          %get3A_1403 = vector.shape_cast %get3A_1402 : vector<1x16xf32> to vector<16xf32>
          %mul3A_1404 = arith.mulf %get3A_1403, %gather3A_1355 : vector<16xf32>
          %swap3A_1405 = arith.index_cast %add3A_1359 : i32 to index
          %swap3A_1406 = arith.constant 64 : index
          %swap3A_1407 = tpu.vector_load %arg11[%swap3A_1405, %swap3A_1406] {strides = array<i32>} : memref<128x128xf32, #tpu.memory_space<vmem>>, vector<1x16xf32>,
          %swap3A_1408 = vector.shape_cast %swap3A_1407 : vector<1x16xf32> to vector<16xf32>
          %swap3A_1409 = vector.shape_cast %mul3A_1404 : vector<16xf32> to vector<1x16xf32>
          tpu.vector_store %arg11[%swap3A_1405, %swap3A_1406], %swap3A_1409 {strides = array<i32>} : memref<128x128xf32, #tpu.memory_space<vmem>>, vector<1x16xf32>,
          %get3A_1410 = arith.index_cast %add3A_1359 : i32 to index
          %get3A_1411 = arith.constant 80 : index
          %get3A_1412 = tpu.vector_load %arg11[%get3A_1410, %get3A_1411] {strides = array<i32>} : memref<128x128xf32, #tpu.memory_space<vmem>>, vector<1x16xf32>,
          %get3A_1413 = vector.shape_cast %get3A_1412 : vector<1x16xf32> to vector<16xf32>
          %mul3A_1414 = arith.mulf %get3A_1413, %gather3A_1355 : vector<16xf32>
          %swap3A_1415 = arith.index_cast %add3A_1359 : i32 to index
          %swap3A_1416 = arith.constant 80 : index
          %swap3A_1417 = tpu.vector_load %arg11[%swap3A_1415, %swap3A_1416] {strides = array<i32>} : memref<128x128xf32, #tpu.memory_space<vmem>>, vector<1x16xf32>,
          %swap3A_1418 = vector.shape_cast %swap3A_1417 : vector<1x16xf32> to vector<16xf32>
          %swap3A_1419 = vector.shape_cast %mul3A_1414 : vector<16xf32> to vector<1x16xf32>
          tpu.vector_store %arg11[%swap3A_1415, %swap3A_1416], %swap3A_1419 {strides = array<i32>} : memref<128x128xf32, #tpu.memory_space<vmem>>, vector<1x16xf32>,
          %get3A_1420 = arith.index_cast %add3A_1359 : i32 to index
          %get3A_1421 = arith.constant 96 : index
          %get3A_1422 = tpu.vector_load %arg11[%get3A_1420, %get3A_1421] {strides = array<i32>} : memref<128x128xf32, #tpu.memory_space<vmem>>, vector<1x16xf32>,
          %get3A_1423 = vector.shape_cast %get3A_1422 : vector<1x16xf32> to vector<16xf32>
          %mul3A_1424 = arith.mulf %get3A_1423, %gather3A_1355 : vector<16xf32>
          %swap3A_1425 = arith.index_cast %add3A_1359 : i32 to index
          %swap3A_1426 = arith.constant 96 : index
          %swap3A_1427 = tpu.vector_load %arg11[%swap3A_1425, %swap3A_1426] {strides = array<i32>} : memref<128x128xf32, #tpu.memory_space<vmem>>, vector<1x16xf32>,
          %swap3A_1428 = vector.shape_cast %swap3A_1427 : vector<1x16xf32> to vector<16xf32>
          %swap3A_1429 = vector.shape_cast %mul3A_1424 : vector<16xf32> to vector<1x16xf32>
          tpu.vector_store %arg11[%swap3A_1425, %swap3A_1426], %swap3A_1429 {strides = array<i32>} : memref<128x128xf32, #tpu.memory_space<vmem>>, vector<1x16xf32>,
          %get3A_1430 = arith.index_cast %add3A_1359 : i32 to index
          %get3A_1431 = arith.constant 112 : index
          %get3A_1432 = tpu.vector_load %arg11[%get3A_1430, %get3A_1431] {strides = array<i32>} : memref<128x128xf32, #tpu.memory_space<vmem>>, vector<1x16xf32>,
          %get3A_1433 = vector.shape_cast %get3A_1432 : vector<1x16xf32> to vector<16xf32>
          %mul3A_1434 = arith.mulf %get3A_1433, %gather3A_1355 : vector<16xf32>
          %swap3A_1435 = arith.index_cast %add3A_1359 : i32 to index
          %swap3A_1436 = arith.constant 112 : index
          %swap3A_1437 = tpu.vector_load %arg11[%swap3A_1435, %swap3A_1436] {strides = array<i32>} : memref<128x128xf32, #tpu.memory_space<vmem>>, vector<1x16xf32>,
          %swap3A_1438 = vector.shape_cast %swap3A_1437 : vector<1x16xf32> to vector<16xf32>
          %swap3A_1439 = vector.shape_cast %mul3A_1434 : vector<16xf32> to vector<1x16xf32>
          tpu.vector_store %arg11[%swap3A_1435, %swap3A_1436], %swap3A_1439 {strides = array<i32>} : memref<128x128xf32, #tpu.memory_space<vmem>>, vector<1x16xf32>,
          %broadcast_in_dim3A_1440 = arith.constant 14 : i32
          %broadcast_in_dim3A_1441 = vector.broadcast %broadcast_in_dim3A_1440 : i32 to vector<16xi32>
          %lt3A_1442 = arith.constant 0 : i32
          %lt3A_1443 = vector.broadcast %lt3A_1442 : i32 to vector<16xi32>
          %lt3A_1444 = arith.cmpi slt, %broadcast_in_dim3A_1441, %lt3A_1443 : vector<16xi32>
          %add3A_1445 = arith.constant 16 : i32
          %add3A_1446 = vector.broadcast %add3A_1445 : i32 to vector<16xi32>
          %add3A_1447 = arith.addi %broadcast_in_dim3A_1441, %add3A_1446 : vector<16xi32>
          %select_n3A_1448 = arith.select %lt3A_1444, %add3A_1447, %broadcast_in_dim3A_1441 : vector<16xi1>, vector<16xi32>
          %reshape3A_1449 = vector.shape_cast %select_n3A_1448 : vector<16xi32> to vector<16x1xi32>
          %gather3A_1450 = vector.shape_cast %reshape3A_1449 : vector<16x1xi32> to vector<16xi32>
          %gather3A_1451 = tpu.dynamic_gather %get3A_99[%gather3A_1450] in [0] : vector<16xf32>, vector<16xi32> -> vector<16xf32>
          %mul3A_1452 = arith.constant 16 : i32
          %mul3A_1453 = arith.muli %add3A_95, %mul3A_1452 : i32
          %add3A_1454 = arith.constant 14 : i32
          %add3A_1455 = arith.addi %mul3A_1453, %add3A_1454 : i32
          %get3A_1456 = arith.index_cast %add3A_1455 : i32 to index
          %get3A_1457 = arith.constant 0 : index
          %get3A_1458 = tpu.vector_load %arg11[%get3A_1456, %get3A_1457] {strides = array<i32>} : memref<128x128xf32, #tpu.memory_space<vmem>>, vector<1x16xf32>,
          %get3A_1459 = vector.shape_cast %get3A_1458 : vector<1x16xf32> to vector<16xf32>
          %mul3A_1460 = arith.mulf %get3A_1459, %gather3A_1451 : vector<16xf32>
          %swap3A_1461 = arith.index_cast %add3A_1455 : i32 to index
          %swap3A_1462 = arith.constant 0 : index
          %swap3A_1463 = tpu.vector_load %arg11[%swap3A_1461, %swap3A_1462] {strides = array<i32>} : memref<128x128xf32, #tpu.memory_space<vmem>>, vector<1x16xf32>,
          %swap3A_1464 = vector.shape_cast %swap3A_1463 : vector<1x16xf32> to vector<16xf32>
          %swap3A_1465 = vector.shape_cast %mul3A_1460 : vector<16xf32> to vector<1x16xf32>
          tpu.vector_store %arg11[%swap3A_1461, %swap3A_1462], %swap3A_1465 {strides = array<i32>} : memref<128x128xf32, #tpu.memory_space<vmem>>, vector<1x16xf32>,
          %get3A_1466 = arith.index_cast %add3A_1455 : i32 to index
          %get3A_1467 = arith.constant 16 : index
          %get3A_1468 = tpu.vector_load %arg11[%get3A_1466, %get3A_1467] {strides = array<i32>} : memref<128x128xf32, #tpu.memory_space<vmem>>, vector<1x16xf32>,
          %get3A_1469 = vector.shape_cast %get3A_1468 : vector<1x16xf32> to vector<16xf32>
          %mul3A_1470 = arith.mulf %get3A_1469, %gather3A_1451 : vector<16xf32>
          %swap3A_1471 = arith.index_cast %add3A_1455 : i32 to index
          %swap3A_1472 = arith.constant 16 : index
          %swap3A_1473 = tpu.vector_load %arg11[%swap3A_1471, %swap3A_1472] {strides = array<i32>} : memref<128x128xf32, #tpu.memory_space<vmem>>, vector<1x16xf32>,
          %swap3A_1474 = vector.shape_cast %swap3A_1473 : vector<1x16xf32> to vector<16xf32>
          %swap3A_1475 = vector.shape_cast %mul3A_1470 : vector<16xf32> to vector<1x16xf32>
          tpu.vector_store %arg11[%swap3A_1471, %swap3A_1472], %swap3A_1475 {strides = array<i32>} : memref<128x128xf32, #tpu.memory_space<vmem>>, vector<1x16xf32>,
          %get3A_1476 = arith.index_cast %add3A_1455 : i32 to index
          %get3A_1477 = arith.constant 32 : index
          %get3A_1478 = tpu.vector_load %arg11[%get3A_1476, %get3A_1477] {strides = array<i32>} : memref<128x128xf32, #tpu.memory_space<vmem>>, vector<1x16xf32>,
          %get3A_1479 = vector.shape_cast %get3A_1478 : vector<1x16xf32> to vector<16xf32>
          %mul3A_1480 = arith.mulf %get3A_1479, %gather3A_1451 : vector<16xf32>
          %swap3A_1481 = arith.index_cast %add3A_1455 : i32 to index
          %swap3A_1482 = arith.constant 32 : index
          %swap3A_1483 = tpu.vector_load %arg11[%swap3A_1481, %swap3A_1482] {strides = array<i32>} : memref<128x128xf32, #tpu.memory_space<vmem>>, vector<1x16xf32>,
          %swap3A_1484 = vector.shape_cast %swap3A_1483 : vector<1x16xf32> to vector<16xf32>
          %swap3A_1485 = vector.shape_cast %mul3A_1480 : vector<16xf32> to vector<1x16xf32>
          tpu.vector_store %arg11[%swap3A_1481, %swap3A_1482], %swap3A_1485 {strides = array<i32>} : memref<128x128xf32, #tpu.memory_space<vmem>>, vector<1x16xf32>,
          %get3A_1486 = arith.index_cast %add3A_1455 : i32 to index
          %get3A_1487 = arith.constant 48 : index
          %get3A_1488 = tpu.vector_load %arg11[%get3A_1486, %get3A_1487] {strides = array<i32>} : memref<128x128xf32, #tpu.memory_space<vmem>>, vector<1x16xf32>,
          %get3A_1489 = vector.shape_cast %get3A_1488 : vector<1x16xf32> to vector<16xf32>
          %mul3A_1490 = arith.mulf %get3A_1489, %gather3A_1451 : vector<16xf32>
          %swap3A_1491 = arith.index_cast %add3A_1455 : i32 to index
          %swap3A_1492 = arith.constant 48 : index
          %swap3A_1493 = tpu.vector_load %arg11[%swap3A_1491, %swap3A_1492] {strides = array<i32>} : memref<128x128xf32, #tpu.memory_space<vmem>>, vector<1x16xf32>,
          %swap3A_1494 = vector.shape_cast %swap3A_1493 : vector<1x16xf32> to vector<16xf32>
          %swap3A_1495 = vector.shape_cast %mul3A_1490 : vector<16xf32> to vector<1x16xf32>
          tpu.vector_store %arg11[%swap3A_1491, %swap3A_1492], %swap3A_1495 {strides = array<i32>} : memref<128x128xf32, #tpu.memory_space<vmem>>, vector<1x16xf32>,
          %get3A_1496 = arith.index_cast %add3A_1455 : i32 to index
          %get3A_1497 = arith.constant 64 : index
          %get3A_1498 = tpu.vector_load %arg11[%get3A_1496, %get3A_1497] {strides = array<i32>} : memref<128x128xf32, #tpu.memory_space<vmem>>, vector<1x16xf32>,
          %get3A_1499 = vector.shape_cast %get3A_1498 : vector<1x16xf32> to vector<16xf32>
          %mul3A_1500 = arith.mulf %get3A_1499, %gather3A_1451 : vector<16xf32>
          %swap3A_1501 = arith.index_cast %add3A_1455 : i32 to index
          %swap3A_1502 = arith.constant 64 : index
          %swap3A_1503 = tpu.vector_load %arg11[%swap3A_1501, %swap3A_1502] {strides = array<i32>} : memref<128x128xf32, #tpu.memory_space<vmem>>, vector<1x16xf32>,
          %swap3A_1504 = vector.shape_cast %swap3A_1503 : vector<1x16xf32> to vector<16xf32>
          %swap3A_1505 = vector.shape_cast %mul3A_1500 : vector<16xf32> to vector<1x16xf32>
          tpu.vector_store %arg11[%swap3A_1501, %swap3A_1502], %swap3A_1505 {strides = array<i32>} : memref<128x128xf32, #tpu.memory_space<vmem>>, vector<1x16xf32>,
          %get3A_1506 = arith.index_cast %add3A_1455 : i32 to index
          %get3A_1507 = arith.constant 80 : index
          %get3A_1508 = tpu.vector_load %arg11[%get3A_1506, %get3A_1507] {strides = array<i32>} : memref<128x128xf32, #tpu.memory_space<vmem>>, vector<1x16xf32>,
          %get3A_1509 = vector.shape_cast %get3A_1508 : vector<1x16xf32> to vector<16xf32>
          %mul3A_1510 = arith.mulf %get3A_1509, %gather3A_1451 : vector<16xf32>
          %swap3A_1511 = arith.index_cast %add3A_1455 : i32 to index
          %swap3A_1512 = arith.constant 80 : index
          %swap3A_1513 = tpu.vector_load %arg11[%swap3A_1511, %swap3A_1512] {strides = array<i32>} : memref<128x128xf32, #tpu.memory_space<vmem>>, vector<1x16xf32>,
          %swap3A_1514 = vector.shape_cast %swap3A_1513 : vector<1x16xf32> to vector<16xf32>
          %swap3A_1515 = vector.shape_cast %mul3A_1510 : vector<16xf32> to vector<1x16xf32>
          tpu.vector_store %arg11[%swap3A_1511, %swap3A_1512], %swap3A_1515 {strides = array<i32>} : memref<128x128xf32, #tpu.memory_space<vmem>>, vector<1x16xf32>,
          %get3A_1516 = arith.index_cast %add3A_1455 : i32 to index
          %get3A_1517 = arith.constant 96 : index
          %get3A_1518 = tpu.vector_load %arg11[%get3A_1516, %get3A_1517] {strides = array<i32>} : memref<128x128xf32, #tpu.memory_space<vmem>>, vector<1x16xf32>,
          %get3A_1519 = vector.shape_cast %get3A_1518 : vector<1x16xf32> to vector<16xf32>
          %mul3A_1520 = arith.mulf %get3A_1519, %gather3A_1451 : vector<16xf32>
          %swap3A_1521 = arith.index_cast %add3A_1455 : i32 to index
          %swap3A_1522 = arith.constant 96 : index
          %swap3A_1523 = tpu.vector_load %arg11[%swap3A_1521, %swap3A_1522] {strides = array<i32>} : memref<128x128xf32, #tpu.memory_space<vmem>>, vector<1x16xf32>,
          %swap3A_1524 = vector.shape_cast %swap3A_1523 : vector<1x16xf32> to vector<16xf32>
          %swap3A_1525 = vector.shape_cast %mul3A_1520 : vector<16xf32> to vector<1x16xf32>
          tpu.vector_store %arg11[%swap3A_1521, %swap3A_1522], %swap3A_1525 {strides = array<i32>} : memref<128x128xf32, #tpu.memory_space<vmem>>, vector<1x16xf32>,
          %get3A_1526 = arith.index_cast %add3A_1455 : i32 to index
          %get3A_1527 = arith.constant 112 : index
          %get3A_1528 = tpu.vector_load %arg11[%get3A_1526, %get3A_1527] {strides = array<i32>} : memref<128x128xf32, #tpu.memory_space<vmem>>, vector<1x16xf32>,
          %get3A_1529 = vector.shape_cast %get3A_1528 : vector<1x16xf32> to vector<16xf32>
          %mul3A_1530 = arith.mulf %get3A_1529, %gather3A_1451 : vector<16xf32>
          %swap3A_1531 = arith.index_cast %add3A_1455 : i32 to index
          %swap3A_1532 = arith.constant 112 : index
          %swap3A_1533 = tpu.vector_load %arg11[%swap3A_1531, %swap3A_1532] {strides = array<i32>} : memref<128x128xf32, #tpu.memory_space<vmem>>, vector<1x16xf32>,
          %swap3A_1534 = vector.shape_cast %swap3A_1533 : vector<1x16xf32> to vector<16xf32>
          %swap3A_1535 = vector.shape_cast %mul3A_1530 : vector<16xf32> to vector<1x16xf32>
          tpu.vector_store %arg11[%swap3A_1531, %swap3A_1532], %swap3A_1535 {strides = array<i32>} : memref<128x128xf32, #tpu.memory_space<vmem>>, vector<1x16xf32>,
          %broadcast_in_dim3A_1536 = arith.constant 15 : i32
          %broadcast_in_dim3A_1537 = vector.broadcast %broadcast_in_dim3A_1536 : i32 to vector<16xi32>
          %lt3A_1538 = arith.constant 0 : i32
          %lt3A_1539 = vector.broadcast %lt3A_1538 : i32 to vector<16xi32>
          %lt3A_1540 = arith.cmpi slt, %broadcast_in_dim3A_1537, %lt3A_1539 : vector<16xi32>
          %add3A_1541 = arith.constant 16 : i32
          %add3A_1542 = vector.broadcast %add3A_1541 : i32 to vector<16xi32>
          %add3A_1543 = arith.addi %broadcast_in_dim3A_1537, %add3A_1542 : vector<16xi32>
          %select_n3A_1544 = arith.select %lt3A_1540, %add3A_1543, %broadcast_in_dim3A_1537 : vector<16xi1>, vector<16xi32>
          %reshape3A_1545 = vector.shape_cast %select_n3A_1544 : vector<16xi32> to vector<16x1xi32>
          %gather3A_1546 = vector.shape_cast %reshape3A_1545 : vector<16x1xi32> to vector<16xi32>
          %gather3A_1547 = tpu.dynamic_gather %get3A_99[%gather3A_1546] in [0] : vector<16xf32>, vector<16xi32> -> vector<16xf32>
          %mul3A_1548 = arith.constant 16 : i32
          %mul3A_1549 = arith.muli %add3A_95, %mul3A_1548 : i32
          %add3A_1550 = arith.constant 15 : i32
          %add3A_1551 = arith.addi %mul3A_1549, %add3A_1550 : i32
          %get3A_1552 = arith.index_cast %add3A_1551 : i32 to index
          %get3A_1553 = arith.constant 0 : index
          %get3A_1554 = tpu.vector_load %arg11[%get3A_1552, %get3A_1553] {strides = array<i32>} : memref<128x128xf32, #tpu.memory_space<vmem>>, vector<1x16xf32>,
          %get3A_1555 = vector.shape_cast %get3A_1554 : vector<1x16xf32> to vector<16xf32>
          %mul3A_1556 = arith.mulf %get3A_1555, %gather3A_1547 : vector<16xf32>
          %swap3A_1557 = arith.index_cast %add3A_1551 : i32 to index
          %swap3A_1558 = arith.constant 0 : index
          %swap3A_1559 = tpu.vector_load %arg11[%swap3A_1557, %swap3A_1558] {strides = array<i32>} : memref<128x128xf32, #tpu.memory_space<vmem>>, vector<1x16xf32>,
          %swap3A_1560 = vector.shape_cast %swap3A_1559 : vector<1x16xf32> to vector<16xf32>
          %swap3A_1561 = vector.shape_cast %mul3A_1556 : vector<16xf32> to vector<1x16xf32>
          tpu.vector_store %arg11[%swap3A_1557, %swap3A_1558], %swap3A_1561 {strides = array<i32>} : memref<128x128xf32, #tpu.memory_space<vmem>>, vector<1x16xf32>,
          %get3A_1562 = arith.index_cast %add3A_1551 : i32 to index
          %get3A_1563 = arith.constant 16 : index
          %get3A_1564 = tpu.vector_load %arg11[%get3A_1562, %get3A_1563] {strides = array<i32>} : memref<128x128xf32, #tpu.memory_space<vmem>>, vector<1x16xf32>,
          %get3A_1565 = vector.shape_cast %get3A_1564 : vector<1x16xf32> to vector<16xf32>
          %mul3A_1566 = arith.mulf %get3A_1565, %gather3A_1547 : vector<16xf32>
          %swap3A_1567 = arith.index_cast %add3A_1551 : i32 to index
          %swap3A_1568 = arith.constant 16 : index
          %swap3A_1569 = tpu.vector_load %arg11[%swap3A_1567, %swap3A_1568] {strides = array<i32>} : memref<128x128xf32, #tpu.memory_space<vmem>>, vector<1x16xf32>,
          %swap3A_1570 = vector.shape_cast %swap3A_1569 : vector<1x16xf32> to vector<16xf32>
          %swap3A_1571 = vector.shape_cast %mul3A_1566 : vector<16xf32> to vector<1x16xf32>
          tpu.vector_store %arg11[%swap3A_1567, %swap3A_1568], %swap3A_1571 {strides = array<i32>} : memref<128x128xf32, #tpu.memory_space<vmem>>, vector<1x16xf32>,
          %get3A_1572 = arith.index_cast %add3A_1551 : i32 to index
          %get3A_1573 = arith.constant 32 : index
          %get3A_1574 = tpu.vector_load %arg11[%get3A_1572, %get3A_1573] {strides = array<i32>} : memref<128x128xf32, #tpu.memory_space<vmem>>, vector<1x16xf32>,
          %get3A_1575 = vector.shape_cast %get3A_1574 : vector<1x16xf32> to vector<16xf32>
          %mul3A_1576 = arith.mulf %get3A_1575, %gather3A_1547 : vector<16xf32>
          %swap3A_1577 = arith.index_cast %add3A_1551 : i32 to index
          %swap3A_1578 = arith.constant 32 : index
          %swap3A_1579 = tpu.vector_load %arg11[%swap3A_1577, %swap3A_1578] {strides = array<i32>} : memref<128x128xf32, #tpu.memory_space<vmem>>, vector<1x16xf32>,
          %swap3A_1580 = vector.shape_cast %swap3A_1579 : vector<1x16xf32> to vector<16xf32>
          %swap3A_1581 = vector.shape_cast %mul3A_1576 : vector<16xf32> to vector<1x16xf32>
          tpu.vector_store %arg11[%swap3A_1577, %swap3A_1578], %swap3A_1581 {strides = array<i32>} : memref<128x128xf32, #tpu.memory_space<vmem>>, vector<1x16xf32>,
          %get3A_1582 = arith.index_cast %add3A_1551 : i32 to index
          %get3A_1583 = arith.constant 48 : index
          %get3A_1584 = tpu.vector_load %arg11[%get3A_1582, %get3A_1583] {strides = array<i32>} : memref<128x128xf32, #tpu.memory_space<vmem>>, vector<1x16xf32>,
          %get3A_1585 = vector.shape_cast %get3A_1584 : vector<1x16xf32> to vector<16xf32>
          %mul3A_1586 = arith.mulf %get3A_1585, %gather3A_1547 : vector<16xf32>
          %swap3A_1587 = arith.index_cast %add3A_1551 : i32 to index
          %swap3A_1588 = arith.constant 48 : index
          %swap3A_1589 = tpu.vector_load %arg11[%swap3A_1587, %swap3A_1588] {strides = array<i32>} : memref<128x128xf32, #tpu.memory_space<vmem>>, vector<1x16xf32>,
          %swap3A_1590 = vector.shape_cast %swap3A_1589 : vector<1x16xf32> to vector<16xf32>
          %swap3A_1591 = vector.shape_cast %mul3A_1586 : vector<16xf32> to vector<1x16xf32>
          tpu.vector_store %arg11[%swap3A_1587, %swap3A_1588], %swap3A_1591 {strides = array<i32>} : memref<128x128xf32, #tpu.memory_space<vmem>>, vector<1x16xf32>,
          %get3A_1592 = arith.index_cast %add3A_1551 : i32 to index
          %get3A_1593 = arith.constant 64 : index
          %get3A_1594 = tpu.vector_load %arg11[%get3A_1592, %get3A_1593] {strides = array<i32>} : memref<128x128xf32, #tpu.memory_space<vmem>>, vector<1x16xf32>,
          %get3A_1595 = vector.shape_cast %get3A_1594 : vector<1x16xf32> to vector<16xf32>
          %mul3A_1596 = arith.mulf %get3A_1595, %gather3A_1547 : vector<16xf32>
          %swap3A_1597 = arith.index_cast %add3A_1551 : i32 to index
          %swap3A_1598 = arith.constant 64 : index
          %swap3A_1599 = tpu.vector_load %arg11[%swap3A_1597, %swap3A_1598] {strides = array<i32>} : memref<128x128xf32, #tpu.memory_space<vmem>>, vector<1x16xf32>,
          %swap3A_1600 = vector.shape_cast %swap3A_1599 : vector<1x16xf32> to vector<16xf32>
          %swap3A_1601 = vector.shape_cast %mul3A_1596 : vector<16xf32> to vector<1x16xf32>
          tpu.vector_store %arg11[%swap3A_1597, %swap3A_1598], %swap3A_1601 {strides = array<i32>} : memref<128x128xf32, #tpu.memory_space<vmem>>, vector<1x16xf32>,
          %get3A_1602 = arith.index_cast %add3A_1551 : i32 to index
          %get3A_1603 = arith.constant 80 : index
          %get3A_1604 = tpu.vector_load %arg11[%get3A_1602, %get3A_1603] {strides = array<i32>} : memref<128x128xf32, #tpu.memory_space<vmem>>, vector<1x16xf32>,
          %get3A_1605 = vector.shape_cast %get3A_1604 : vector<1x16xf32> to vector<16xf32>
          %mul3A_1606 = arith.mulf %get3A_1605, %gather3A_1547 : vector<16xf32>
          %swap3A_1607 = arith.index_cast %add3A_1551 : i32 to index
          %swap3A_1608 = arith.constant 80 : index
          %swap3A_1609 = tpu.vector_load %arg11[%swap3A_1607, %swap3A_1608] {strides = array<i32>} : memref<128x128xf32, #tpu.memory_space<vmem>>, vector<1x16xf32>,
          %swap3A_1610 = vector.shape_cast %swap3A_1609 : vector<1x16xf32> to vector<16xf32>
          %swap3A_1611 = vector.shape_cast %mul3A_1606 : vector<16xf32> to vector<1x16xf32>
          tpu.vector_store %arg11[%swap3A_1607, %swap3A_1608], %swap3A_1611 {strides = array<i32>} : memref<128x128xf32, #tpu.memory_space<vmem>>, vector<1x16xf32>,
          %get3A_1612 = arith.index_cast %add3A_1551 : i32 to index
          %get3A_1613 = arith.constant 96 : index
          %get3A_1614 = tpu.vector_load %arg11[%get3A_1612, %get3A_1613] {strides = array<i32>} : memref<128x128xf32, #tpu.memory_space<vmem>>, vector<1x16xf32>,
          %get3A_1615 = vector.shape_cast %get3A_1614 : vector<1x16xf32> to vector<16xf32>
          %mul3A_1616 = arith.mulf %get3A_1615, %gather3A_1547 : vector<16xf32>
          %swap3A_1617 = arith.index_cast %add3A_1551 : i32 to index
          %swap3A_1618 = arith.constant 96 : index
          %swap3A_1619 = tpu.vector_load %arg11[%swap3A_1617, %swap3A_1618] {strides = array<i32>} : memref<128x128xf32, #tpu.memory_space<vmem>>, vector<1x16xf32>,
          %swap3A_1620 = vector.shape_cast %swap3A_1619 : vector<1x16xf32> to vector<16xf32>
          %swap3A_1621 = vector.shape_cast %mul3A_1616 : vector<16xf32> to vector<1x16xf32>
          tpu.vector_store %arg11[%swap3A_1617, %swap3A_1618], %swap3A_1621 {strides = array<i32>} : memref<128x128xf32, #tpu.memory_space<vmem>>, vector<1x16xf32>,
          %get3A_1622 = arith.index_cast %add3A_1551 : i32 to index
          %get3A_1623 = arith.constant 112 : index
          %get3A_1624 = tpu.vector_load %arg11[%get3A_1622, %get3A_1623] {strides = array<i32>} : memref<128x128xf32, #tpu.memory_space<vmem>>, vector<1x16xf32>,
          %get3A_1625 = vector.shape_cast %get3A_1624 : vector<1x16xf32> to vector<16xf32>
          %mul3A_1626 = arith.mulf %get3A_1625, %gather3A_1547 : vector<16xf32>
          %swap3A_1627 = arith.index_cast %add3A_1551 : i32 to index
          %swap3A_1628 = arith.constant 112 : index
          %swap3A_1629 = tpu.vector_load %arg11[%swap3A_1627, %swap3A_1628] {strides = array<i32>} : memref<128x128xf32, #tpu.memory_space<vmem>>, vector<1x16xf32>,
          %swap3A_1630 = vector.shape_cast %swap3A_1629 : vector<1x16xf32> to vector<16xf32>
          %swap3A_1631 = vector.shape_cast %mul3A_1626 : vector<16xf32> to vector<1x16xf32>
          tpu.vector_store %arg11[%swap3A_1627, %swap3A_1628], %swap3A_1631 {strides = array<i32>} : memref<128x128xf32, #tpu.memory_space<vmem>>, vector<1x16xf32>,
        }
        %scan3A_90 = arith.constant 8 : i32
        "tpu.region"() ({
          %run_scoped3A = tpu.sem_alloc : memref<!tpu.dma_semaphore, #tpu.memory_space<semaphore_mem>>
          %dma_start3A_91 = arith.constant 0 : i32
          %dma_start3A_92 = arith.constant 0 : i32
          %dma_start3A_93 = tpu.memref_slice %arg12[%dma_start3A_91, %dma_start3A_92] : memref<10000x128xf32, #tpu.memory_space<vmem_shared>> -> memref<10000x128xf32, #tpu.memory_space<vmem_shared>>
          tpu.enqueue_indirect_dma source(%arg11 : memref<128x128xf32, #tpu.memory_space<vmem>>) target(%dma_start3A_93 : memref<10000x128xf32, #tpu.memory_space<vmem_shared>>) offsets(%arg9 : memref<128xi32, #tpu.memory_space<vmem>>) semaphore(%run_scoped3A : memref<!tpu.dma_semaphore, #tpu.memory_space<semaphore_mem>>) {add = true}
          %dma_wait3A_94 = arith.constant 0 : i32
          %dma_wait3A_95 = arith.constant 0 : i32
          %dma_wait3A_96 = tpu.memref_slice %arg12[%dma_wait3A_94, %dma_wait3A_95] : memref<10000x128xf32, #tpu.memory_space<vmem_shared>> -> memref<10000x128xf32, #tpu.memory_space<vmem_shared>>
          tpu.wait_indirect_dma semaphore(%run_scoped3A : memref<!tpu.dma_semaphore, #tpu.memory_space<semaphore_mem>>) src(%arg11 : memref<128x128xf32, #tpu.memory_space<vmem>>) dst(%dma_wait3A_96 : memref<10000x128xf32, #tpu.memory_space<vmem_shared>>)
          tpu.yield
        }) : () -> ()
      } else {
      }
    }
    %scan3A_23 = arith.constant 79 : i32
    %barrier3A_24 = arith.constant 0 : index
    tpu.barrier barrier_id(%barrier3A_24)
    %add3A_25 = arith.constant 0 : i32
    %add3A_26 = arith.addi %mul3A_5, %add3A_25 : i32
    %add3A_27 = arith.constant 0 : i32
    %add3A_28 = arith.addi %mul3A_5, %add3A_27 : i32
    "tpu.region"() ({
      %run_scoped3A = tpu.sem_alloc : memref<!tpu.dma_semaphore, #tpu.memory_space<semaphore_mem>>
      %dma_start3A = arith.constant 0 : i32
      %dma_start3A_51 = tpu.memref_slice %arg7[%arg0, %add3A_28, %dma_start3A] : memref<2x10000x128xf32, #tpu.memory_space<hbm>> -> memref<1x128x128xf32, #tpu.memory_space<hbm>>
      %dma_start3A_52 = tpu.memref_squeeze %dma_start3A_51 : memref<1x128x128xf32, #tpu.memory_space<hbm>> -> memref<128x128xf32, #tpu.memory_space<hbm>>
      %dma_start3A_53 = arith.constant 0 : i32
      %dma_start3A_54 = tpu.memref_slice %arg12[%add3A_26, %dma_start3A_53] : memref<10000x128xf32, #tpu.memory_space<vmem_shared>> -> memref<128x128xf32, #tpu.memory_space<vmem_shared>>
      tpu.enqueue_dma source(%dma_start3A_54 : memref<128x128xf32, #tpu.memory_space<vmem_shared>>) target(%dma_start3A_52 : memref<128x128xf32, #tpu.memory_space<hbm>>) target_semaphore(%run_scoped3A : memref<!tpu.dma_semaphore, #tpu.memory_space<semaphore_mem>>)
      %dma_wait3A = arith.constant 0 : i32
      %dma_wait3A_55 = tpu.memref_slice %arg7[%arg0, %add3A_28, %dma_wait3A] : memref<2x10000x128xf32, #tpu.memory_space<hbm>> -> memref<1x128x128xf32, #tpu.memory_space<hbm>>
      %dma_wait3A_56 = tpu.memref_squeeze %dma_wait3A_55 : memref<1x128x128xf32, #tpu.memory_space<hbm>> -> memref<128x128xf32, #tpu.memory_space<hbm>>
      %dma_wait3A_57 = arith.constant 0 : i32
      %dma_wait3A_58 = tpu.memref_slice %arg12[%add3A_26, %dma_wait3A_57] : memref<10000x128xf32, #tpu.memory_space<vmem_shared>> -> memref<128x128xf32, #tpu.memory_space<vmem_shared>>
      tpu.wait_dma2 semaphore(%run_scoped3A : memref<!tpu.dma_semaphore, #tpu.memory_space<semaphore_mem>>) src(%dma_wait3A_58 : memref<128x128xf32, #tpu.memory_space<vmem_shared>>) dst(%dma_wait3A_56 : memref<128x128xf32, #tpu.memory_space<hbm>>)
      tpu.yield
    }) : () -> ()
    %add3A_29 = arith.constant 128 : i32
    %add3A_30 = arith.addi %mul3A_5, %add3A_29 : i32
    %add3A_31 = arith.constant 128 : i32
    %add3A_32 = arith.addi %mul3A_5, %add3A_31 : i32
    "tpu.region"() ({
      %run_scoped3A = tpu.sem_alloc : memref<!tpu.dma_semaphore, #tpu.memory_space<semaphore_mem>>
      %dma_start3A = arith.constant 0 : i32
      %dma_start3A_51 = tpu.memref_slice %arg7[%arg0, %add3A_32, %dma_start3A] : memref<2x10000x128xf32, #tpu.memory_space<hbm>> -> memref<1x128x128xf32, #tpu.memory_space<hbm>>
      %dma_start3A_52 = tpu.memref_squeeze %dma_start3A_51 : memref<1x128x128xf32, #tpu.memory_space<hbm>> -> memref<128x128xf32, #tpu.memory_space<hbm>>
      %dma_start3A_53 = arith.constant 0 : i32
      %dma_start3A_54 = tpu.memref_slice %arg12[%add3A_30, %dma_start3A_53] : memref<10000x128xf32, #tpu.memory_space<vmem_shared>> -> memref<128x128xf32, #tpu.memory_space<vmem_shared>>
      tpu.enqueue_dma source(%dma_start3A_54 : memref<128x128xf32, #tpu.memory_space<vmem_shared>>) target(%dma_start3A_52 : memref<128x128xf32, #tpu.memory_space<hbm>>) target_semaphore(%run_scoped3A : memref<!tpu.dma_semaphore, #tpu.memory_space<semaphore_mem>>)
      %dma_wait3A = arith.constant 0 : i32
      %dma_wait3A_55 = tpu.memref_slice %arg7[%arg0, %add3A_32, %dma_wait3A] : memref<2x10000x128xf32, #tpu.memory_space<hbm>> -> memref<1x128x128xf32, #tpu.memory_space<hbm>>
      %dma_wait3A_56 = tpu.memref_squeeze %dma_wait3A_55 : memref<1x128x128xf32, #tpu.memory_space<hbm>> -> memref<128x128xf32, #tpu.memory_space<hbm>>
      %dma_wait3A_57 = arith.constant 0 : i32
      %dma_wait3A_58 = tpu.memref_slice %arg12[%add3A_30, %dma_wait3A_57] : memref<10000x128xf32, #tpu.memory_space<vmem_shared>> -> memref<128x128xf32, #tpu.memory_space<vmem_shared>>
      tpu.wait_dma2 semaphore(%run_scoped3A : memref<!tpu.dma_semaphore, #tpu.memory_space<semaphore_mem>>) src(%dma_wait3A_58 : memref<128x128xf32, #tpu.memory_space<vmem_shared>>) dst(%dma_wait3A_56 : memref<128x128xf32, #tpu.memory_space<hbm>>)
      tpu.yield
    }) : () -> ()
    %add3A_33 = arith.constant 256 : i32
    %add3A_34 = arith.addi %mul3A_5, %add3A_33 : i32
    %add3A_35 = arith.constant 256 : i32
    %add3A_36 = arith.addi %mul3A_5, %add3A_35 : i32
    "tpu.region"() ({
      %run_scoped3A = tpu.sem_alloc : memref<!tpu.dma_semaphore, #tpu.memory_space<semaphore_mem>>
      %dma_start3A = arith.constant 0 : i32
      %dma_start3A_51 = tpu.memref_slice %arg7[%arg0, %add3A_36, %dma_start3A] : memref<2x10000x128xf32, #tpu.memory_space<hbm>> -> memref<1x128x128xf32, #tpu.memory_space<hbm>>
      %dma_start3A_52 = tpu.memref_squeeze %dma_start3A_51 : memref<1x128x128xf32, #tpu.memory_space<hbm>> -> memref<128x128xf32, #tpu.memory_space<hbm>>
      %dma_start3A_53 = arith.constant 0 : i32
      %dma_start3A_54 = tpu.memref_slice %arg12[%add3A_34, %dma_start3A_53] : memref<10000x128xf32, #tpu.memory_space<vmem_shared>> -> memref<128x128xf32, #tpu.memory_space<vmem_shared>>
      tpu.enqueue_dma source(%dma_start3A_54 : memref<128x128xf32, #tpu.memory_space<vmem_shared>>) target(%dma_start3A_52 : memref<128x128xf32, #tpu.memory_space<hbm>>) target_semaphore(%run_scoped3A : memref<!tpu.dma_semaphore, #tpu.memory_space<semaphore_mem>>)
      %dma_wait3A = arith.constant 0 : i32
      %dma_wait3A_55 = tpu.memref_slice %arg7[%arg0, %add3A_36, %dma_wait3A] : memref<2x10000x128xf32, #tpu.memory_space<hbm>> -> memref<1x128x128xf32, #tpu.memory_space<hbm>>
      %dma_wait3A_56 = tpu.memref_squeeze %dma_wait3A_55 : memref<1x128x128xf32, #tpu.memory_space<hbm>> -> memref<128x128xf32, #tpu.memory_space<hbm>>
      %dma_wait3A_57 = arith.constant 0 : i32
      %dma_wait3A_58 = tpu.memref_slice %arg12[%add3A_34, %dma_wait3A_57] : memref<10000x128xf32, #tpu.memory_space<vmem_shared>> -> memref<128x128xf32, #tpu.memory_space<vmem_shared>>
      tpu.wait_dma2 semaphore(%run_scoped3A : memref<!tpu.dma_semaphore, #tpu.memory_space<semaphore_mem>>) src(%dma_wait3A_58 : memref<128x128xf32, #tpu.memory_space<vmem_shared>>) dst(%dma_wait3A_56 : memref<128x128xf32, #tpu.memory_space<hbm>>)
      tpu.yield
    }) : () -> ()
    %add3A_37 = arith.constant 384 : i32
    %add3A_38 = arith.addi %mul3A_5, %add3A_37 : i32
    %add3A_39 = arith.constant 384 : i32
    %add3A_40 = arith.addi %mul3A_5, %add3A_39 : i32
    "tpu.region"() ({
      %run_scoped3A = tpu.sem_alloc : memref<!tpu.dma_semaphore, #tpu.memory_space<semaphore_mem>>
      %dma_start3A = arith.constant 0 : i32
      %dma_start3A_51 = tpu.memref_slice %arg7[%arg0, %add3A_40, %dma_start3A] : memref<2x10000x128xf32, #tpu.memory_space<hbm>> -> memref<1x128x128xf32, #tpu.memory_space<hbm>>
      %dma_start3A_52 = tpu.memref_squeeze %dma_start3A_51 : memref<1x128x128xf32, #tpu.memory_space<hbm>> -> memref<128x128xf32, #tpu.memory_space<hbm>>
      %dma_start3A_53 = arith.constant 0 : i32
      %dma_start3A_54 = tpu.memref_slice %arg12[%add3A_38, %dma_start3A_53] : memref<10000x128xf32, #tpu.memory_space<vmem_shared>> -> memref<128x128xf32, #tpu.memory_space<vmem_shared>>
      tpu.enqueue_dma source(%dma_start3A_54 : memref<128x128xf32, #tpu.memory_space<vmem_shared>>) target(%dma_start3A_52 : memref<128x128xf32, #tpu.memory_space<hbm>>) target_semaphore(%run_scoped3A : memref<!tpu.dma_semaphore, #tpu.memory_space<semaphore_mem>>)
      %dma_wait3A = arith.constant 0 : i32
      %dma_wait3A_55 = tpu.memref_slice %arg7[%arg0, %add3A_40, %dma_wait3A] : memref<2x10000x128xf32, #tpu.memory_space<hbm>> -> memref<1x128x128xf32, #tpu.memory_space<hbm>>
      %dma_wait3A_56 = tpu.memref_squeeze %dma_wait3A_55 : memref<1x128x128xf32, #tpu.memory_space<hbm>> -> memref<128x128xf32, #tpu.memory_space<hbm>>
      %dma_wait3A_57 = arith.constant 0 : i32
      %dma_wait3A_58 = tpu.memref_slice %arg12[%add3A_38, %dma_wait3A_57] : memref<10000x128xf32, #tpu.memory_space<vmem_shared>> -> memref<128x128xf32, #tpu.memory_space<vmem_shared>>
      tpu.wait_dma2 semaphore(%run_scoped3A : memref<!tpu.dma_semaphore, #tpu.memory_space<semaphore_mem>>) src(%dma_wait3A_58 : memref<128x128xf32, #tpu.memory_space<vmem_shared>>) dst(%dma_wait3A_56 : memref<128x128xf32, #tpu.memory_space<hbm>>)
      tpu.yield
    }) : () -> ()
    %lt3A_41 = arith.constant 15 : i32
    %lt3A_42 = arith.cmpi slt, %arg1, %lt3A_41 : i32
    %convert_element_type3A_43 = arith.extui %lt3A_42 : i1 to i32
    %cond3A_44 = arith.constant 0 : i32
    %cond3A_45 = arith.cmpi ne, %convert_element_type3A_43, %cond3A_44 : i32
    scf.if %cond3A_45 {
      %add3A_51 = arith.constant 512 : i32
      %add3A_52 = arith.addi %mul3A_5, %add3A_51 : i32
      %add3A_53 = arith.constant 512 : i32
      %add3A_54 = arith.addi %mul3A_5, %add3A_53 : i32
      "tpu.region"() ({
        %run_scoped3A = tpu.sem_alloc : memref<!tpu.dma_semaphore, #tpu.memory_space<semaphore_mem>>
        %dma_start3A = arith.constant 0 : i32
        %dma_start3A_55 = tpu.memref_slice %arg7[%arg0, %add3A_54, %dma_start3A] : memref<2x10000x128xf32, #tpu.memory_space<hbm>> -> memref<1x112x128xf32, #tpu.memory_space<hbm>>
        %dma_start3A_56 = tpu.memref_squeeze %dma_start3A_55 : memref<1x112x128xf32, #tpu.memory_space<hbm>> -> memref<112x128xf32, #tpu.memory_space<hbm>>
        %dma_start3A_57 = arith.constant 0 : i32
        %dma_start3A_58 = tpu.memref_slice %arg12[%add3A_52, %dma_start3A_57] : memref<10000x128xf32, #tpu.memory_space<vmem_shared>> -> memref<112x128xf32, #tpu.memory_space<vmem_shared>>
        tpu.enqueue_dma source(%dma_start3A_58 : memref<112x128xf32, #tpu.memory_space<vmem_shared>>) target(%dma_start3A_56 : memref<112x128xf32, #tpu.memory_space<hbm>>) target_semaphore(%run_scoped3A : memref<!tpu.dma_semaphore, #tpu.memory_space<semaphore_mem>>)
        %dma_wait3A = arith.constant 0 : i32
        %dma_wait3A_59 = tpu.memref_slice %arg7[%arg0, %add3A_54, %dma_wait3A] : memref<2x10000x128xf32, #tpu.memory_space<hbm>> -> memref<1x112x128xf32, #tpu.memory_space<hbm>>
        %dma_wait3A_60 = tpu.memref_squeeze %dma_wait3A_59 : memref<1x112x128xf32, #tpu.memory_space<hbm>> -> memref<112x128xf32, #tpu.memory_space<hbm>>
        %dma_wait3A_61 = arith.constant 0 : i32
        %dma_wait3A_62 = tpu.memref_slice %arg12[%add3A_52, %dma_wait3A_61] : memref<10000x128xf32, #tpu.memory_space<vmem_shared>> -> memref<112x128xf32, #tpu.memory_space<vmem_shared>>
        tpu.wait_dma2 semaphore(%run_scoped3A : memref<!tpu.dma_semaphore, #tpu.memory_space<semaphore_mem>>) src(%dma_wait3A_62 : memref<112x128xf32, #tpu.memory_space<vmem_shared>>) dst(%dma_wait3A_60 : memref<112x128xf32, #tpu.memory_space<hbm>>)
        tpu.yield
      }) : () -> ()
    } else {
    }
    %eq3A_46 = arith.constant 15 : i32
    %eq3A_47 = arith.cmpi eq, %arg1, %eq3A_46 : i32
    %convert_element_type3A_48 = arith.extui %eq3A_47 : i1 to i32
    %cond3A_49 = arith.constant 0 : i32
    %cond3A_50 = arith.cmpi ne, %convert_element_type3A_48, %cond3A_49 : i32
    scf.if %cond3A_50 {
      %add3A_51 = arith.constant 512 : i32
      %add3A_52 = arith.addi %mul3A_5, %add3A_51 : i32
      %add3A_53 = arith.constant 512 : i32
      %add3A_54 = arith.addi %mul3A_5, %add3A_53 : i32
      "tpu.region"() ({
        %run_scoped3A = tpu.sem_alloc : memref<!tpu.dma_semaphore, #tpu.memory_space<semaphore_mem>>
        %dma_start3A = arith.constant 0 : i32
        %dma_start3A_55 = tpu.memref_slice %arg7[%arg0, %add3A_54, %dma_start3A] : memref<2x10000x128xf32, #tpu.memory_space<hbm>> -> memref<1x128x128xf32, #tpu.memory_space<hbm>>
        %dma_start3A_56 = tpu.memref_squeeze %dma_start3A_55 : memref<1x128x128xf32, #tpu.memory_space<hbm>> -> memref<128x128xf32, #tpu.memory_space<hbm>>
        %dma_start3A_57 = arith.constant 0 : i32
        %dma_start3A_58 = tpu.memref_slice %arg12[%add3A_52, %dma_start3A_57] : memref<10000x128xf32, #tpu.memory_space<vmem_shared>> -> memref<128x128xf32, #tpu.memory_space<vmem_shared>>
        tpu.enqueue_dma source(%dma_start3A_58 : memref<128x128xf32, #tpu.memory_space<vmem_shared>>) target(%dma_start3A_56 : memref<128x128xf32, #tpu.memory_space<hbm>>) target_semaphore(%run_scoped3A : memref<!tpu.dma_semaphore, #tpu.memory_space<semaphore_mem>>)
        %dma_wait3A = arith.constant 0 : i32
        %dma_wait3A_59 = tpu.memref_slice %arg7[%arg0, %add3A_54, %dma_wait3A] : memref<2x10000x128xf32, #tpu.memory_space<hbm>> -> memref<1x128x128xf32, #tpu.memory_space<hbm>>
        %dma_wait3A_60 = tpu.memref_squeeze %dma_wait3A_59 : memref<1x128x128xf32, #tpu.memory_space<hbm>> -> memref<128x128xf32, #tpu.memory_space<hbm>>
        %dma_wait3A_61 = arith.constant 0 : i32
        %dma_wait3A_62 = tpu.memref_slice %arg12[%add3A_52, %dma_wait3A_61] : memref<10000x128xf32, #tpu.memory_space<vmem_shared>> -> memref<128x128xf32, #tpu.memory_space<vmem_shared>>
        tpu.wait_dma2 semaphore(%run_scoped3A : memref<!tpu.dma_semaphore, #tpu.memory_space<semaphore_mem>>) src(%dma_wait3A_62 : memref<128x128xf32, #tpu.memory_space<vmem_shared>>) dst(%dma_wait3A_60 : memref<128x128xf32, #tpu.memory_space<hbm>>)
        tpu.yield
      }) : () -> ()
    } else {
    }
    return
  }
}

</mosaic_0001>

<sc_bundles>
// kernel: kernel.3.cloned.1.call-start
scs
__scs_entry_jumppad:
0x0: {  	(pc) =	sbr.rel $0x88, $3  }
0x1: {  	(tag) =	ssettag $0x0;
	lr =	simm.s32 $0x1  }
0x2: {  	[smem:$0x3F9D] =	sst lr;
	_ =	strace $0xD0000000  }
0x3: {  	_ = 	snop  }
0x4: {  	_ = 	snop  }
0x5: {  	_ = 	snop  }
0x6: {  	_ = 	snop  }
0x7: {  	_ = 	snop  }
__scs_overlays_trampoline_lowered:
0x8: {  	[smem:$0x3FAC] =	sst s0  }
0x9: {  	[smem:$0x3FAD] =	sst s1  }
0xa: {  	[smem:$0x3FAE] =	sst s2  }
0xb: {  	[smem:$0x3FAF] =	sst s3  }
0xc: {  	[smem:$0x3FB0] =	sst s4  }
0xd: {  	[smem:$0x3FB1] =	sst s5  }
0xe: {  	[smem:$0x3FB2] =	sst s6  }
0xf: {  	[smem:$0x3FB3] =	sst s7  }
0x10: {  	[smem:$0x3FB4] =	sst s8  }
0x11: {  	[smem:$0x3FB5] =	sst s9;
	s0 =	simm.s32 @!p0 $0x0  }
0x12: {  	s1 =	sld [smem:$0x3F9B];
	s0 =	simm.s32 @p0 $0x1  }
0x13: {  	[smem:$0x3FB6] =	sst s0;
	s0 =	simm.s32 @!p1 $0x0  }
0x14: {  	s2 =	sld [smem:$0x3F9A];
	s0 =	simm.s32 @p1 $0x1  }
0x15: {  	[smem:$0x3FB7] =	sst s0;
	s0 =	simm.s32 @!p2 $0x0  }
0x16: {  	s3 =	sld [smem:$0x3FDB];
	s0 =	simm.s32 @p2 $0x1  }
0x17: {  	s4 =	simm.s32 $0x1BF5;
	[smem:$0x3FB9] =	sst s0  }
0x18: {  	s0 =	sld [smem:$0x3F9C];
	_ =	swait.ge [sflag:s4], $0x0  }
0x19: {  	s7 =	sld [smem:$0x3F9D]  }
0x1a: {  	s8 =	sadd.s32 $0xFFFFE003, lr  }
0x1b: {  	s9 =	sadd.s32 $0xFFFFFEF7, lr;
	s5 =	simm.s32 $0xFFFFFFFF;
	p2 =	slt.u32 s8, $0xFFFFF086  }
0x1c: {  	p1 =	slt.u32 s9, $0xF7A;
	s5 =	simm.s32 @!p2 $0x0  }
0x1d: {  	s5 =	simm.s32 @p1 $0x1;
	p0 =	seq.s32 s7, s2  }
0x1e: {  	s7 =	smul.u32 @!p0 $0xF7A, s2;
	p2 =	seq.s32 @!p0 s5, $0x0  }
0x1f: {  	s9 =	smul.u32 $0xF7A, s1;
	s8 =	simm.s32 @!p0 $0x1BF5;
	p2 =	por !p2, p0  }
0x20: {  	[sflag:s8] =	ssyncset.s32 @!p0 $0xFFFFF086;
	s6 =	sadd.s32 @!p0 s3, s7;
	s7 =	simm.s32 @!p0 $0x108  }
0x21: {  	s3 =	sadd.s32 s3, s9;
	s6 =	sadd.s32 @!p0 $0x88, s6;
	s7 =	simm.s32 @p2 $0x1082  }
0x22: {  	[simem:s7], [sflag:s8] =	dma.local @!p0 [hbm:s6], $0xF7A  }
0x23: {  	s9 =	sor.u32 $0xD0000000, s2;
	s6 =	simm.s32 $0x108;
	_ =	swait.ge @!p0 [sflag:s8], $0x0  }
0x24: {  	s3 =	sadd.s32 $0x88, s3;
	s6 =	simm.s32 @!p1 $0x1082;
	[sflag:s4] =	ssyncset.s32 $0xFFFFF086  }
0x25: {  	[simem:s6], [sflag:s4] =	dma.local [hbm:s3], $0xF7A  }
0x26: {  	[smem:$0x3F9D] =	sst s1;
	(tag) =	ssettag s2;
	_ =	strace s9  }
0x27: {  	s1 =	sld [smem:$0x3FAD]  }
0x28: {  	s2 =	sld [smem:$0x3FAE]  }
0x29: {  	s4 =	sld [smem:$0x3FB0]  }
0x2a: {  	p0 =	seq.s32 s5, $0x0;
	s5 =	sld [smem:$0x3FB1]  }
0x2b: {  	s6 =	sld [smem:$0x3FB2]  }
0x2c: {  	s7 =	sld [smem:$0x3FB3]  }
0x2d: {  	s3 =	simm.s32 $0x108;
	s8 =	sld [smem:$0x3FB4]  }
0x2e: {  	s3 =	simm.s32 @!p0 $0x1082;
	s9 =	sld [smem:$0x3FB5]  }
0x2f: {  	lr =	sadd.s32 s0, s3;
	s0 =	sld [smem:$0x3FAC]  }
0x30: {  	s3 =	sld [smem:$0x3FAF]  }
0x31: {  	[smem:$0x3FB8] =	sst s10  }
0x32: {  	s10 =	sld [smem:$0x3FB6];
	_ =	sdelay $0x3  }
0x33: {  	p0 =	seq.s32 s10, $0x1;
	s10 =	sld [smem:$0x3FB8];
	_ =	sdelay $0x3  }
0x34: {  	[smem:$0x3FB8] =	sst s10  }
0x35: {  	s10 =	sld [smem:$0x3FB7];
	_ =	sdelay $0x3  }
0x36: {  	p1 =	seq.s32 s10, $0x1;
	s10 =	sld [smem:$0x3FB8];
	_ =	sdelay $0x3  }
0x37: {  	[smem:$0x3FB8] =	sst s10  }
0x38: {  	s10 =	sld [smem:$0x3FB9]  }
0x39: {  	_ = 	snop;
	(pc) =	sbr.ind lr, $3  }
0x3a: {  	_ = 	snop  }
0x3b: {  	_ = 	snop  }
0x3c: {  	p2 =	seq.s32 s10, $0x1;
	s10 =	sld [smem:$0x3FB8]  }
0x3d: {  	_ =	shalt  }
0x3e: {  	_ =	shalt  }
0x3f: {  	_ =	shalt  }
0x40: {  	_ =	shalt  }
0x41: {  	_ =	shalt  }
0x42: {  	_ =	shalt  }
0x43: {  	_ =	shalt  }
0x44: {  	_ =	shalt  }
0x45: {  	_ =	shalt  }
0x46: {  	_ =	shalt  }
0x47: {  	_ =	shalt  }
0x48: {  	_ =	shalt  }
0x49: {  	_ =	shalt  }
0x4a: {  	_ =	shalt  }
0x4b: {  	_ =	shalt  }
0x4c: {  	_ =	shalt  }
0x4d: {  	_ =	shalt  }
0x4e: {  	_ =	shalt  }
0x4f: {  	_ =	shalt  }
0x50: {  	_ =	shalt  }
0x51: {  	_ =	shalt  }
0x52: {  	_ =	shalt  }
0x53: {  	_ =	shalt  }
0x54: {  	_ =	shalt  }
0x55: {  	_ =	shalt  }
0x56: {  	_ =	shalt  }
0x57: {  	_ =	shalt  }
0x58: {  	_ =	shalt  }
0x59: {  	_ =	shalt  }
0x5a: {  	_ =	shalt  }
0x5b: {  	_ =	shalt  }
0x5c: {  	_ =	shalt  }
0x5d: {  	_ =	shalt  }
0x5e: {  	_ =	shalt  }
0x5f: {  	_ =	shalt  }
0x60: {  	_ =	shalt  }
0x61: {  	_ =	shalt  }
0x62: {  	_ =	shalt  }
0x63: {  	_ =	shalt  }
0x64: {  	_ =	shalt  }
0x65: {  	_ =	shalt  }
0x66: {  	_ =	shalt  }
0x67: {  	_ =	shalt  }
0x68: {  	_ =	shalt  }
0x69: {  	_ =	shalt  }
0x6a: {  	_ =	shalt  }
0x6b: {  	_ =	shalt  }
0x6c: {  	_ =	shalt  }
0x6d: {  	_ =	shalt  }
0x6e: {  	_ =	shalt  }
0x6f: {  	_ =	shalt  }
0x70: {  	_ =	shalt  }
0x71: {  	_ =	shalt  }
0x72: {  	_ =	shalt  }
0x73: {  	_ =	shalt  }
0x74: {  	_ =	shalt  }
0x75: {  	_ =	shalt  }
0x76: {  	_ =	shalt  }
0x77: {  	_ =	shalt  }
0x78: {  	_ =	shalt  }
0x79: {  	_ =	shalt  }
0x7a: {  	_ =	shalt  }
0x7b: {  	_ =	shalt  }
0x7c: {  	_ =	shalt  }
0x7d: {  	_ =	shalt  }
0x7e: {  	_ =	shalt  }
0x7f: {  	_ =	shalt  }
0x80: {  	_ =	shalt  }
0x81: {  	_ =	shalt  }
0x82: {  	_ =	shalt  }
0x83: {  	_ =	shalt  }
0x84: {  	_ =	shalt  }
0x85: {  	_ =	shalt  }
0x86: {  	_ =	shalt  }
0x87: {  	_ =	shalt  }
.Lfunc_end0:
.L_simem_size_0:
called_computation_lowered:
.L_overlay_start_0:
0x88: {  	s2 =	sld [smem:$0x3FD9]  }
0x89: {  	s3 =	sld [smem:$0x3FFE];
	_ =	sdelay $0x1  }
0x8a: {  	s1 =	srdreg.scid  }
0x8b: {  	s0 =	sand.u32 $0x1, s1  }
0x8c: {  	s17 =	sshll.u32 s0, $0xA;
	s2 =	sadd.s32 s3, s2  }
0x8d: {  	s2 =	sadd.s32 s2, s17  }
0x8e: {  	[smem:$0x3FC4] =	sst s2  }
0x8f: {  	_ = 	snop  }
0x90: {  	s2 =	sld [smem:$0x3FC9]  }
0x91: {  	s18 =	sld [smem:$0x3FC8]  }
0x92: {  	s4 =	sld [smem:$0x3FC7]  }
0x93: {  	s5 =	sld [smem:$0x3FD0];
	(tm) =	ssettm $0x1  }
0x94: {  	s6 =	sld [smem:$0x3FFB];
	_ =	sdelay $0x3  }
0x95: {  	_ =	strace s6  }
0x96: {  	s6 =	sld [smem:$0x3FFC];
	_ =	sdelay $0x3  }
0x97: {  	_ =	strace s6  }
0x98: {  	s6 =	sld [smem:$0x3FFD];
	_ =	sdelay $0x3  }
0x99: {  	_ =	strace s6  }
0x9a: {  	_ =	strace $0x8FFFFFFF  }
0x9b: {  	s19 =	sld [smem:$0x3FDB];
	_ =	sdelay $0x1  }
0x9c: {  	s7 =	simm.s32 $_scs_section_size  }
0x9d: {  	s8 =	simm.s32 $_size__tile_overlayer_lowered;
	s9 =	simm.s32 $_tile_overlayer_lowered  }
0x9e: {  	s22 =	simm.s32 $0x1BFF;
	s21 =	sshll.u32 s9, $0x1;
	s6 =	sadd.s32 s7, s19  }
0x9f: {  	s10 =	simm.s32 $0x0;
	s20 =	sshll.u32 s8, $0x1;
	s8 =	sadd.s32 s21, s6  }
0xa0: {  	[timem:s10], [sflag:s22] =	dma.local [hbm:s8], s20  }
0xa1: {  	_ =	swait.ge [sflag:s22], s20  }
0xa2: {  	s7 =	ssub.s32 $0x0, s20;
	[sflag:s22] =	ssyncset.done $0x0  }
0xa3: {  	[sflag:s22] =	ssyncadd.s32 s7;
	_ =	sdelay $0x1  }
0xa4: {  	s23 =	simm.s32 $0x1B8B  }
0xa5: {  	_ =	swait.ge [sflag:s23], $0x1  }
0xa6: {  	[sflag:s23] =	ssyncset.done $0x0  }
0xa7: {  	s25 =	simm.s32 $0x1B8E;
	s24 =	sld [smem:$0x3FFE];
	[sflag:s23] =	ssyncadd.s32 $0xFFFFFFFF  }
0xa8: {  	s26 =	simm.s32 $execute0_lowered;
	[smem:$0x3FD2] =	sst s25  }
0xa9: {  	s8 =	sshll.u32 s26, $0x1;
	_ =	strace $0x80000046;
	[dreg:$0x1] =	wrdreg $0xFFFFFFFF  }
0xaa: {  	s28 =	simm.s32 $_size_execute0_lowered;
	s6 =	sadd.s32 s6, s8;
	[dreg:$0x0] =	wrdreg $0x0  }
0xab: {  	s8 =	sshll.u32 s28, $0x1;
	[dreg:$0x2] =	wrdreg s6  }
0xac: {  	[dreg:$0x3] =	wrdreg s8  }
0xad: {  	[dreg:$0x4] =	wrdreg $0xC0  }
0xae: {  	_ =	task [dreg:s10], $0x5FFFF  }
0xaf: {  	[dreg:$0x1] =	wrdreg $0xFFFFFFFF  }
0xb0: {  	[dreg:$0x0] =	wrdreg $0x60  }
0xb1: {  	[dreg:$0x2] =	wrdreg s2  }
0xb2: {  	[dreg:$0x3] =	wrdreg s18  }
0xb3: {  	[dreg:$0x4] =	wrdreg s4  }
0xb4: {  	[dreg:$0x5] =	wrdreg s24  }
0xb5: {  	[dreg:$0x6] =	wrdreg s5  }
0xb6: {  	[dreg:$0x7] =	wrdreg $0x41800  }
0xb7: {  	[dreg:$0x8] =	wrdreg $0x9  }
0xb8: {  	_ =	task.clear_ibuf [dreg:s10], $0x9FFFF;
	_ =	strace $0x90000046  }
0xb9: {  	s29 =	simm.s32 $0x9;
	_ =	strace $0x80000048  }
0xba: {  	_ =	swait.ge [sflag:s29], $0x1  }
0xbb: {  	[sflag:s29] =	ssyncadd.s32 $0xFFFFFFFF  }
0xbc: {  	_ =	strace $0x90000048  }
0xbd: {  	_ =	sfence  }
0xbe: {  	s30 =	sld [smem:$0x0];
	_ =	sdelay $0x2  }
0xbf: {  	s31 =	sshll.u32 s1, $0xD;
	s1 =	sshrl.u32 s1, $0x2  }
0xc0: {  	s3 =	sand.u32 $0x4000, s31;
	s1 =	sadd.s32 s1, s30  }
0xc1: {  	s0 =	sor.u32 s3, s0;
	s1 =	sshll.u32 s1, $0x11  }
0xc2: {  	s0 =	sor.u32 s1, s0  }
0xc3: {  	s0 =	sadd.s32 $0x8F2B, s0  }
0xc4: {  	[sflag:s0] =	ssyncadd.remote.s32 $0x1  }
0xc5: {  	_ =	sfence.sel $0xFFFF  }
0xc6: {  	[dreg:$0x0] =	wrdreg $0xFFFFFFFF;
	(pc) =	sbr.abs _section_cstart, $3  }
0xc7: {  	[dreg:$0x1] =	wrdreg $0xFFFFFFFF  }
0xc8: {  	_ =	task.clear_ibuf [dreg:s10], $0x2FFFF;
	_ =	strace $0x9FFFFFFF  }
0xc9: {  	(tm) =	ssettm $0x7FFFFFFF  }
tec
execute0_lowered:
.L_overlay_start_1:
0x0: {  	(tag) =	ssettag $0x1  }
0x1: {  	s1 =	rddreg [dreg:$0x0]  }
0x2: {  	s2 =	rddreg [dreg:$0x1]  }
0x3: {  	s3 =	rddreg [dreg:$0x2]  }
0x4: {  	s20 =	rddreg [dreg:$0x3]  }
0x5: {  	s18 =	rddreg [dreg:$0x4]  }
0x6: {  	s5 =	rddreg [dreg:$0x5]  }
0x7: {  	s7 =	srdreg.scid;
	s4 =	stileid.u32  }
0x8: {  	s6 =	simm.s32 $0x0;
	s23 =	simm.s32 $0x80;
	s24 =	simm.s32 $0x100  }
0x9: {  	s28 =	simm.s32 $0x1;
	s13 =	sand.u32 $0x1, s7;
	s25 =	smul.u32 $0x4E000, s4  }
0xa: {  	[smem:$0x7FF] =	sst s6;
	s15 =	smul.u32 $0x13800, s4;
	s12 =	sadd.s32 $0x134800, s5  }
0xb: {  	s8 =	ssub.s32 $0x2, s13;
	_ =	strace $0x80000047;
	s21 =	smul.u32 $0x138800, s13  }
0xc: {  	p0 =	seq.s32 s13, $0x1;
	s9 =	sshrl.u32 s8, $0x1;
	s7 =	sshrl.u32 s25, $0x2  }
0xd: {  	s14 =	sadd.s32 $0x4000, s15;
	s16 =	sadd.s32 $0x8000, s15;
	s17 =	sadd.s32 $0xC000, s15  }
0xe: {  	s26 =	sadd.s32 $0x10000, s15;
	s19 =	ssub.s32 s8, s9;
	s7 =	sadd.s32 s7, s5  }
0xf: {  	s8 =	sadd.s32 s14, s5;
	s9 =	sadd.s32 s16, s5;
	s10 =	sadd.s32 s17, s5  }
0x10: {  	s22 =	sadd.s32 s15, s21;
	s14 =	sadd.s32 s21, s14;
	s16 =	sadd.s32 s21, s16  }
0x11: {  	s30 =	sadd.s32 s21, s17;
	s31 =	sadd.s32 s21, s26;
	s21 =	sshrl.u32 s21, $0x3  }
0x12: {  	s25 =	sadd.s32 s26, s5;
	s26 =	simm.s32 $0x2;
	s11 =	sadd.s32 $0x10000, s7  }
0x13: {  	s22 =	sshrl.u32 s22, $0x3;
	s14 =	sshrl.u32 s14, $0x3;
	s29 =	sshrl.u32 s16, $0x3  }
0x14: {  	v0 =	vimm.f32 $0.0e+00;
	v1 =	vimm.s32 $0x0;
	s16 =	sshrl.u32 s30, $0x3;
	s17 =	sshrl.u32 s31, $0x3;
	s19 =	smax.u32 s19, $0x1  }
.Ltmp0:
0x15: {  	v2 =	vimm.s32 $0x1;
	v3 =	vimm.s32 $0x2;
	v4 =	vimm.s32 $0x3;
	s13 =	sadd.s32 s18, s22;
	s14 =	sadd.s32 s18, s14;
	(pc) =	sbr.rel .LBB2_1-.Ltmp0, $4  }
0x16: {  	v5 =	vimm.s32 $0x4;
	v6 =	vimm.s32 $0x5;
	v7 =	vimm.s32 $0x6;
	s15 =	sadd.s32 s18, s29;
	s16 =	sadd.s32 s18, s16;
	s17 =	sadd.s32 s18, s17  }
0x17: {  	v8 =	vimm.s32 $0x7;
	v9 =	vimm.s32 $0x8;
	v10 =	vimm.s32 $0x9;
	s18 =	sadd.s32 s18, s21;
	s21 =	simm.s32 $0x600;
	s22 =	simm.s32 $0x3  }
0x18: {  	v11 =	vimm.s32 $0xA;
	v12 =	vimm.s32 $0xB;
	v13 =	vimm.s32 $0xC;
	s18 =	sadd.s32 $0x26900, s18;
	s21 =	simm.s32 @!p0 $0x27800;
	p0 =	seq.s32 s4, $0xF  }
0x19: {  	v14 =	vimm.s32 $0xD;
	v15 =	vimm.s32 $0xE;
	v16 =	vimm.s32 $0xF;
	s20 =	sadd.s32 s21, s20;
	s21 =	simm.s32 $0x180;
	s25 =	sshrl.u32 @!p0 s25, $0x3  }
.LBB2_9:
0x1a: {  	s0 =	sshll.u32 s4, $0x6  }
0x1b: {  	[bflag:$0x0] =	sbarrier.arrive $0xFFFF;
	s29 =	sshrl.u32 s7, $0x3;
	s0 =	sor.u32 $0x1C03, s0  }
0x1c: {  	[hbm:s13], [sflag:s0] =	dma.local [spmem:s29], $0x800  }
0x1d: {  	_ =	swait.ge [sflag:s22], $0x800  }
0x1e: {  	[sflag:s22] =	ssyncset.done $0x0  }
0x1f: {  	s31 =	sshrl.u32 s8, $0x3;
	[sflag:s22] =	ssyncadd.s32 $0xFFFFF800  }
0x20: {  	[hbm:s14], [sflag:s0] =	dma.local [spmem:s31], $0x800  }
0x21: {  	_ =	swait.ge [sflag:s22], $0x800  }
0x22: {  	[sflag:s22] =	ssyncset.done $0x0  }
0x23: {  	s30 =	sshrl.u32 s9, $0x3;
	[sflag:s22] =	ssyncadd.s32 $0xFFFFF800  }
0x24: {  	[hbm:s15], [sflag:s0] =	dma.local [spmem:s30], $0x800  }
0x25: {  	_ =	swait.ge [sflag:s22], $0x800  }
0x26: {  	[sflag:s22] =	ssyncset.done $0x0  }
0x27: {  	s31 =	sshrl.u32 s10, $0x3;
	[sflag:s22] =	ssyncadd.s32 $0xFFFFF800  }
0x28: {  	[hbm:s16], [sflag:s0] =	dma.local [spmem:s31], $0x800  }
0x29: {  	_ =	swait.ge [sflag:s22], $0x800  }
0x2a: {  	[sflag:s22] =	ssyncset.done $0x0  }
0x2b: {  	s29 =	sshrl.u32 @p0 s12, $0x3;
	[sflag:s22] =	ssyncadd.s32 $0xFFFFF800  }
0x2c: {  	[hbm:s18], [sflag:s0] =	dma.local @p0 [spmem:s29], $0x800  }
0x2d: {  	s29 =	simm.s32 @p0 $0x3  }
0x2e: {  	_ =	swait.ge @p0 [sflag:s29], $0x800  }
0x2f: {  	s6 =	sadd.s32 $0x1, s6;
	[sflag:s29] =	ssyncset.done @p0 $0x0  }
0x30: {  	p1 =	sne.s32 s6, s19;
	[sflag:s29] =	ssyncadd.s32 @p0 $0xFFFFF800  }
0x31: {  	[hbm:s17], [sflag:s0] =	dma.local @!p0 [spmem:s25], $0x700  }
.Ltmp1:
0x32: {  	_ = 	snop;
	(pc) =	sbr.rel @!p1 .LBB2_10-.Ltmp1, $4  }
0x33: {  	s0 =	simm.s32 @!p0 $0x3  }
0x34: {  	_ =	swait.ge @!p0 [sflag:s0], $0x700  }
0x35: {  	[sflag:s0] =	ssyncset.done @!p0 $0x0  }
0x36: {  	[sflag:s0] =	ssyncadd.s32 @!p0 $0xFFFFF900  }
.LBB2_1:
0x37: {  	s29 =	simm.s32 $0x0;
	s30 =	simm.s32 $0x200  }
.LBB2_2:
0x38: {  	p1 =	sne.s32 s30, $0xFE00;
	[tilespmem:s29+$0x1F0] =	vst v0  }
0x39: {  	[tilespmem:s29+$0x180] =	vst v0  }
0x3a: {  	[tilespmem:s29+$0x190] =	vst v0  }
.Ltmp2:
0x3b: {  	[tilespmem:s29+$0x1A0] =	vst v0;
	(pc) =	sbr.rel @p1 .LBB2_2-.Ltmp2, $4  }
0x3c: {  	[tilespmem:s29+$0x1B0] =	vst v0  }
0x3d: {  	[tilespmem:s29+$0x1C0] =	vst v0  }
0x3e: {  	[tilespmem:s29+$0x1D0] =	vst v0  }
0x3f: {  	[tilespmem:s29+$0x1E0] =	vst v0;
	s29 =	sshra.s32 s30, $0x2;
	s30 =	sadd.s32 $0x200, s30  }
0x40: {  	[tilespmem:s29+$0x1F0] =	vst v0  }
0x41: {  	[tilespmem:s29+$0x180] =	vst v0  }
0x42: {  	[tilespmem:s29+$0x190] =	vst v0  }
0x43: {  	[tilespmem:s29+$0x1A0] =	vst v0  }
0x44: {  	[tilespmem:s29+$0x1B0] =	vst v0  }
0x45: {  	[tilespmem:s29+$0x1C0] =	vst v0  }
0x46: {  	[tilespmem:s29+$0x1D0] =	vst v0  }
0x47: {  	[tilespmem:s29+$0x1E0] =	vst v0  }
0x48: {  	[spmem:s7] =	stream.linear.scatter [tilespmem:s21], [sflag:$0x3], $0x4000, $0x38;
	[tilespmem:$0x17A00] =	vst v63  }
0x49: {  	_ =	swait.ge [sflag:s22], $0x4000  }
0x4a: {  	[sflag:s22] =	ssyncset.done $0x0  }
0x4b: {  	[sflag:s22] =	ssyncadd.s32 $0xFFFFC000  }
0x4c: {  	[spmem:s8] =	stream.linear.scatter [tilespmem:s21], [sflag:$0x3], $0x4000, $0x38;
	[tilespmem:$0x17A00] =	vst v63  }
0x4d: {  	_ =	swait.ge [sflag:s22], $0x4000  }
0x4e: {  	[sflag:s22] =	ssyncset.done $0x0  }
0x4f: {  	[sflag:s22] =	ssyncadd.s32 $0xFFFFC000  }
0x50: {  	[spmem:s9] =	stream.linear.scatter [tilespmem:s21], [sflag:$0x3], $0x4000, $0x38;
	[tilespmem:$0x17A00] =	vst v63  }
0x51: {  	_ =	swait.ge [sflag:s22], $0x4000  }
0x52: {  	[sflag:s22] =	ssyncset.done $0x0  }
0x53: {  	[sflag:s22] =	ssyncadd.s32 $0xFFFFC000  }
0x54: {  	[spmem:s10] =	stream.linear.scatter [tilespmem:s21], [sflag:$0x3], $0x4000, $0x38;
	[tilespmem:$0x17A00] =	vst v63  }
0x55: {  	_ =	swait.ge [sflag:s22], $0x4000  }
0x56: {  	[sflag:s22] =	ssyncset.done $0x0  }
0x57: {  	s29 =	simm.s32 @p0 $0x180;
	[sflag:s22] =	ssyncadd.s32 $0xFFFFC000  }
0x58: {  	[spmem:s12] =	stream.linear.scatter @p0 [tilespmem:s29], [sflag:$0x3], $0x4000, $0x38;
	[tilespmem:$0x17A00] =	vst v63  }
0x59: {  	s29 =	simm.s32 @p0 $0x3  }
0x5a: {  	_ =	swait.ge @p0 [sflag:s29], $0x4000  }
0x5b: {  	[sflag:s29] =	ssyncset.done @p0 $0x0  }
0x5c: {  	[sflag:s29] =	ssyncadd.s32 @p0 $0xFFFFC000;
	s29 =	simm.s32 @!p0 $0x180  }
0x5d: {  	[spmem:s11] =	stream.linear.scatter @!p0 [tilespmem:s29], [sflag:$0x3], $0x3800, $0x38;
	[tilespmem:$0x17A00] =	vst v63  }
0x5e: {  	s29 =	simm.s32 @!p0 $0x3  }
.Ltmp3:
0x5f: {  	_ =	swait.ge @!p0 [sflag:s29], $0x3800;
	(pc) =	sbr.rel .LBB2_4-.Ltmp3, $4  }
0x60: {  	[sflag:s29] =	ssyncset.done @!p0 $0x0  }
0x61: {  	[sflag:s29] =	ssyncadd.s32 @!p0 $0xFFFFC800  }
0x62: {  	[bflag:$0x0] =	sbarrier.arrive $0xFFFF  }
0x63: {  	s29 =	simm.s32 $0x0  }
.LBB2_8:
0x64: {  	s29 =	sadd.s32 $0x1, s29  }
0x65: {  	p1 =	sne.s32 s29, $0x4F  }
.Ltmp4:
0x66: {  	_ = 	snop;
	(pc) =	sbr.rel @!p1 .LBB2_9-.Ltmp4, $1  }
0x67: {  	_ =	sdelay $0x3  }
.LBB2_4:
0x68: {  	s30 =	sshll.u32 s29, $0x4  }
0x69: {  	s30 =	sor.u32 s4, s30  }
0x6a: {  	p1 =	sgt.u32 s30, $0x4E1  }
.Ltmp5:
0x6b: {  	_ = 	snop;
	(pc) =	sbr.rel @p1 .LBB2_8-.Ltmp5, $1  }
0x6c: {  	_ =	sdelay $0x3  }
0x6d: {  	s31 =	sshll.u32 s30, $0x4  }
0x6e: {  	s30 =	simm.s32 $0x0;
	s0 =	sadd.s32 s2, s31  }
0x6f: {  	[tilespmem:s30], [sflag:$0x2] =	stream.linear.gather [hbm4b:s0+s30], $0x80, $0x38;
	[tilespmem:$0x17A00] =	vst v63  }
0x70: {  	s0 =	sadd.s32 s1, s31  }
0x71: {  	[tilespmem:s23], [sflag:$0x2] =	stream.linear.gather [hbm4b:s0+s30], $0x80, $0x38;
	[tilespmem:$0x17A00] =	vst v63  }
0x72: {  	s31 =	sadd.s32 s3, s31  }
0x73: {  	[tilespmem:s24], [sflag:$0x2] =	stream.linear.gather [hbm4b:s31+s30], $0x80, $0x38;
	[tilespmem:$0x17A00] =	vst v63  }
0x74: {  	_ =	swait.ge [sflag:s26], $0x80  }
0x75: {  	[sflag:s26] =	ssyncset.done $0x0  }
0x76: {  	[sflag:s26] =	ssyncadd.s32 $0xFFFFFF80  }
0x77: {  	_ =	swait.ge [sflag:s26], $0x80  }
0x78: {  	[sflag:s26] =	ssyncset.done $0x0  }
0x79: {  	[sflag:s26] =	ssyncadd.s32 $0xFFFFFF80  }
0x7a: {  	_ =	swait.ge [sflag:s26], $0x80  }
0x7b: {  	[sflag:s26] =	ssyncset.done $0x0  }
0x7c: {  	[sflag:s26] =	ssyncadd.s32 $0xFFFFFF80  }
0x7d: {  	[tilespmem:s21], [sflag:$0x1] =	stream.indirect.gather [hbm4b:s20+s23], $0x80, s30, s23, $0xb8;
	[tilespmem:$0x17A00] =	vst v63  }
0x7e: {  	_ =	swait.ge [sflag:s28], $0x4000  }
0x7f: {  	[sflag:s28] =	ssyncset.done $0x0  }
0x80: {  	[sflag:s28] =	ssyncadd.s32 $0xFFFFC000  }
.LBB2_6:
0x81: {  	s0 =	sshll.u32 s30, $0x4  }
0x82: {  	s0 =	sand.u32 $0x3FFFFFF0, s0  }
0x83: {  	s31 =	sshll.u32 s30, $0xB;
	v17 =	vld [tilespmem:s0+$0x100]  }
0x84: {  	s31 =	sand.u32 $0x3FFFF800, s31  }
0x85: {  	v18 =	vld [tilespmem:s31+$0x180]  }
0x86: {  	v19 =	vld [tilespmem:s31+$0x190]  }
0x87: {  	v20 =	vld [tilespmem:s31+$0x1A0]  }
0x88: {  	v22 =	vld [tilespmem:s31+$0x1B0];
	v21 =	vperm.xlane v17, v1  }
0x89: {  	v23 =	vld [tilespmem:s31+$0x1C0]  }
0x8a: {  	v24 =	vld [tilespmem:s31+$0x1D0];
	v18 =	vmul.f32 v18, v21  }
0x8b: {  	v25 =	vld [tilespmem:s31+$0x1E0];
	v19 =	vmul.f32 v19, v21  }
0x8c: {  	v38 =	vld [tilespmem:s31+$0x1F0];
	[tilespmem:s31+$0x180] =	vst v18;
	v18 =	vmul.f32 v20, v21  }
0x8d: {  	v39 =	vld [tilespmem:s31+$0x200];
	[tilespmem:s31+$0x190] =	vst v19;
	v19 =	vmul.f32 v22, v21  }
0x8e: {  	v40 =	vld [tilespmem:s31+$0x210];
	[tilespmem:s31+$0x1A0] =	vst v18;
	v18 =	vmul.f32 v23, v21  }
0x8f: {  	v41 =	vld [tilespmem:s31+$0x220];
	[tilespmem:s31+$0x1B0] =	vst v19;
	v19 =	vmul.f32 v24, v21  }
0x90: {  	v26 =	vld [tilespmem:s31+$0x230];
	v42 =	vperm.xlane v17, v2;
	[tilespmem:s31+$0x1C0] =	vst v18;
	v18 =	vmul.f32 v25, v21  }
0x91: {  	v43 =	vld [tilespmem:s31+$0x240];
	[tilespmem:s31+$0x1D0] =	vst v19;
	v19 =	vmul.f32 v38, v21  }
0x92: {  	v44 =	vld [tilespmem:s31+$0x250];
	[tilespmem:s31+$0x1E0] =	vst v18;
	v18 =	vmul.f32 v39, v42  }
0x93: {  	v45 =	vld [tilespmem:s31+$0x260];
	[tilespmem:s31+$0x1F0] =	vst v19;
	v19 =	vmul.f32 v40, v42  }
0x94: {  	v46 =	vld [tilespmem:s31+$0x270];
	[tilespmem:s31+$0x200] =	vst v18;
	v18 =	vmul.f32 v41, v42  }
0x95: {  	v47 =	vld [tilespmem:s31+$0x280];
	[tilespmem:s31+$0x210] =	vst v19;
	v19 =	vmul.f32 v26, v42  }
0x96: {  	v48 =	vld [tilespmem:s31+$0x290];
	[tilespmem:s31+$0x220] =	vst v18;
	v18 =	vmul.f32 v43, v42  }
0x97: {  	v49 =	vld [tilespmem:s31+$0x2A0];
	[tilespmem:s31+$0x230] =	vst v19;
	v19 =	vmul.f32 v44, v42  }
0x98: {  	v51 =	vld [tilespmem:s31+$0x2B0];
	v50 =	vperm.xlane v17, v3;
	[tilespmem:s31+$0x240] =	vst v18;
	v18 =	vmul.f32 v45, v42  }
0x99: {  	v52 =	vld [tilespmem:s31+$0x2C0];
	[tilespmem:s31+$0x250] =	vst v19;
	v19 =	vmul.f32 v46, v42  }
0x9a: {  	v53 =	vld [tilespmem:s31+$0x2D0];
	[tilespmem:s31+$0x260] =	vst v18;
	v18 =	vmul.f32 v47, v50  }
0x9b: {  	v54 =	vld [tilespmem:s31+$0x2E0];
	[tilespmem:s31+$0x270] =	vst v19;
	v19 =	vmul.f32 v48, v50  }
0x9c: {  	v55 =	vld [tilespmem:s31+$0x2F0];
	[tilespmem:s31+$0x280] =	vst v18;
	v18 =	vmul.f32 v49, v50  }
0x9d: {  	v56 =	vld [tilespmem:s31+$0x300];
	[tilespmem:s31+$0x290] =	vst v19;
	v19 =	vmul.f32 v51, v50  }
0x9e: {  	v57 =	vld [tilespmem:s31+$0x310];
	[tilespmem:s31+$0x2A0] =	vst v18;
	v18 =	vmul.f32 v52, v50  }
0x9f: {  	v58 =	vld [tilespmem:s31+$0x320];
	[tilespmem:s31+$0x2B0] =	vst v19;
	v19 =	vmul.f32 v53, v50  }
0xa0: {  	v60 =	vld [tilespmem:s31+$0x330];
	v59 =	vperm.xlane v17, v4;
	[tilespmem:s31+$0x2C0] =	vst v18;
	v18 =	vmul.f32 v54, v50  }
0xa1: {  	v61 =	vld [tilespmem:s31+$0x340];
	[tilespmem:s31+$0x2D0] =	vst v19;
	v19 =	vmul.f32 v55, v50  }
0xa2: {  	v62 =	vld [tilespmem:s31+$0x350];
	[tilespmem:s31+$0x2E0] =	vst v18;
	v18 =	vmul.f32 v56, v59  }
0xa3: {  	v63 =	vld [tilespmem:s31+$0x360];
	[tilespmem:s31+$0x2F0] =	vst v19;
	v19 =	vmul.f32 v57, v59  }
0xa4: {  	v28 =	vld [tilespmem:s31+$0x370];
	[tilespmem:s31+$0x300] =	vst v18;
	v18 =	vmul.f32 v58, v59  }
0xa5: {  	v29 =	vld [tilespmem:s31+$0x380];
	[tilespmem:s31+$0x310] =	vst v19;
	v19 =	vmul.f32 v60, v59  }
0xa6: {  	v30 =	vld [tilespmem:s31+$0x390];
	[tilespmem:s31+$0x320] =	vst v18;
	v18 =	vmul.f32 v61, v59  }
0xa7: {  	v31 =	vld [tilespmem:s31+$0x3A0];
	[tilespmem:s31+$0x330] =	vst v19;
	v19 =	vmul.f32 v62, v59  }
0xa8: {  	v33 =	vld [tilespmem:s31+$0x3B0];
	v32 =	vperm.xlane v17, v5;
	[tilespmem:s31+$0x340] =	vst v18;
	v18 =	vmul.f32 v63, v59  }
0xa9: {  	v34 =	vld [tilespmem:s31+$0x3C0];
	[tilespmem:s31+$0x350] =	vst v19;
	v19 =	vmul.f32 v28, v59  }
0xaa: {  	v35 =	vld [tilespmem:s31+$0x3D0];
	[tilespmem:s31+$0x360] =	vst v18;
	v18 =	vmul.f32 v29, v32  }
0xab: {  	v36 =	vld [tilespmem:s31+$0x3E0];
	[tilespmem:s31+$0x370] =	vst v19;
	v19 =	vmul.f32 v30, v32  }
0xac: {  	v37 =	vld [tilespmem:s31+$0x3F0];
	[tilespmem:s31+$0x380] =	vst v18;
	v18 =	vmul.f32 v31, v32  }
0xad: {  	v38 =	vld [tilespmem:s31+$0x400];
	[tilespmem:s31+$0x390] =	vst v19;
	v19 =	vmul.f32 v33, v32  }
0xae: {  	v39 =	vld [tilespmem:s31+$0x410];
	[tilespmem:s31+$0x3A0] =	vst v18;
	v18 =	vmul.f32 v34, v32  }
0xaf: {  	v40 =	vld [tilespmem:s31+$0x420];
	[tilespmem:s31+$0x3B0] =	vst v19;
	v19 =	vmul.f32 v35, v32  }
0xb0: {  	v41 =	vperm.xlane v17, v6;
	v42 =	vld [tilespmem:s31+$0x430];
	[tilespmem:s31+$0x3C0] =	vst v18;
	v18 =	vmul.f32 v36, v32  }
0xb1: {  	v43 =	vld [tilespmem:s31+$0x440];
	[tilespmem:s31+$0x3D0] =	vst v19;
	v19 =	vmul.f32 v37, v32  }
0xb2: {  	v44 =	vld [tilespmem:s31+$0x450];
	[tilespmem:s31+$0x3E0] =	vst v18;
	v18 =	vmul.f32 v38, v41  }
0xb3: {  	v45 =	vld [tilespmem:s31+$0x460];
	[tilespmem:s31+$0x3F0] =	vst v19;
	v19 =	vmul.f32 v39, v41  }
0xb4: {  	v46 =	vld [tilespmem:s31+$0x470];
	[tilespmem:s31+$0x400] =	vst v18;
	v18 =	vmul.f32 v40, v41  }
0xb5: {  	v47 =	vld [tilespmem:s31+$0x480];
	[tilespmem:s31+$0x410] =	vst v19;
	v19 =	vmul.f32 v42, v41  }
0xb6: {  	v48 =	vld [tilespmem:s31+$0x490];
	[tilespmem:s31+$0x420] =	vst v18;
	v18 =	vmul.f32 v43, v41  }
0xb7: {  	v49 =	vld [tilespmem:s31+$0x4A0];
	[tilespmem:s31+$0x430] =	vst v19;
	v19 =	vmul.f32 v44, v41  }
0xb8: {  	v51 =	vld [tilespmem:s31+$0x4B0];
	v50 =	vperm.xlane v17, v7;
	[tilespmem:s31+$0x440] =	vst v18;
	v18 =	vmul.f32 v45, v41  }
0xb9: {  	v52 =	vld [tilespmem:s31+$0x4C0];
	[tilespmem:s31+$0x450] =	vst v19;
	v19 =	vmul.f32 v46, v41  }
0xba: {  	v53 =	vld [tilespmem:s31+$0x4D0];
	[tilespmem:s31+$0x460] =	vst v18;
	v18 =	vmul.f32 v47, v50  }
0xbb: {  	v54 =	vld [tilespmem:s31+$0x4E0];
	[tilespmem:s31+$0x470] =	vst v19;
	v19 =	vmul.f32 v48, v50  }
0xbc: {  	v55 =	vld [tilespmem:s31+$0x4F0];
	[tilespmem:s31+$0x480] =	vst v18;
	v18 =	vmul.f32 v49, v50  }
0xbd: {  	v56 =	vld [tilespmem:s31+$0x500];
	[tilespmem:s31+$0x490] =	vst v19;
	v19 =	vmul.f32 v51, v50  }
0xbe: {  	v57 =	vld [tilespmem:s31+$0x510];
	[tilespmem:s31+$0x4A0] =	vst v18;
	v18 =	vmul.f32 v52, v50  }
0xbf: {  	v58 =	vld [tilespmem:s31+$0x520];
	[tilespmem:s31+$0x4B0] =	vst v19;
	v19 =	vmul.f32 v53, v50  }
0xc0: {  	v60 =	vld [tilespmem:s31+$0x530];
	v59 =	vperm.xlane v17, v8;
	[tilespmem:s31+$0x4C0] =	vst v18;
	v18 =	vmul.f32 v54, v50  }
0xc1: {  	v61 =	vld [tilespmem:s31+$0x540];
	[tilespmem:s31+$0x4D0] =	vst v19;
	v19 =	vmul.f32 v55, v50  }
0xc2: {  	v62 =	vld [tilespmem:s31+$0x550];
	[tilespmem:s31+$0x4E0] =	vst v18;
	v18 =	vmul.f32 v56, v59  }
0xc3: {  	v63 =	vld [tilespmem:s31+$0x560];
	[tilespmem:s31+$0x4F0] =	vst v19;
	v19 =	vmul.f32 v57, v59  }
0xc4: {  	v28 =	vld [tilespmem:s31+$0x570];
	[tilespmem:s31+$0x500] =	vst v18;
	v18 =	vmul.f32 v58, v59  }
0xc5: {  	v29 =	vld [tilespmem:s31+$0x580];
	[tilespmem:s31+$0x510] =	vst v19;
	v19 =	vmul.f32 v60, v59  }
0xc6: {  	v30 =	vld [tilespmem:s31+$0x590];
	[tilespmem:s31+$0x520] =	vst v18;
	v18 =	vmul.f32 v61, v59  }
0xc7: {  	v31 =	vld [tilespmem:s31+$0x5A0];
	[tilespmem:s31+$0x530] =	vst v19;
	v19 =	vmul.f32 v62, v59  }
0xc8: {  	v33 =	vld [tilespmem:s31+$0x5B0];
	v32 =	vperm.xlane v17, v9;
	[tilespmem:s31+$0x540] =	vst v18;
	v18 =	vmul.f32 v63, v59  }
0xc9: {  	v34 =	vld [tilespmem:s31+$0x5C0];
	[tilespmem:s31+$0x550] =	vst v19;
	v19 =	vmul.f32 v28, v59  }
0xca: {  	v35 =	vld [tilespmem:s31+$0x5D0];
	[tilespmem:s31+$0x560] =	vst v18;
	v18 =	vmul.f32 v29, v32  }
0xcb: {  	v36 =	vld [tilespmem:s31+$0x5E0];
	[tilespmem:s31+$0x570] =	vst v19;
	v19 =	vmul.f32 v30, v32  }
0xcc: {  	v37 =	vld [tilespmem:s31+$0x5F0];
	[tilespmem:s31+$0x580] =	vst v18;
	v18 =	vmul.f32 v31, v32  }
0xcd: {  	v38 =	vld [tilespmem:s31+$0x600];
	[tilespmem:s31+$0x590] =	vst v19;
	v19 =	vmul.f32 v33, v32  }
0xce: {  	v39 =	vld [tilespmem:s31+$0x610];
	[tilespmem:s31+$0x5A0] =	vst v18;
	v18 =	vmul.f32 v34, v32  }
0xcf: {  	v40 =	vld [tilespmem:s31+$0x620];
	[tilespmem:s31+$0x5B0] =	vst v19;
	v19 =	vmul.f32 v35, v32  }
0xd0: {  	v42 =	vld [tilespmem:s31+$0x630];
	v41 =	vperm.xlane v17, v10;
	[tilespmem:s31+$0x5C0] =	vst v18;
	v18 =	vmul.f32 v36, v32  }
0xd1: {  	v43 =	vld [tilespmem:s31+$0x640];
	[tilespmem:s31+$0x5D0] =	vst v19;
	v19 =	vmul.f32 v37, v32  }
0xd2: {  	v44 =	vld [tilespmem:s31+$0x650];
	[tilespmem:s31+$0x5E0] =	vst v18;
	v18 =	vmul.f32 v38, v41  }
0xd3: {  	v45 =	vld [tilespmem:s31+$0x660];
	[tilespmem:s31+$0x5F0] =	vst v19;
	v19 =	vmul.f32 v39, v41  }
0xd4: {  	v46 =	vld [tilespmem:s31+$0x670];
	[tilespmem:s31+$0x600] =	vst v18;
	v18 =	vmul.f32 v40, v41  }
0xd5: {  	v47 =	vld [tilespmem:s31+$0x680];
	[tilespmem:s31+$0x610] =	vst v19;
	v19 =	vmul.f32 v42, v41  }
0xd6: {  	v48 =	vld [tilespmem:s31+$0x690];
	[tilespmem:s31+$0x620] =	vst v18;
	v18 =	vmul.f32 v43, v41  }
0xd7: {  	v49 =	vld [tilespmem:s31+$0x6A0];
	[tilespmem:s31+$0x630] =	vst v19;
	v19 =	vmul.f32 v44, v41  }
0xd8: {  	v51 =	vld [tilespmem:s31+$0x6B0];
	v50 =	vperm.xlane v17, v11;
	[tilespmem:s31+$0x640] =	vst v18;
	v18 =	vmul.f32 v45, v41  }
0xd9: {  	v52 =	vld [tilespmem:s31+$0x6C0];
	[tilespmem:s31+$0x650] =	vst v19;
	v19 =	vmul.f32 v46, v41  }
0xda: {  	v53 =	vld [tilespmem:s31+$0x6D0];
	[tilespmem:s31+$0x660] =	vst v18;
	v18 =	vmul.f32 v47, v50  }
0xdb: {  	v54 =	vld [tilespmem:s31+$0x6E0];
	[tilespmem:s31+$0x670] =	vst v19;
	v19 =	vmul.f32 v48, v50  }
0xdc: {  	v55 =	vld [tilespmem:s31+$0x6F0];
	[tilespmem:s31+$0x680] =	vst v18;
	v18 =	vmul.f32 v49, v50  }
0xdd: {  	v56 =	vld [tilespmem:s31+$0x700];
	[tilespmem:s31+$0x690] =	vst v19;
	v19 =	vmul.f32 v51, v50  }
0xde: {  	v57 =	vld [tilespmem:s31+$0x710];
	[tilespmem:s31+$0x6A0] =	vst v18;
	v18 =	vmul.f32 v52, v50  }
0xdf: {  	v58 =	vld [tilespmem:s31+$0x720];
	[tilespmem:s31+$0x6B0] =	vst v19;
	v19 =	vmul.f32 v53, v50  }
0xe0: {  	v60 =	vld [tilespmem:s31+$0x730];
	v59 =	vperm.xlane v17, v12;
	[tilespmem:s31+$0x6C0] =	vst v18;
	v18 =	vmul.f32 v54, v50  }
0xe1: {  	v61 =	vld [tilespmem:s31+$0x740];
	[tilespmem:s31+$0x6D0] =	vst v19;
	v19 =	vmul.f32 v55, v50  }
0xe2: {  	v62 =	vld [tilespmem:s31+$0x750];
	[tilespmem:s31+$0x6E0] =	vst v18;
	v18 =	vmul.f32 v56, v59  }
0xe3: {  	v63 =	vld [tilespmem:s31+$0x760];
	[tilespmem:s31+$0x6F0] =	vst v19;
	v19 =	vmul.f32 v57, v59  }
0xe4: {  	v28 =	vld [tilespmem:s31+$0x770];
	[tilespmem:s31+$0x700] =	vst v18;
	v18 =	vmul.f32 v58, v59  }
0xe5: {  	v29 =	vld [tilespmem:s31+$0x780];
	[tilespmem:s31+$0x710] =	vst v19;
	v19 =	vmul.f32 v60, v59  }
0xe6: {  	v30 =	vld [tilespmem:s31+$0x790];
	[tilespmem:s31+$0x720] =	vst v18;
	v18 =	vmul.f32 v61, v59  }
0xe7: {  	v31 =	vld [tilespmem:s31+$0x7A0];
	[tilespmem:s31+$0x730] =	vst v19;
	v19 =	vmul.f32 v62, v59  }
0xe8: {  	v33 =	vld [tilespmem:s31+$0x7B0];
	v32 =	vperm.xlane v17, v13;
	[tilespmem:s31+$0x740] =	vst v18;
	v18 =	vmul.f32 v63, v59  }
0xe9: {  	v34 =	vld [tilespmem:s31+$0x7C0];
	[tilespmem:s31+$0x750] =	vst v19;
	v19 =	vmul.f32 v28, v59  }
0xea: {  	v35 =	vld [tilespmem:s31+$0x7D0];
	[tilespmem:s31+$0x760] =	vst v18;
	v18 =	vmul.f32 v29, v32  }
0xeb: {  	v36 =	vld [tilespmem:s31+$0x7E0];
	[tilespmem:s31+$0x770] =	vst v19;
	v19 =	vmul.f32 v30, v32  }
0xec: {  	v37 =	vld [tilespmem:s31+$0x7F0];
	[tilespmem:s31+$0x780] =	vst v18;
	v18 =	vmul.f32 v31, v32  }
0xed: {  	v38 =	vld [tilespmem:s31+$0x800];
	[tilespmem:s31+$0x790] =	vst v19;
	v19 =	vmul.f32 v33, v32  }
0xee: {  	v39 =	vld [tilespmem:s31+$0x810];
	[tilespmem:s31+$0x7A0] =	vst v18;
	v18 =	vmul.f32 v34, v32  }
0xef: {  	v40 =	vld [tilespmem:s31+$0x820];
	[tilespmem:s31+$0x7B0] =	vst v19;
	v19 =	vmul.f32 v35, v32  }
0xf0: {  	v42 =	vld [tilespmem:s31+$0x830];
	v41 =	vperm.xlane v17, v14;
	[tilespmem:s31+$0x7C0] =	vst v18;
	v18 =	vmul.f32 v36, v32  }
0xf1: {  	v43 =	vld [tilespmem:s31+$0x840];
	[tilespmem:s31+$0x7D0] =	vst v19;
	v19 =	vmul.f32 v37, v32  }
0xf2: {  	v44 =	vld [tilespmem:s31+$0x850];
	[tilespmem:s31+$0x7E0] =	vst v18;
	v18 =	vmul.f32 v38, v41  }
0xf3: {  	v45 =	vld [tilespmem:s31+$0x860];
	[tilespmem:s31+$0x7F0] =	vst v19;
	v19 =	vmul.f32 v39, v41  }
0xf4: {  	v46 =	vld [tilespmem:s31+$0x870];
	[tilespmem:s31+$0x800] =	vst v18;
	v18 =	vmul.f32 v40, v41  }
0xf5: {  	v47 =	vld [tilespmem:s31+$0x880];
	[tilespmem:s31+$0x810] =	vst v19;
	v19 =	vmul.f32 v42, v41  }
0xf6: {  	v48 =	vld [tilespmem:s31+$0x890];
	[tilespmem:s31+$0x820] =	vst v18;
	v18 =	vmul.f32 v43, v41  }
0xf7: {  	v49 =	vld [tilespmem:s31+$0x8A0];
	[tilespmem:s31+$0x830] =	vst v19;
	v19 =	vmul.f32 v44, v41  }
0xf8: {  	v51 =	vld [tilespmem:s31+$0x8B0];
	v50 =	vperm.xlane v17, v15;
	[tilespmem:s31+$0x840] =	vst v18;
	v18 =	vmul.f32 v45, v41  }
0xf9: {  	v52 =	vld [tilespmem:s31+$0x8C0];
	[tilespmem:s31+$0x850] =	vst v19;
	v19 =	vmul.f32 v46, v41  }
0xfa: {  	v53 =	vld [tilespmem:s31+$0x8D0];
	[tilespmem:s31+$0x860] =	vst v18;
	v18 =	vmul.f32 v47, v50  }
0xfb: {  	v54 =	vld [tilespmem:s31+$0x8E0];
	[tilespmem:s31+$0x870] =	vst v19;
	v19 =	vmul.f32 v48, v50  }
0xfc: {  	v55 =	vld [tilespmem:s31+$0x8F0];
	[tilespmem:s31+$0x880] =	vst v18;
	v18 =	vmul.f32 v49, v50  }
0xfd: {  	v56 =	vld [tilespmem:s31+$0x900];
	[tilespmem:s31+$0x890] =	vst v19;
	v19 =	vmul.f32 v51, v50  }
0xfe: {  	v57 =	vld [tilespmem:s31+$0x910];
	[tilespmem:s31+$0x8A0] =	vst v18;
	v18 =	vmul.f32 v52, v50  }
0xff: {  	v58 =	vld [tilespmem:s31+$0x920];
	[tilespmem:s31+$0x8B0] =	vst v19;
	v19 =	vmul.f32 v53, v50  }
0x100: {  	v17 =	vperm.xlane v17, v16;
	v59 =	vld [tilespmem:s31+$0x930];
	[tilespmem:s31+$0x8C0] =	vst v18;
	v18 =	vmul.f32 v54, v50  }
0x101: {  	v60 =	vld [tilespmem:s31+$0x940];
	[tilespmem:s31+$0x8D0] =	vst v19;
	v19 =	vmul.f32 v55, v50  }
0x102: {  	v61 =	vld [tilespmem:s31+$0x950];
	[tilespmem:s31+$0x8E0] =	vst v18;
	v18 =	vmul.f32 v56, v17  }
0x103: {  	v62 =	vld [tilespmem:s31+$0x960];
	[tilespmem:s31+$0x8F0] =	vst v19;
	v19 =	vmul.f32 v57, v17  }
0x104: {  	v63 =	vld [tilespmem:s31+$0x970];
	[tilespmem:s31+$0x900] =	vst v18;
	v18 =	vmul.f32 v58, v17  }
0x105: {  	[tilespmem:s31+$0x910] =	vst v19;
	v19 =	vmul.f32 v59, v17  }
0x106: {  	p1 =	sne.s32 s30, $0x7;
	[tilespmem:s31+$0x920] =	vst v18;
	v18 =	vmul.f32 v60, v17  }
.Ltmp6:
0x107: {  	[tilespmem:s31+$0x930] =	vst v19;
	v19 =	vmul.f32 v61, v17;
	(pc) =	sbr.rel @p1 .LBB2_6-.Ltmp6, $4  }
0x108: {  	[tilespmem:s31+$0x940] =	vst v18;
	v18 =	vmul.f32 v62, v17  }
0x109: {  	[tilespmem:s31+$0x950] =	vst v19;
	v17 =	vmul.f32 v63, v17  }
0x10a: {  	[tilespmem:s31+$0x960] =	vst v18  }
0x10b: {  	s30 =	sadd.s32 $0x1, s30;
	[tilespmem:s31+$0x970] =	vst v17  }
.Ltmp7:
0x10c: {  	(pc) =	sbr.rel .LBB2_8-.Ltmp7, $4  }
0x10d: {  	[spmem:s5] =	stream.indirect.scatter.add.f32 [tilespmem:s21], [sflag:$0x3], $0x80, s23, s23, $0xb8;
	[tilespmem:$0x17A00] =	vst v63  }
0x10e: {  	_ =	swait.ge [sflag:s22], $0x4000  }
0x10f: {  	[sflag:s22] =	ssyncset.done $0x0  }
0x110: {  	[sflag:s22] =	ssyncadd.s32 $0xFFFFC000  }
.LBB2_10:
0x111: {  	_ =	sfence.sel $0x180000  }
0x112: {  	[bflag:$0x0] =	sbarrier.arrive $0xFFFF  }
0x113: {  	_ =	strace $0x90000047  }
0x114: {  	[bflag:$0x2] =	sbarrier.arrive $0xFFFF  }
0x115: {  	p0 =	sne.s32 s4, $0x0;
	s0 =	rddreg [dreg:$0x6]  }
0x116: {  	s0 =	sadd.s32 @!p0 $0x100000, s0  }
0x117: {  	[sflag:s0] =	ssyncadd.tile.s32 @!p0 $0x1;
	_ =	shalt  }
.Lfunc_end2:
_tile_overlayer_lowered:
.L_overlay_start_2:
0x118: {  	(tag) =	ssettag $0x2  }
0x119: {  	s0 =	rddreg [dreg:$0x0];
	s2 =	stileid.u32  }
0x11a: {  	s1 =	rddreg [dreg:$0x1];
	p0 =	sne.s32 s2, $0x0  }
0x11b: {  	s3 =	rddreg [dreg:$0x2];
	[bflag:$0x3] =	sbarrier.arrive $0xFFFF;
	s2 =	simm.s32 @!p0 $0x1C03  }
0x11c: {  	[timem:s3], [sflag:s2] =	dma.local @!p0 [hbm:s0], s1  }
0x11d: {  	s0 =	simm.s32 @!p0 $0x3  }
0x11e: {  	_ =	swait.ge @!p0 [sflag:s0], s1  }
0x11f: {  	s1 =	ssub.s32 @!p0 $0x0, s1;
	[sflag:s0] =	ssyncset.done @!p0 $0x0  }
0x120: {  	[sflag:s0] =	ssyncadd.s32 @!p0 s1  }
0x121: {  	[bflag:$0x3] =	sbarrier.arrive $0xFFFF  }
0x122: {  	_ =	shalt  }

</sc_bundles>
